<compile_context>
chip_gen: v7x
topology: tpu7x:2x2x1
jax: 0.10.2.dev20260603
libtpu: 0.0.44.dev20260713+nightly
codegen_flags: <defaults>
</compile_context>

<pallas_src>
import functools

import jax
import jax.numpy as jnp
from jax import lax
from jax.experimental import pallas as pl
from jax.experimental.pallas import tpu as pltpu
from jax.experimental.pallas import tpu_sc as plsc

N = 10000
E = 320000
D_IN = 128
H = 256
C1 = 8
C2 = 32
C3 = 128
G = 64

NC = 2
NS = 16

N_Z = 10240
ROWS_T = N_Z // NS
CHUNK = 128
E_PAD = 327680
EROWS = E_PAD // CHUNK
MROWS = EROWS // NS
DROWS = EROWS // (NS * NC)
GR = 32
GROUPS = MROWS // GR

BN = 512
NB = N_Z // BN


def _sc_mesh():
  return plsc.VectorSubcoreMesh(core_axis_name="c", subcore_axis_name="s")


def _sc_degree(dst2d):

  @functools.partial(
      pl.kernel,
      out_type=jax.ShapeDtypeStruct((NC * N_Z,), jnp.float32),
      mesh=_sc_mesh(),
      scratch_types=[
          pltpu.VMEM_SHARED((N_Z,), jnp.float32),
          pltpu.VMEM((DROWS, CHUNK), jnp.int32),
          pltpu.VMEM((CHUNK,), jnp.float32),
          pltpu.VMEM((ROWS_T,), jnp.float32),
          pltpu.SemaphoreType.DMA,
      ],
  )
  def k(dst_hbm, out_hbm, deg_sh, dst_v, ones_v, st640, ssem):
    c = lax.axis_index("c")
    s = lax.axis_index("s")
    wid = s * NC + c
    one16 = jnp.full((16,), 1.0, jnp.float32)
    zero16 = jnp.zeros((16,), jnp.float32)
    for i in range(CHUNK // 16):
      ones_v[pl.ds(i * 16, 16)] = one16
    for i in range(ROWS_T // 16):
      st640[pl.ds(i * 16, 16)] = zero16
    pltpu.sync_copy(st640, deg_sh.at[pl.ds(s * ROWS_T, ROWS_T)])
    pltpu.sync_copy(dst_hbm.at[pl.ds(wid * DROWS, DROWS), :], dst_v)
    plsc.subcore_barrier()

    for j in range(4):
      pltpu.async_copy(ones_v, deg_sh.at[dst_v.at[j]], ssem, add=True)

    def body(j, carry):
      pltpu.make_async_copy(ones_v, deg_sh.at[dst_v.at[0]], ssem).wait()
      pltpu.async_copy(ones_v, deg_sh.at[dst_v.at[j]], ssem, add=True)
      return carry

    lax.fori_loop(4, DROWS, body, 0)
    for _ in range(4):
      pltpu.make_async_copy(ones_v, deg_sh.at[dst_v.at[0]], ssem).wait()
    plsc.subcore_barrier()

    pltpu.sync_copy(deg_sh.at[pl.ds(s * ROWS_T, ROWS_T)],
                    out_hbm.at[pl.ds(c * N_Z + s * ROWS_T, ROWS_T)])

  return k(dst2d)


def _sc_edge_sum(y, src2d, dst2d, zeros128):

  @functools.partial(
      pl.kernel,
      out_type=jax.ShapeDtypeStruct((NC, N_Z, 128), jnp.float32),
      mesh=_sc_mesh(),
      scratch_types=[
          pltpu.VMEM_SHARED((N_Z, 128), jnp.float32),
          pltpu.VMEM((GR, CHUNK), jnp.int32),
          pltpu.VMEM((GR, CHUNK), jnp.int32),
          pltpu.VMEM((CHUNK, 128), jnp.float32),
          pltpu.VMEM((CHUNK, 128), jnp.float32),
          pltpu.SemaphoreType.DMA,
          pltpu.SemaphoreType.DMA,
          pltpu.SemaphoreType.DMA,
          pltpu.SemaphoreType.DMA,
      ],
  )
  def k(y_hbm, src_hbm, dst_hbm, zeros_hbm, out_hbm,
        z_sh, src_v, dst_v, buf0, buf1, gsem0, gsem1, ssem0, ssem1):
    c = lax.axis_index("c")
    s = lax.axis_index("s")
    pltpu.sync_copy(zeros_hbm.at[pl.ds(s * ROWS_T, ROWS_T), :],
                    z_sh.at[pl.ds(s * ROWS_T, ROWS_T), :])
    plsc.subcore_barrier()
    y2 = y_hbm.at[c]

    def group(g, carry):
      base = s * MROWS + g * GR
      pltpu.sync_copy(src_hbm.at[pl.ds(base, GR), :], src_v)
      pltpu.sync_copy(dst_hbm.at[pl.ds(base, GR), :], dst_v)
      def start_gather(r, buf, gsem):
        hh = CHUNK // 2
        pltpu.async_copy(y2.at[src_v.at[r, pl.ds(0, hh)]],
                         buf.at[pl.ds(0, hh), :], gsem)
        pltpu.async_copy(y2.at[src_v.at[r, pl.ds(hh, hh)]],
                         buf.at[pl.ds(hh, hh), :], gsem)

      def wait_gather(r, buf, gsem):
        pltpu.make_async_copy(y2.at[src_v.at[r]], buf, gsem).wait()

      start_gather(0, buf0, gsem0)
      start_gather(1, buf1, gsem1)

      def pair(jj, carry2):
        r0 = jj * 2
        r1 = r0 + 1
        wait_gather(r0, buf0, gsem0)
        pltpu.async_copy(buf0, z_sh.at[dst_v.at[r0]], ssem0, add=True)
        wait_gather(r1, buf1, gsem1)
        pltpu.async_copy(buf1, z_sh.at[dst_v.at[r1]], ssem1, add=True)
        pltpu.make_async_copy(buf0, z_sh.at[dst_v.at[r0]], ssem0).wait()
        start_gather(r0 + 2, buf0, gsem0)
        pltpu.make_async_copy(buf1, z_sh.at[dst_v.at[r1]], ssem1).wait()
        start_gather(r1 + 2, buf1, gsem1)
        return carry2

      lax.fori_loop(0, GR // 2 - 1, pair, carry)
      r0 = GR - 2
      r1 = GR - 1
      wait_gather(r0, buf0, gsem0)
      pltpu.sync_copy(buf0, z_sh.at[dst_v.at[r0]], add=True)
      wait_gather(r1, buf1, gsem1)
      pltpu.sync_copy(buf1, z_sh.at[dst_v.at[r1]], add=True)
      return carry

    lax.fori_loop(0, GROUPS, group, 0)
    plsc.subcore_barrier()
    pltpu.sync_copy(z_sh.at[pl.ds(s * ROWS_T, ROWS_T), :],
                    out_hbm.at[c, pl.ds(s * ROWS_T, ROWS_T), :])

  return k(y, src2d, dst2d, zeros128)


def _dis_from(d0_ref, d1_ref):
  deg = d0_ref[...] + d1_ref[...] + 1.0
  return lax.rsqrt(deg)


def _tc_matmul1(x_pad, W1):
  def body(x_ref, w_ref, xw_ref):
    xw = jnp.dot(x_ref[...], w_ref[...], preferred_element_type=jnp.float32)
    xw_ref[0] = xw[:, :128]
    xw_ref[1] = xw[:, 128:]

  return pl.pallas_call(
      body,
      grid=(NB,),
      in_specs=[
          pl.BlockSpec((BN, D_IN), lambda i: (i, 0)),
          pl.BlockSpec((D_IN, H), lambda i: (0, 0)),
      ],
      out_specs=pl.BlockSpec((NC, BN, 128), lambda i: (0, i, 0)),
      out_shape=jax.ShapeDtypeStruct((NC, N_Z, 128), jnp.float32),
  )(x_pad, W1)


def _tc_scale_y(xw, d0, d1):
  def body(xw_ref, d0_ref, d1_ref, y_ref):
    dis = _dis_from(d0_ref, d1_ref)
    y_ref[0] = dis * xw_ref[0]
    y_ref[1] = dis * xw_ref[1]

  return pl.pallas_call(
      body,
      grid=(NB,),
      in_specs=[
          pl.BlockSpec((NC, BN, 128), lambda i: (0, i, 0)),
          pl.BlockSpec((BN, 1), lambda i: (i, 0)),
          pl.BlockSpec((BN, 1), lambda i: (i, 0)),
      ],
      out_specs=pl.BlockSpec((NC, BN, 128), lambda i: (0, i, 0)),
      out_shape=jax.ShapeDtypeStruct((NC, N_Z, 128), jnp.float32),
  )(xw, d0, d1)


def _tc_boundary(z, xw, d0, d1, b, Wn, relu):
  def body(z_ref, xw_ref, d0_ref, d1_ref, b_ref, w_ref, y_ref, xwn_ref):
    dis = _dis_from(d0_ref, d1_ref)
    z_full = jnp.concatenate([z_ref[0], z_ref[1]], axis=1)
    xw_full = jnp.concatenate([xw_ref[0], xw_ref[1]], axis=1)
    h = dis * z_full + (dis * dis) * xw_full + b_ref[...]
    if relu:
      h = jnp.maximum(h, 0.0)
    xwn = jnp.dot(h, w_ref[...], preferred_element_type=jnp.float32)
    y = dis * xwn
    xwn_ref[0] = xwn[:, :128]
    xwn_ref[1] = xwn[:, 128:]
    y_ref[0] = y[:, :128]
    y_ref[1] = y[:, 128:]

  return pl.pallas_call(
      body,
      grid=(NB,),
      in_specs=[
          pl.BlockSpec((NC, BN, 128), lambda i: (0, i, 0)),
          pl.BlockSpec((NC, BN, 128), lambda i: (0, i, 0)),
          pl.BlockSpec((BN, 1), lambda i: (i, 0)),
          pl.BlockSpec((BN, 1), lambda i: (i, 0)),
          pl.BlockSpec((1, H), lambda i: (0, 0)),
          pl.BlockSpec((H, H), lambda i: (0, 0)),
      ],
      out_specs=[
          pl.BlockSpec((NC, BN, 128), lambda i: (0, i, 0)),
          pl.BlockSpec((NC, BN, 128), lambda i: (0, i, 0)),
      ],
      out_shape=[
          jax.ShapeDtypeStruct((NC, N_Z, 128), jnp.float32),
          jax.ShapeDtypeStruct((NC, N_Z, 128), jnp.float32),
      ],
  )(z, xw, d0, d1, b, Wn)


def _tc_head(z, xw, d0, d1, b3, batch8,
             Wl1, bl1, Wl2a, Wl2b, bl2, Wl3a, Wl3b, bl3):
  def body(z_ref, xw_ref, d0_ref, d1_ref, b3_ref, bt_ref,
           wl1_ref, bl1_ref, wl2a_ref, wl2b_ref, bl2_ref,
           wl3a_ref, wl3b_ref, bl3_ref,
           l1_ref, l2_ref, l3_ref, acc_sum, acc_cnt):
    i = pl.program_id(0)
    dis = _dis_from(d0_ref, d1_ref)
    z_full = jnp.concatenate([z_ref[0], z_ref[1]], axis=1)
    xw_full = jnp.concatenate([xw_ref[0], xw_ref[1]], axis=1)
    h = dis * z_full + (dis * dis) * xw_full + b3_ref[...]

    gids = lax.broadcasted_iota(jnp.int32, (G, 1), 0)
    onehot_t = (bt_ref[0:1, :] == gids).astype(jnp.float32)

    @pl.when(i == 0)
    def _():
      acc_sum[...] = jnp.zeros_like(acc_sum)
      acc_cnt[...] = jnp.zeros_like(acc_cnt)

    acc_sum[...] += jnp.dot(onehot_t, h, preferred_element_type=jnp.float32)
    cnt = jnp.sum(onehot_t, axis=1, keepdims=True)
    acc_cnt[...] += jnp.broadcast_to(cnt, (G, 128))

    @pl.when(i == NB - 1)
    def _():
      pooled = acc_sum[...] / jnp.maximum(acc_cnt[:, 0:1], 1.0)

      def softmax(v):
        m = jnp.max(v, axis=1, keepdims=True)
        e = jnp.exp(v - m)
        return e / jnp.sum(e, axis=1, keepdims=True)

      l1 = jnp.dot(pooled, wl1_ref[...],
                   preferred_element_type=jnp.float32) + bl1_ref[...]
      p1 = softmax(l1)
      l2 = (jnp.dot(pooled, wl2a_ref[...], preferred_element_type=jnp.float32)
            + jnp.dot(p1, wl2b_ref[...], preferred_element_type=jnp.float32)
            + bl2_ref[...])
      p2 = softmax(l2)
      l3 = (jnp.dot(pooled, wl3a_ref[...], preferred_element_type=jnp.float32)
            + jnp.dot(p2, wl3b_ref[...], preferred_element_type=jnp.float32)
            + bl3_ref[...])
      l1_ref[...] = l1
      l2_ref[...] = l2
      l3_ref[...] = l3

  full = lambda shape: pl.BlockSpec(shape, lambda i: tuple(0 for _ in shape))
  return pl.pallas_call(
      body,
      grid=(NB,),
      in_specs=[
          pl.BlockSpec((NC, BN, 128), lambda i: (0, i, 0)),
          pl.BlockSpec((NC, BN, 128), lambda i: (0, i, 0)),
          pl.BlockSpec((BN, 1), lambda i: (i, 0)),
          pl.BlockSpec((BN, 1), lambda i: (i, 0)),
          full((1, H)),
          pl.BlockSpec((8, BN), lambda i: (0, i)),
          full((H, C1)),
          full((1, C1)),
          full((H, C2)),
          full((C1, C2)),
          full((1, C2)),
          full((H, C3)),
          full((C2, C3)),
          full((1, C3)),
      ],
      out_specs=[
          full((G, C1)),
          full((G, C2)),
          full((G, C3)),
      ],
      out_shape=[
          jax.ShapeDtypeStruct((G, C1), jnp.float32),
          jax.ShapeDtypeStruct((G, C2), jnp.float32),
          jax.ShapeDtypeStruct((G, C3), jnp.float32),
      ],
      scratch_shapes=[
          pltpu.VMEM((G, H), jnp.float32),
          pltpu.VMEM((G, 128), jnp.float32),
      ],
  )(z, xw, d0, d1, b3, batch8,
    Wl1, bl1, Wl2a, Wl2b, bl2, Wl3a, Wl3b, bl3)


def kernel(x, edge_index, batch,
           W1, b1, W2, b2, W3, b3, Wl1, bl1, Wl2, bl2, Wl3, bl3):
  src = edge_index[0]
  dst = edge_index[1]
  npad = E_PAD - E
  ar = jnp.arange(npad, dtype=jnp.int32)
  pad_src = (ar * 13) % N
  pad_dst = N + (ar % (N_Z - N))
  src2d = jnp.concatenate([src, pad_src]).reshape(EROWS, CHUNK)
  dst2d = jnp.concatenate([dst, pad_dst]).reshape(EROWS, CHUNK)

  zeros128 = jnp.zeros((N_Z, 128), jnp.float32)
  x_pad = jnp.pad(x, ((0, N_Z - N), (0, 0)))
  batch_pad = jnp.pad(batch, (0, N_Z - N), constant_values=G)
  batch8 = jnp.broadcast_to(batch_pad[None, :], (8, N_Z))

  degs_flat = _sc_degree(dst2d)
  d0 = degs_flat[:N_Z].reshape(N_Z, 1)
  d1 = degs_flat[N_Z:].reshape(N_Z, 1)
  xw = _tc_matmul1(x_pad, W1)
  y = _tc_scale_y(xw, d0, d1)
  z = _sc_edge_sum(y, src2d, dst2d, zeros128)
  y, xw = _tc_boundary(z, xw, d0, d1, b1.reshape(1, H), W2, relu=True)
  z = _sc_edge_sum(y, src2d, dst2d, zeros128)
  y, xw = _tc_boundary(z, xw, d0, d1, b2.reshape(1, H), W3, relu=True)
  z = _sc_edge_sum(y, src2d, dst2d, zeros128)
  l1, l2, l3 = _tc_head(
      z, xw, d0, d1, b3.reshape(1, H), batch8,
      Wl1, bl1.reshape(1, C1), Wl2[:H], Wl2[H:], bl2.reshape(1, C2),
      Wl3[:H], Wl3[H:], bl3.reshape(1, C3))
  return (l1, l2, l3)

# --- scband reference (transcript-rebuilt; emitter-appended) ---
"""Pipeline reference for scband-hierarchical-gcn-52123723104292 (READ-ONLY COPY).

The authoritative reference and input builder live on the scoring server;
editing this copy changes nothing except your own understanding.
"""

import jax, jax.numpy as jnp
import numpy as np

N = 10000
E = 320000
D_IN = 128
H = 256
C1 = 8
C2 = 32
C3 = 128
G = 64


def setup_inputs(seed: int = 0) -> dict:
    key = jax.random.key(seed)
    ks = jax.random.split(key, 16)
    x = jax.random.normal(ks[0], (N, D_IN), dtype=jnp.float32)
    edge_index = jax.random.randint(ks[1], (2, E), 0, N, dtype=jnp.int32)
    batch = jnp.sort(jax.random.randint(ks[2], (N,), 0, G, dtype=jnp.int32))
    def lin(k, fan_in, fan_out):
        return jax.random.normal(k, (fan_in, fan_out), dtype=jnp.float32) / np.sqrt(fan_in)
    W1 = lin(ks[3], D_IN, H); b1 = jnp.zeros((H,), jnp.float32)
    W2 = lin(ks[4], H, H); b2 = jnp.zeros((H,), jnp.float32)
    W3 = lin(ks[5], H, H); b3 = jnp.zeros((H,), jnp.float32)
    Wl1 = lin(ks[6], H, C1); bl1 = jnp.zeros((C1,), jnp.float32)
    Wl2 = lin(ks[7], H + C1, C2); bl2 = jnp.zeros((C2,), jnp.float32)
    Wl3 = lin(ks[8], H + C2, C3); bl3 = jnp.zeros((C3,), jnp.float32)
    return {"x": x, "edge_index": edge_index, "batch": batch,
            "W1": W1, "b1": b1, "W2": W2, "b2": b2, "W3": W3, "b3": b3,
            "Wl1": Wl1, "bl1": bl1, "Wl2": Wl2, "bl2": bl2, "Wl3": Wl3, "bl3": bl3}


def _gcn_conv(x, edge_index, W, b):
    # PyG GCNConv: xW, then symmetric-normalized aggregation with self-loops, then +b
    sl = jnp.arange(N, dtype=edge_index.dtype)
    src = jnp.concatenate([edge_index[0], sl])
    dst = jnp.concatenate([edge_index[1], sl])
    deg = jax.ops.segment_sum(jnp.ones_like(dst, jnp.float32), dst, num_segments=N)
    dis = jax.lax.rsqrt(jnp.maximum(deg, 1.0))
    norm = dis[src] * dis[dst]
    xw = x @ W
    msgs = norm[:, None] * jnp.take(xw, src, axis=0)
    out = jax.ops.segment_sum(msgs, dst, num_segments=N)
    return out + b


def reference(x, edge_index, batch, W1, b1, W2, b2, W3, b3, Wl1, bl1, Wl2, bl2, Wl3, bl3):
    h = jax.nn.relu(_gcn_conv(x, edge_index, W1, b1))
    # dropout is identity in eval mode
    h = jax.nn.relu(_gcn_conv(h, edge_index, W2, b2))
    h = _gcn_conv(h, edge_index, W3, b3)
    # global mean pool over graph ids
    sums = jax.ops.segment_sum(h, batch, num_segments=G)
    cnt = jax.ops.segment_sum(jnp.ones((N,), jnp.float32), batch, num_segments=G)
    pooled = sums / jnp.maximum(cnt, 1.0)[:, None]
    l1 = pooled @ Wl1 + bl1
    p1 = jax.nn.softmax(l1, axis=1)
    l2 = jnp.concatenate([pooled, p1], axis=1) @ Wl2 + bl2
    p2 = jax.nn.softmax(l2, axis=1)
    l3 = jnp.concatenate([pooled, p2], axis=1) @ Wl3 + bl3
    return (l1, l2, l3)

if __name__ == "__main__":
    import jax
    _d = setup_inputs()
    print(jax.jit(kernel)(*tuple(_d.values())))

</pallas_src>

<mosaic_0001>
#map = affine_map<(d0, d1) -> (0, 0, 0)>
#map1 = affine_map<(d0, d1) -> (0, 0)>
module attributes {stable_mosaic.version = 14 : i64} {
  func.func @k(%arg0: i32, %arg1: i32, %arg2: memref<2x10240x128xf32, #tpu.memory_space<hbm>>, %arg3: memref<2560x128xi32, #tpu.memory_space<hbm>>, %arg4: memref<2560x128xi32, #tpu.memory_space<hbm>>, %arg5: memref<10240x128xf32, #tpu.memory_space<hbm>>, %arg6: memref<2x10240x128xf32, #tpu.memory_space<hbm>>, %arg7: memref<10240x128xf32, #tpu.memory_space<vmem_shared>>, %arg8: memref<32x128xi32, #tpu.memory_space<vmem>>, %arg9: memref<32x128xi32, #tpu.memory_space<vmem>>, %arg10: memref<128x128xf32, #tpu.memory_space<vmem>>, %arg11: memref<128x128xf32, #tpu.memory_space<vmem>>, %arg12: memref<!tpu.dma_semaphore, #tpu.memory_space<semaphore_mem>>, %arg13: memref<!tpu.dma_semaphore, #tpu.memory_space<semaphore_mem>>, %arg14: memref<!tpu.dma_semaphore, #tpu.memory_space<semaphore_mem>>, %arg15: memref<!tpu.dma_semaphore, #tpu.memory_space<semaphore_mem>>) attributes {dimension_semantics = [#tpu.dimension_semantics<core_parallel>, #tpu.dimension_semantics<subcore_parallel>], iteration_bounds = array<i64: 2, 16>, scalar_prefetch = 0 : i64, scratch_operands = 9 : i64, tpu.core_type = #tpu.core_type<sc_vector_subcore>, window_params = [{transform_indices = #map}, {transform_indices = #map1}, {transform_indices = #map1}, {transform_indices = #map1}, {transform_indices = #map}]} {
    %mul3A = arith.constant 640 : i32
    %mul3A_0 = arith.muli %arg1, %mul3A : i32
    %mul3A_1 = arith.constant 640 : i32
    %mul3A_2 = arith.muli %arg1, %mul3A_1 : i32
    "tpu.region"() ({
      %run_scoped3A = tpu.sem_alloc : memref<!tpu.dma_semaphore, #tpu.memory_space<semaphore_mem>>
      %dma_start3A = arith.constant 0 : i32
      %dma_start3A_13 = tpu.memref_slice %arg7[%mul3A_2, %dma_start3A] : memref<10240x128xf32, #tpu.memory_space<vmem_shared>> -> memref<640x128xf32, #tpu.memory_space<vmem_shared>>
      %dma_start3A_14 = arith.constant 0 : i32
      %dma_start3A_15 = tpu.memref_slice %arg5[%mul3A_0, %dma_start3A_14] : memref<10240x128xf32, #tpu.memory_space<hbm>> -> memref<640x128xf32, #tpu.memory_space<hbm>>
      tpu.enqueue_dma source(%dma_start3A_15 : memref<640x128xf32, #tpu.memory_space<hbm>>) target(%dma_start3A_13 : memref<640x128xf32, #tpu.memory_space<vmem_shared>>) target_semaphore(%run_scoped3A : memref<!tpu.dma_semaphore, #tpu.memory_space<semaphore_mem>>)
      %dma_wait3A = arith.constant 0 : i32
      %dma_wait3A_16 = tpu.memref_slice %arg7[%mul3A_2, %dma_wait3A] : memref<10240x128xf32, #tpu.memory_space<vmem_shared>> -> memref<640x128xf32, #tpu.memory_space<vmem_shared>>
      %dma_wait3A_17 = arith.constant 0 : i32
      %dma_wait3A_18 = tpu.memref_slice %arg5[%mul3A_0, %dma_wait3A_17] : memref<10240x128xf32, #tpu.memory_space<hbm>> -> memref<640x128xf32, #tpu.memory_space<hbm>>
      tpu.wait_dma2 semaphore(%run_scoped3A : memref<!tpu.dma_semaphore, #tpu.memory_space<semaphore_mem>>) src(%dma_wait3A_18 : memref<640x128xf32, #tpu.memory_space<hbm>>) dst(%dma_wait3A_16 : memref<640x128xf32, #tpu.memory_space<vmem_shared>>)
      tpu.yield
    }) : () -> ()
    %barrier3A = arith.constant 0 : index
    tpu.barrier barrier_id(%barrier3A)
    %scan3A = arith.constant 0 : i32
    %scan3A_3 = arith.constant 0 : i32
    %scan3A_4 = arith.constant 5 : i32
    %scan3A_5 = arith.addi %scan3A_3, %scan3A_4 : i32
    %scan3A_6 = arith.constant 1 : i32
    scf.for %scan3A_13 = %scan3A_3 to %scan3A_5 step %scan3A_6  : i32 {
      %mul3A_14 = arith.constant 160 : i32
      %mul3A_15 = arith.muli %arg1, %mul3A_14 : i32
      %mul3A_16 = arith.constant 32 : i32
      %mul3A_17 = arith.muli %scan3A_13, %mul3A_16 : i32
      %add3A = arith.addi %mul3A_15, %mul3A_17 : i32
      "tpu.region"() ({
        %run_scoped3A_100 = tpu.sem_alloc : memref<!tpu.dma_semaphore, #tpu.memory_space<semaphore_mem>>
        %dma_start3A_101 = arith.constant 0 : i32
        %dma_start3A_102 = tpu.memref_slice %arg3[%add3A, %dma_start3A_101] : memref<2560x128xi32, #tpu.memory_space<hbm>> -> memref<32x128xi32, #tpu.memory_space<hbm>>
        %dma_start3A_103 = arith.constant 0 : i32
        %dma_start3A_104 = tpu.memref_slice %arg3[%add3A, %dma_start3A_103] : memref<2560x128xi32, #tpu.memory_space<hbm>> -> memref<32x128xi32, #tpu.memory_space<hbm>>
        tpu.enqueue_dma source(%dma_start3A_104 : memref<32x128xi32, #tpu.memory_space<hbm>>) target(%arg8 : memref<32x128xi32, #tpu.memory_space<vmem>>) target_semaphore(%run_scoped3A_100 : memref<!tpu.dma_semaphore, #tpu.memory_space<semaphore_mem>>)
        %dma_wait3A_105 = arith.constant 0 : i32
        %dma_wait3A_106 = tpu.memref_slice %arg3[%add3A, %dma_wait3A_105] : memref<2560x128xi32, #tpu.memory_space<hbm>> -> memref<32x128xi32, #tpu.memory_space<hbm>>
        %dma_wait3A_107 = arith.constant 0 : i32
        %dma_wait3A_108 = tpu.memref_slice %arg3[%add3A, %dma_wait3A_107] : memref<2560x128xi32, #tpu.memory_space<hbm>> -> memref<32x128xi32, #tpu.memory_space<hbm>>
        tpu.wait_dma2 semaphore(%run_scoped3A_100 : memref<!tpu.dma_semaphore, #tpu.memory_space<semaphore_mem>>) src(%dma_wait3A_108 : memref<32x128xi32, #tpu.memory_space<hbm>>) dst(%arg8 : memref<32x128xi32, #tpu.memory_space<vmem>>)
        tpu.yield
      }) : () -> ()
      "tpu.region"() ({
        %run_scoped3A_100 = tpu.sem_alloc : memref<!tpu.dma_semaphore, #tpu.memory_space<semaphore_mem>>
        %dma_start3A_101 = arith.constant 0 : i32
        %dma_start3A_102 = tpu.memref_slice %arg4[%add3A, %dma_start3A_101] : memref<2560x128xi32, #tpu.memory_space<hbm>> -> memref<32x128xi32, #tpu.memory_space<hbm>>
        %dma_start3A_103 = arith.constant 0 : i32
        %dma_start3A_104 = tpu.memref_slice %arg4[%add3A, %dma_start3A_103] : memref<2560x128xi32, #tpu.memory_space<hbm>> -> memref<32x128xi32, #tpu.memory_space<hbm>>
        tpu.enqueue_dma source(%dma_start3A_104 : memref<32x128xi32, #tpu.memory_space<hbm>>) target(%arg9 : memref<32x128xi32, #tpu.memory_space<vmem>>) target_semaphore(%run_scoped3A_100 : memref<!tpu.dma_semaphore, #tpu.memory_space<semaphore_mem>>)
        %dma_wait3A_105 = arith.constant 0 : i32
        %dma_wait3A_106 = tpu.memref_slice %arg4[%add3A, %dma_wait3A_105] : memref<2560x128xi32, #tpu.memory_space<hbm>> -> memref<32x128xi32, #tpu.memory_space<hbm>>
        %dma_wait3A_107 = arith.constant 0 : i32
        %dma_wait3A_108 = tpu.memref_slice %arg4[%add3A, %dma_wait3A_107] : memref<2560x128xi32, #tpu.memory_space<hbm>> -> memref<32x128xi32, #tpu.memory_space<hbm>>
        tpu.wait_dma2 semaphore(%run_scoped3A_100 : memref<!tpu.dma_semaphore, #tpu.memory_space<semaphore_mem>>) src(%dma_wait3A_108 : memref<32x128xi32, #tpu.memory_space<hbm>>) dst(%arg9 : memref<32x128xi32, #tpu.memory_space<vmem>>)
        tpu.yield
      }) : () -> ()
      %dma_start3A = arith.constant 0 : i32
      %dma_start3A_18 = arith.constant 0 : i32
      %dma_start3A_19 = arith.constant 0 : i32
      %dma_start3A_20 = tpu.memref_slice %arg10[%dma_start3A_18, %dma_start3A_19] : memref<128x128xf32, #tpu.memory_space<vmem>> -> memref<64x128xf32, #tpu.memory_space<vmem>>
      %dma_start3A_21 = arith.constant 0 : i32
      %dma_start3A_22 = tpu.memref_slice %arg8[%dma_start3A, %dma_start3A_21] : memref<32x128xi32, #tpu.memory_space<vmem>> -> memref<1x64xi32, #tpu.memory_space<vmem>>
      %dma_start3A_23 = tpu.memref_squeeze %dma_start3A_22 : memref<1x64xi32, #tpu.memory_space<vmem>> -> memref<64xi32, #tpu.memory_space<vmem>>
      %dma_start3A_24 = arith.constant 0 : i32
      %dma_start3A_25 = arith.constant 0 : i32
      %dma_start3A_26 = tpu.memref_slice %arg2[%arg0, %dma_start3A_24, %dma_start3A_25] : memref<2x10240x128xf32, #tpu.memory_space<hbm>> -> memref<1x10240x128xf32, #tpu.memory_space<hbm>>
      %dma_start3A_27 = tpu.memref_squeeze %dma_start3A_26 : memref<1x10240x128xf32, #tpu.memory_space<hbm>> -> memref<10240x128xf32, #tpu.memory_space<hbm>>
      %dma_start3A_28 = arith.constant 0 : i32
      %dma_start3A_29 = arith.constant 0 : i32
      %dma_start3A_30 = tpu.memref_slice %dma_start3A_27[%dma_start3A_28, %dma_start3A_29] : memref<10240x128xf32, #tpu.memory_space<hbm>> -> memref<10240x128xf32, #tpu.memory_space<hbm>>
      tpu.enqueue_indirect_dma source(%dma_start3A_30 : memref<10240x128xf32, #tpu.memory_space<hbm>>) target(%dma_start3A_20 : memref<64x128xf32, #tpu.memory_space<vmem>>) offsets(%dma_start3A_23 : memref<64xi32, #tpu.memory_space<vmem>>) semaphore(%arg12 : memref<!tpu.dma_semaphore, #tpu.memory_space<semaphore_mem>>)
      %dma_start3A_31 = arith.constant 0 : i32
      %dma_start3A_32 = arith.constant 64 : i32
      %dma_start3A_33 = arith.constant 0 : i32
      %dma_start3A_34 = tpu.memref_slice %arg10[%dma_start3A_32, %dma_start3A_33] : memref<128x128xf32, #tpu.memory_space<vmem>> -> memref<64x128xf32, #tpu.memory_space<vmem>>
      %dma_start3A_35 = arith.constant 64 : i32
      %dma_start3A_36 = tpu.memref_slice %arg8[%dma_start3A_31, %dma_start3A_35] : memref<32x128xi32, #tpu.memory_space<vmem>> -> memref<1x64xi32, #tpu.memory_space<vmem>>
      %dma_start3A_37 = tpu.memref_squeeze %dma_start3A_36 : memref<1x64xi32, #tpu.memory_space<vmem>> -> memref<64xi32, #tpu.memory_space<vmem>>
      %dma_start3A_38 = arith.constant 0 : i32
      %dma_start3A_39 = arith.constant 0 : i32
      %dma_start3A_40 = tpu.memref_slice %arg2[%arg0, %dma_start3A_38, %dma_start3A_39] : memref<2x10240x128xf32, #tpu.memory_space<hbm>> -> memref<1x10240x128xf32, #tpu.memory_space<hbm>>
      %dma_start3A_41 = tpu.memref_squeeze %dma_start3A_40 : memref<1x10240x128xf32, #tpu.memory_space<hbm>> -> memref<10240x128xf32, #tpu.memory_space<hbm>>
      %dma_start3A_42 = arith.constant 0 : i32
      %dma_start3A_43 = arith.constant 0 : i32
      %dma_start3A_44 = tpu.memref_slice %dma_start3A_41[%dma_start3A_42, %dma_start3A_43] : memref<10240x128xf32, #tpu.memory_space<hbm>> -> memref<10240x128xf32, #tpu.memory_space<hbm>>
      tpu.enqueue_indirect_dma source(%dma_start3A_44 : memref<10240x128xf32, #tpu.memory_space<hbm>>) target(%dma_start3A_34 : memref<64x128xf32, #tpu.memory_space<vmem>>) offsets(%dma_start3A_37 : memref<64xi32, #tpu.memory_space<vmem>>) semaphore(%arg12 : memref<!tpu.dma_semaphore, #tpu.memory_space<semaphore_mem>>)
      %dma_start3A_45 = arith.constant 1 : i32
      %dma_start3A_46 = arith.constant 0 : i32
      %dma_start3A_47 = arith.constant 0 : i32
      %dma_start3A_48 = tpu.memref_slice %arg11[%dma_start3A_46, %dma_start3A_47] : memref<128x128xf32, #tpu.memory_space<vmem>> -> memref<64x128xf32, #tpu.memory_space<vmem>>
      %dma_start3A_49 = arith.constant 0 : i32
      %dma_start3A_50 = tpu.memref_slice %arg8[%dma_start3A_45, %dma_start3A_49] : memref<32x128xi32, #tpu.memory_space<vmem>> -> memref<1x64xi32, #tpu.memory_space<vmem>>
      %dma_start3A_51 = tpu.memref_squeeze %dma_start3A_50 : memref<1x64xi32, #tpu.memory_space<vmem>> -> memref<64xi32, #tpu.memory_space<vmem>>
      %dma_start3A_52 = arith.constant 0 : i32
      %dma_start3A_53 = arith.constant 0 : i32
      %dma_start3A_54 = tpu.memref_slice %arg2[%arg0, %dma_start3A_52, %dma_start3A_53] : memref<2x10240x128xf32, #tpu.memory_space<hbm>> -> memref<1x10240x128xf32, #tpu.memory_space<hbm>>
      %dma_start3A_55 = tpu.memref_squeeze %dma_start3A_54 : memref<1x10240x128xf32, #tpu.memory_space<hbm>> -> memref<10240x128xf32, #tpu.memory_space<hbm>>
      %dma_start3A_56 = arith.constant 0 : i32
      %dma_start3A_57 = arith.constant 0 : i32
      %dma_start3A_58 = tpu.memref_slice %dma_start3A_55[%dma_start3A_56, %dma_start3A_57] : memref<10240x128xf32, #tpu.memory_space<hbm>> -> memref<10240x128xf32, #tpu.memory_space<hbm>>
      tpu.enqueue_indirect_dma source(%dma_start3A_58 : memref<10240x128xf32, #tpu.memory_space<hbm>>) target(%dma_start3A_48 : memref<64x128xf32, #tpu.memory_space<vmem>>) offsets(%dma_start3A_51 : memref<64xi32, #tpu.memory_space<vmem>>) semaphore(%arg13 : memref<!tpu.dma_semaphore, #tpu.memory_space<semaphore_mem>>)
      %dma_start3A_59 = arith.constant 1 : i32
      %dma_start3A_60 = arith.constant 64 : i32
      %dma_start3A_61 = arith.constant 0 : i32
      %dma_start3A_62 = tpu.memref_slice %arg11[%dma_start3A_60, %dma_start3A_61] : memref<128x128xf32, #tpu.memory_space<vmem>> -> memref<64x128xf32, #tpu.memory_space<vmem>>
      %dma_start3A_63 = arith.constant 64 : i32
      %dma_start3A_64 = tpu.memref_slice %arg8[%dma_start3A_59, %dma_start3A_63] : memref<32x128xi32, #tpu.memory_space<vmem>> -> memref<1x64xi32, #tpu.memory_space<vmem>>
      %dma_start3A_65 = tpu.memref_squeeze %dma_start3A_64 : memref<1x64xi32, #tpu.memory_space<vmem>> -> memref<64xi32, #tpu.memory_space<vmem>>
      %dma_start3A_66 = arith.constant 0 : i32
      %dma_start3A_67 = arith.constant 0 : i32
      %dma_start3A_68 = tpu.memref_slice %arg2[%arg0, %dma_start3A_66, %dma_start3A_67] : memref<2x10240x128xf32, #tpu.memory_space<hbm>> -> memref<1x10240x128xf32, #tpu.memory_space<hbm>>
      %dma_start3A_69 = tpu.memref_squeeze %dma_start3A_68 : memref<1x10240x128xf32, #tpu.memory_space<hbm>> -> memref<10240x128xf32, #tpu.memory_space<hbm>>
      %dma_start3A_70 = arith.constant 0 : i32
      %dma_start3A_71 = arith.constant 0 : i32
      %dma_start3A_72 = tpu.memref_slice %dma_start3A_69[%dma_start3A_70, %dma_start3A_71] : memref<10240x128xf32, #tpu.memory_space<hbm>> -> memref<10240x128xf32, #tpu.memory_space<hbm>>
      tpu.enqueue_indirect_dma source(%dma_start3A_72 : memref<10240x128xf32, #tpu.memory_space<hbm>>) target(%dma_start3A_62 : memref<64x128xf32, #tpu.memory_space<vmem>>) offsets(%dma_start3A_65 : memref<64xi32, #tpu.memory_space<vmem>>) semaphore(%arg13 : memref<!tpu.dma_semaphore, #tpu.memory_space<semaphore_mem>>)
      %scan3A_73 = arith.constant 0 : i32
      %scan3A_74 = arith.constant 15 : i32
      %scan3A_75 = arith.addi %scan3A_73, %scan3A_74 : i32
      %scan3A_76 = arith.constant 1 : i32
      scf.for %scan3A_100 = %scan3A_73 to %scan3A_75 step %scan3A_76  : i32 {
        %mul3A_101 = arith.constant 2 : i32
        %mul3A_102 = arith.muli %scan3A_100, %mul3A_101 : i32
        %add3A_103 = arith.constant 1 : i32
        %add3A_104 = arith.addi %mul3A_102, %add3A_103 : i32
        %dma_wait3A_105 = arith.constant 0 : i32
        %dma_wait3A_106 = tpu.memref_slice %arg8[%mul3A_102, %dma_wait3A_105] : memref<32x128xi32, #tpu.memory_space<vmem>> -> memref<1x128xi32, #tpu.memory_space<vmem>>
        %dma_wait3A_107 = tpu.memref_squeeze %dma_wait3A_106 : memref<1x128xi32, #tpu.memory_space<vmem>> -> memref<128xi32, #tpu.memory_space<vmem>>
        %dma_wait3A_108 = arith.constant 0 : i32
        %dma_wait3A_109 = arith.constant 0 : i32
        %dma_wait3A_110 = tpu.memref_slice %arg2[%arg0, %dma_wait3A_108, %dma_wait3A_109] : memref<2x10240x128xf32, #tpu.memory_space<hbm>> -> memref<1x10240x128xf32, #tpu.memory_space<hbm>>
        %dma_wait3A_111 = tpu.memref_squeeze %dma_wait3A_110 : memref<1x10240x128xf32, #tpu.memory_space<hbm>> -> memref<10240x128xf32, #tpu.memory_space<hbm>>
        %dma_wait3A_112 = arith.constant 0 : i32
        %dma_wait3A_113 = arith.constant 0 : i32
        %dma_wait3A_114 = tpu.memref_slice %dma_wait3A_111[%dma_wait3A_112, %dma_wait3A_113] : memref<10240x128xf32, #tpu.memory_space<hbm>> -> memref<10240x128xf32, #tpu.memory_space<hbm>>
        tpu.wait_indirect_dma semaphore(%arg12 : memref<!tpu.dma_semaphore, #tpu.memory_space<semaphore_mem>>) src(%dma_wait3A_114 : memref<10240x128xf32, #tpu.memory_space<hbm>>) dst(%arg10 : memref<128x128xf32, #tpu.memory_space<vmem>>)
        %dma_start3A_115 = arith.constant 0 : i32
        %dma_start3A_116 = tpu.memref_slice %arg9[%mul3A_102, %dma_start3A_115] : memref<32x128xi32, #tpu.memory_space<vmem>> -> memref<1x128xi32, #tpu.memory_space<vmem>>
        %dma_start3A_117 = tpu.memref_squeeze %dma_start3A_116 : memref<1x128xi32, #tpu.memory_space<vmem>> -> memref<128xi32, #tpu.memory_space<vmem>>
        %dma_start3A_118 = arith.constant 0 : i32
        %dma_start3A_119 = arith.constant 0 : i32
        %dma_start3A_120 = tpu.memref_slice %arg7[%dma_start3A_118, %dma_start3A_119] : memref<10240x128xf32, #tpu.memory_space<vmem_shared>> -> memref<10240x128xf32, #tpu.memory_space<vmem_shared>>
        tpu.enqueue_indirect_dma source(%arg10 : memref<128x128xf32, #tpu.memory_space<vmem>>) target(%dma_start3A_120 : memref<10240x128xf32, #tpu.memory_space<vmem_shared>>) offsets(%dma_start3A_117 : memref<128xi32, #tpu.memory_space<vmem>>) semaphore(%arg14 : memref<!tpu.dma_semaphore, #tpu.memory_space<semaphore_mem>>) {add = true}
        %dma_wait3A_121 = arith.constant 0 : i32
        %dma_wait3A_122 = tpu.memref_slice %arg8[%add3A_104, %dma_wait3A_121] : memref<32x128xi32, #tpu.memory_space<vmem>> -> memref<1x128xi32, #tpu.memory_space<vmem>>
        %dma_wait3A_123 = tpu.memref_squeeze %dma_wait3A_122 : memref<1x128xi32, #tpu.memory_space<vmem>> -> memref<128xi32, #tpu.memory_space<vmem>>
        %dma_wait3A_124 = arith.constant 0 : i32
        %dma_wait3A_125 = arith.constant 0 : i32
        %dma_wait3A_126 = tpu.memref_slice %arg2[%arg0, %dma_wait3A_124, %dma_wait3A_125] : memref<2x10240x128xf32, #tpu.memory_space<hbm>> -> memref<1x10240x128xf32, #tpu.memory_space<hbm>>
        %dma_wait3A_127 = tpu.memref_squeeze %dma_wait3A_126 : memref<1x10240x128xf32, #tpu.memory_space<hbm>> -> memref<10240x128xf32, #tpu.memory_space<hbm>>
        %dma_wait3A_128 = arith.constant 0 : i32
        %dma_wait3A_129 = arith.constant 0 : i32
        %dma_wait3A_130 = tpu.memref_slice %dma_wait3A_127[%dma_wait3A_128, %dma_wait3A_129] : memref<10240x128xf32, #tpu.memory_space<hbm>> -> memref<10240x128xf32, #tpu.memory_space<hbm>>
        tpu.wait_indirect_dma semaphore(%arg13 : memref<!tpu.dma_semaphore, #tpu.memory_space<semaphore_mem>>) src(%dma_wait3A_130 : memref<10240x128xf32, #tpu.memory_space<hbm>>) dst(%arg11 : memref<128x128xf32, #tpu.memory_space<vmem>>)
        %dma_start3A_131 = arith.constant 0 : i32
        %dma_start3A_132 = tpu.memref_slice %arg9[%add3A_104, %dma_start3A_131] : memref<32x128xi32, #tpu.memory_space<vmem>> -> memref<1x128xi32, #tpu.memory_space<vmem>>
        %dma_start3A_133 = tpu.memref_squeeze %dma_start3A_132 : memref<1x128xi32, #tpu.memory_space<vmem>> -> memref<128xi32, #tpu.memory_space<vmem>>
        %dma_start3A_134 = arith.constant 0 : i32
        %dma_start3A_135 = arith.constant 0 : i32
        %dma_start3A_136 = tpu.memref_slice %arg7[%dma_start3A_134, %dma_start3A_135] : memref<10240x128xf32, #tpu.memory_space<vmem_shared>> -> memref<10240x128xf32, #tpu.memory_space<vmem_shared>>
        tpu.enqueue_indirect_dma source(%arg11 : memref<128x128xf32, #tpu.memory_space<vmem>>) target(%dma_start3A_136 : memref<10240x128xf32, #tpu.memory_space<vmem_shared>>) offsets(%dma_start3A_133 : memref<128xi32, #tpu.memory_space<vmem>>) semaphore(%arg15 : memref<!tpu.dma_semaphore, #tpu.memory_space<semaphore_mem>>) {add = true}
        %dma_wait3A_137 = arith.constant 0 : i32
        %dma_wait3A_138 = tpu.memref_slice %arg9[%mul3A_102, %dma_wait3A_137] : memref<32x128xi32, #tpu.memory_space<vmem>> -> memref<1x128xi32, #tpu.memory_space<vmem>>
        %dma_wait3A_139 = tpu.memref_squeeze %dma_wait3A_138 : memref<1x128xi32, #tpu.memory_space<vmem>> -> memref<128xi32, #tpu.memory_space<vmem>>
        %dma_wait3A_140 = arith.constant 0 : i32
        %dma_wait3A_141 = arith.constant 0 : i32
        %dma_wait3A_142 = tpu.memref_slice %arg7[%dma_wait3A_140, %dma_wait3A_141] : memref<10240x128xf32, #tpu.memory_space<vmem_shared>> -> memref<10240x128xf32, #tpu.memory_space<vmem_shared>>
        tpu.wait_indirect_dma semaphore(%arg14 : memref<!tpu.dma_semaphore, #tpu.memory_space<semaphore_mem>>) src(%arg10 : memref<128x128xf32, #tpu.memory_space<vmem>>) dst(%dma_wait3A_142 : memref<10240x128xf32, #tpu.memory_space<vmem_shared>>)
        %add3A_143 = arith.constant 2 : i32
        %add3A_144 = arith.addi %mul3A_102, %add3A_143 : i32
        %dma_start3A_145 = arith.constant 0 : i32
        %dma_start3A_146 = arith.constant 0 : i32
        %dma_start3A_147 = tpu.memref_slice %arg10[%dma_start3A_145, %dma_start3A_146] : memref<128x128xf32, #tpu.memory_space<vmem>> -> memref<64x128xf32, #tpu.memory_space<vmem>>
        %dma_start3A_148 = arith.constant 0 : i32
        %dma_start3A_149 = tpu.memref_slice %arg8[%add3A_144, %dma_start3A_148] : memref<32x128xi32, #tpu.memory_space<vmem>> -> memref<1x64xi32, #tpu.memory_space<vmem>>
        %dma_start3A_150 = tpu.memref_squeeze %dma_start3A_149 : memref<1x64xi32, #tpu.memory_space<vmem>> -> memref<64xi32, #tpu.memory_space<vmem>>
        %dma_start3A_151 = arith.constant 0 : i32
        %dma_start3A_152 = arith.constant 0 : i32
        %dma_start3A_153 = tpu.memref_slice %arg2[%arg0, %dma_start3A_151, %dma_start3A_152] : memref<2x10240x128xf32, #tpu.memory_space<hbm>> -> memref<1x10240x128xf32, #tpu.memory_space<hbm>>
        %dma_start3A_154 = tpu.memref_squeeze %dma_start3A_153 : memref<1x10240x128xf32, #tpu.memory_space<hbm>> -> memref<10240x128xf32, #tpu.memory_space<hbm>>
        %dma_start3A_155 = arith.constant 0 : i32
        %dma_start3A_156 = arith.constant 0 : i32
        %dma_start3A_157 = tpu.memref_slice %dma_start3A_154[%dma_start3A_155, %dma_start3A_156] : memref<10240x128xf32, #tpu.memory_space<hbm>> -> memref<10240x128xf32, #tpu.memory_space<hbm>>
        tpu.enqueue_indirect_dma source(%dma_start3A_157 : memref<10240x128xf32, #tpu.memory_space<hbm>>) target(%dma_start3A_147 : memref<64x128xf32, #tpu.memory_space<vmem>>) offsets(%dma_start3A_150 : memref<64xi32, #tpu.memory_space<vmem>>) semaphore(%arg12 : memref<!tpu.dma_semaphore, #tpu.memory_space<semaphore_mem>>)
        %dma_start3A_158 = arith.constant 64 : i32
        %dma_start3A_159 = arith.constant 0 : i32
        %dma_start3A_160 = tpu.memref_slice %arg10[%dma_start3A_158, %dma_start3A_159] : memref<128x128xf32, #tpu.memory_space<vmem>> -> memref<64x128xf32, #tpu.memory_space<vmem>>
        %dma_start3A_161 = arith.constant 64 : i32
        %dma_start3A_162 = tpu.memref_slice %arg8[%add3A_144, %dma_start3A_161] : memref<32x128xi32, #tpu.memory_space<vmem>> -> memref<1x64xi32, #tpu.memory_space<vmem>>
        %dma_start3A_163 = tpu.memref_squeeze %dma_start3A_162 : memref<1x64xi32, #tpu.memory_space<vmem>> -> memref<64xi32, #tpu.memory_space<vmem>>
        %dma_start3A_164 = arith.constant 0 : i32
        %dma_start3A_165 = arith.constant 0 : i32
        %dma_start3A_166 = tpu.memref_slice %arg2[%arg0, %dma_start3A_164, %dma_start3A_165] : memref<2x10240x128xf32, #tpu.memory_space<hbm>> -> memref<1x10240x128xf32, #tpu.memory_space<hbm>>
        %dma_start3A_167 = tpu.memref_squeeze %dma_start3A_166 : memref<1x10240x128xf32, #tpu.memory_space<hbm>> -> memref<10240x128xf32, #tpu.memory_space<hbm>>
        %dma_start3A_168 = arith.constant 0 : i32
        %dma_start3A_169 = arith.constant 0 : i32
        %dma_start3A_170 = tpu.memref_slice %dma_start3A_167[%dma_start3A_168, %dma_start3A_169] : memref<10240x128xf32, #tpu.memory_space<hbm>> -> memref<10240x128xf32, #tpu.memory_space<hbm>>
        tpu.enqueue_indirect_dma source(%dma_start3A_170 : memref<10240x128xf32, #tpu.memory_space<hbm>>) target(%dma_start3A_160 : memref<64x128xf32, #tpu.memory_space<vmem>>) offsets(%dma_start3A_163 : memref<64xi32, #tpu.memory_space<vmem>>) semaphore(%arg12 : memref<!tpu.dma_semaphore, #tpu.memory_space<semaphore_mem>>)
        %dma_wait3A_171 = arith.constant 0 : i32
        %dma_wait3A_172 = tpu.memref_slice %arg9[%add3A_104, %dma_wait3A_171] : memref<32x128xi32, #tpu.memory_space<vmem>> -> memref<1x128xi32, #tpu.memory_space<vmem>>
        %dma_wait3A_173 = tpu.memref_squeeze %dma_wait3A_172 : memref<1x128xi32, #tpu.memory_space<vmem>> -> memref<128xi32, #tpu.memory_space<vmem>>
        %dma_wait3A_174 = arith.constant 0 : i32
        %dma_wait3A_175 = arith.constant 0 : i32
        %dma_wait3A_176 = tpu.memref_slice %arg7[%dma_wait3A_174, %dma_wait3A_175] : memref<10240x128xf32, #tpu.memory_space<vmem_shared>> -> memref<10240x128xf32, #tpu.memory_space<vmem_shared>>
        tpu.wait_indirect_dma semaphore(%arg15 : memref<!tpu.dma_semaphore, #tpu.memory_space<semaphore_mem>>) src(%arg11 : memref<128x128xf32, #tpu.memory_space<vmem>>) dst(%dma_wait3A_176 : memref<10240x128xf32, #tpu.memory_space<vmem_shared>>)
        %add3A_177 = arith.constant 2 : i32
        %add3A_178 = arith.addi %add3A_104, %add3A_177 : i32
        %dma_start3A_179 = arith.constant 0 : i32
        %dma_start3A_180 = arith.constant 0 : i32
        %dma_start3A_181 = tpu.memref_slice %arg11[%dma_start3A_179, %dma_start3A_180] : memref<128x128xf32, #tpu.memory_space<vmem>> -> memref<64x128xf32, #tpu.memory_space<vmem>>
        %dma_start3A_182 = arith.constant 0 : i32
        %dma_start3A_183 = tpu.memref_slice %arg8[%add3A_178, %dma_start3A_182] : memref<32x128xi32, #tpu.memory_space<vmem>> -> memref<1x64xi32, #tpu.memory_space<vmem>>
        %dma_start3A_184 = tpu.memref_squeeze %dma_start3A_183 : memref<1x64xi32, #tpu.memory_space<vmem>> -> memref<64xi32, #tpu.memory_space<vmem>>
        %dma_start3A_185 = arith.constant 0 : i32
        %dma_start3A_186 = arith.constant 0 : i32
        %dma_start3A_187 = tpu.memref_slice %arg2[%arg0, %dma_start3A_185, %dma_start3A_186] : memref<2x10240x128xf32, #tpu.memory_space<hbm>> -> memref<1x10240x128xf32, #tpu.memory_space<hbm>>
        %dma_start3A_188 = tpu.memref_squeeze %dma_start3A_187 : memref<1x10240x128xf32, #tpu.memory_space<hbm>> -> memref<10240x128xf32, #tpu.memory_space<hbm>>
        %dma_start3A_189 = arith.constant 0 : i32
        %dma_start3A_190 = arith.constant 0 : i32
        %dma_start3A_191 = tpu.memref_slice %dma_start3A_188[%dma_start3A_189, %dma_start3A_190] : memref<10240x128xf32, #tpu.memory_space<hbm>> -> memref<10240x128xf32, #tpu.memory_space<hbm>>
        tpu.enqueue_indirect_dma source(%dma_start3A_191 : memref<10240x128xf32, #tpu.memory_space<hbm>>) target(%dma_start3A_181 : memref<64x128xf32, #tpu.memory_space<vmem>>) offsets(%dma_start3A_184 : memref<64xi32, #tpu.memory_space<vmem>>) semaphore(%arg13 : memref<!tpu.dma_semaphore, #tpu.memory_space<semaphore_mem>>)
        %dma_start3A_192 = arith.constant 64 : i32
        %dma_start3A_193 = arith.constant 0 : i32
        %dma_start3A_194 = tpu.memref_slice %arg11[%dma_start3A_192, %dma_start3A_193] : memref<128x128xf32, #tpu.memory_space<vmem>> -> memref<64x128xf32, #tpu.memory_space<vmem>>
        %dma_start3A_195 = arith.constant 64 : i32
        %dma_start3A_196 = tpu.memref_slice %arg8[%add3A_178, %dma_start3A_195] : memref<32x128xi32, #tpu.memory_space<vmem>> -> memref<1x64xi32, #tpu.memory_space<vmem>>
        %dma_start3A_197 = tpu.memref_squeeze %dma_start3A_196 : memref<1x64xi32, #tpu.memory_space<vmem>> -> memref<64xi32, #tpu.memory_space<vmem>>
        %dma_start3A_198 = arith.constant 0 : i32
        %dma_start3A_199 = arith.constant 0 : i32
        %dma_start3A_200 = tpu.memref_slice %arg2[%arg0, %dma_start3A_198, %dma_start3A_199] : memref<2x10240x128xf32, #tpu.memory_space<hbm>> -> memref<1x10240x128xf32, #tpu.memory_space<hbm>>
        %dma_start3A_201 = tpu.memref_squeeze %dma_start3A_200 : memref<1x10240x128xf32, #tpu.memory_space<hbm>> -> memref<10240x128xf32, #tpu.memory_space<hbm>>
        %dma_start3A_202 = arith.constant 0 : i32
        %dma_start3A_203 = arith.constant 0 : i32
        %dma_start3A_204 = tpu.memref_slice %dma_start3A_201[%dma_start3A_202, %dma_start3A_203] : memref<10240x128xf32, #tpu.memory_space<hbm>> -> memref<10240x128xf32, #tpu.memory_space<hbm>>
        tpu.enqueue_indirect_dma source(%dma_start3A_204 : memref<10240x128xf32, #tpu.memory_space<hbm>>) target(%dma_start3A_194 : memref<64x128xf32, #tpu.memory_space<vmem>>) offsets(%dma_start3A_197 : memref<64xi32, #tpu.memory_space<vmem>>) semaphore(%arg13 : memref<!tpu.dma_semaphore, #tpu.memory_space<semaphore_mem>>)
      }
      %scan3A_77 = arith.constant 15 : i32
      %dma_wait3A = arith.constant 30 : i32
      %dma_wait3A_78 = arith.constant 0 : i32
      %dma_wait3A_79 = tpu.memref_slice %arg8[%dma_wait3A, %dma_wait3A_78] : memref<32x128xi32, #tpu.memory_space<vmem>> -> memref<1x128xi32, #tpu.memory_space<vmem>>
      %dma_wait3A_80 = tpu.memref_squeeze %dma_wait3A_79 : memref<1x128xi32, #tpu.memory_space<vmem>> -> memref<128xi32, #tpu.memory_space<vmem>>
      %dma_wait3A_81 = arith.constant 0 : i32
      %dma_wait3A_82 = arith.constant 0 : i32
      %dma_wait3A_83 = tpu.memref_slice %arg2[%arg0, %dma_wait3A_81, %dma_wait3A_82] : memref<2x10240x128xf32, #tpu.memory_space<hbm>> -> memref<1x10240x128xf32, #tpu.memory_space<hbm>>
      %dma_wait3A_84 = tpu.memref_squeeze %dma_wait3A_83 : memref<1x10240x128xf32, #tpu.memory_space<hbm>> -> memref<10240x128xf32, #tpu.memory_space<hbm>>
      %dma_wait3A_85 = arith.constant 0 : i32
      %dma_wait3A_86 = arith.constant 0 : i32
      %dma_wait3A_87 = tpu.memref_slice %dma_wait3A_84[%dma_wait3A_85, %dma_wait3A_86] : memref<10240x128xf32, #tpu.memory_space<hbm>> -> memref<10240x128xf32, #tpu.memory_space<hbm>>
      tpu.wait_indirect_dma semaphore(%arg12 : memref<!tpu.dma_semaphore, #tpu.memory_space<semaphore_mem>>) src(%dma_wait3A_87 : memref<10240x128xf32, #tpu.memory_space<hbm>>) dst(%arg10 : memref<128x128xf32, #tpu.memory_space<vmem>>)
      %run_scoped3A = arith.constant 30 : i32
      "tpu.region"() ({
        %run_scoped3A_100 = tpu.sem_alloc : memref<!tpu.dma_semaphore, #tpu.memory_space<semaphore_mem>>
        %dma_start3A_101 = arith.constant 0 : i32
        %dma_start3A_102 = tpu.memref_slice %arg9[%run_scoped3A, %dma_start3A_101] : memref<32x128xi32, #tpu.memory_space<vmem>> -> memref<1x128xi32, #tpu.memory_space<vmem>>
        %dma_start3A_103 = tpu.memref_squeeze %dma_start3A_102 : memref<1x128xi32, #tpu.memory_space<vmem>> -> memref<128xi32, #tpu.memory_space<vmem>>
        %dma_start3A_104 = arith.constant 0 : i32
        %dma_start3A_105 = arith.constant 0 : i32
        %dma_start3A_106 = tpu.memref_slice %arg7[%dma_start3A_104, %dma_start3A_105] : memref<10240x128xf32, #tpu.memory_space<vmem_shared>> -> memref<10240x128xf32, #tpu.memory_space<vmem_shared>>
        tpu.enqueue_indirect_dma source(%arg10 : memref<128x128xf32, #tpu.memory_space<vmem>>) target(%dma_start3A_106 : memref<10240x128xf32, #tpu.memory_space<vmem_shared>>) offsets(%dma_start3A_103 : memref<128xi32, #tpu.memory_space<vmem>>) semaphore(%run_scoped3A_100 : memref<!tpu.dma_semaphore, #tpu.memory_space<semaphore_mem>>) {add = true}
        %dma_wait3A_107 = arith.constant 0 : i32
        %dma_wait3A_108 = tpu.memref_slice %arg9[%run_scoped3A, %dma_wait3A_107] : memref<32x128xi32, #tpu.memory_space<vmem>> -> memref<1x128xi32, #tpu.memory_space<vmem>>
        %dma_wait3A_109 = tpu.memref_squeeze %dma_wait3A_108 : memref<1x128xi32, #tpu.memory_space<vmem>> -> memref<128xi32, #tpu.memory_space<vmem>>
        %dma_wait3A_110 = arith.constant 0 : i32
        %dma_wait3A_111 = arith.constant 0 : i32
        %dma_wait3A_112 = tpu.memref_slice %arg7[%dma_wait3A_110, %dma_wait3A_111] : memref<10240x128xf32, #tpu.memory_space<vmem_shared>> -> memref<10240x128xf32, #tpu.memory_space<vmem_shared>>
        tpu.wait_indirect_dma semaphore(%run_scoped3A_100 : memref<!tpu.dma_semaphore, #tpu.memory_space<semaphore_mem>>) src(%arg10 : memref<128x128xf32, #tpu.memory_space<vmem>>) dst(%dma_wait3A_112 : memref<10240x128xf32, #tpu.memory_space<vmem_shared>>)
        tpu.yield
      }) : () -> ()
      %dma_wait3A_88 = arith.constant 31 : i32
      %dma_wait3A_89 = arith.constant 0 : i32
      %dma_wait3A_90 = tpu.memref_slice %arg8[%dma_wait3A_88, %dma_wait3A_89] : memref<32x128xi32, #tpu.memory_space<vmem>> -> memref<1x128xi32, #tpu.memory_space<vmem>>
      %dma_wait3A_91 = tpu.memref_squeeze %dma_wait3A_90 : memref<1x128xi32, #tpu.memory_space<vmem>> -> memref<128xi32, #tpu.memory_space<vmem>>
      %dma_wait3A_92 = arith.constant 0 : i32
      %dma_wait3A_93 = arith.constant 0 : i32
      %dma_wait3A_94 = tpu.memref_slice %arg2[%arg0, %dma_wait3A_92, %dma_wait3A_93] : memref<2x10240x128xf32, #tpu.memory_space<hbm>> -> memref<1x10240x128xf32, #tpu.memory_space<hbm>>
      %dma_wait3A_95 = tpu.memref_squeeze %dma_wait3A_94 : memref<1x10240x128xf32, #tpu.memory_space<hbm>> -> memref<10240x128xf32, #tpu.memory_space<hbm>>
      %dma_wait3A_96 = arith.constant 0 : i32
      %dma_wait3A_97 = arith.constant 0 : i32
      %dma_wait3A_98 = tpu.memref_slice %dma_wait3A_95[%dma_wait3A_96, %dma_wait3A_97] : memref<10240x128xf32, #tpu.memory_space<hbm>> -> memref<10240x128xf32, #tpu.memory_space<hbm>>
      tpu.wait_indirect_dma semaphore(%arg13 : memref<!tpu.dma_semaphore, #tpu.memory_space<semaphore_mem>>) src(%dma_wait3A_98 : memref<10240x128xf32, #tpu.memory_space<hbm>>) dst(%arg11 : memref<128x128xf32, #tpu.memory_space<vmem>>)
      %run_scoped3A_99 = arith.constant 31 : i32
      "tpu.region"() ({
        %run_scoped3A_100 = tpu.sem_alloc : memref<!tpu.dma_semaphore, #tpu.memory_space<semaphore_mem>>
        %dma_start3A_101 = arith.constant 0 : i32
        %dma_start3A_102 = tpu.memref_slice %arg9[%run_scoped3A_99, %dma_start3A_101] : memref<32x128xi32, #tpu.memory_space<vmem>> -> memref<1x128xi32, #tpu.memory_space<vmem>>
        %dma_start3A_103 = tpu.memref_squeeze %dma_start3A_102 : memref<1x128xi32, #tpu.memory_space<vmem>> -> memref<128xi32, #tpu.memory_space<vmem>>
        %dma_start3A_104 = arith.constant 0 : i32
        %dma_start3A_105 = arith.constant 0 : i32
        %dma_start3A_106 = tpu.memref_slice %arg7[%dma_start3A_104, %dma_start3A_105] : memref<10240x128xf32, #tpu.memory_space<vmem_shared>> -> memref<10240x128xf32, #tpu.memory_space<vmem_shared>>
        tpu.enqueue_indirect_dma source(%arg11 : memref<128x128xf32, #tpu.memory_space<vmem>>) target(%dma_start3A_106 : memref<10240x128xf32, #tpu.memory_space<vmem_shared>>) offsets(%dma_start3A_103 : memref<128xi32, #tpu.memory_space<vmem>>) semaphore(%run_scoped3A_100 : memref<!tpu.dma_semaphore, #tpu.memory_space<semaphore_mem>>) {add = true}
        %dma_wait3A_107 = arith.constant 0 : i32
        %dma_wait3A_108 = tpu.memref_slice %arg9[%run_scoped3A_99, %dma_wait3A_107] : memref<32x128xi32, #tpu.memory_space<vmem>> -> memref<1x128xi32, #tpu.memory_space<vmem>>
        %dma_wait3A_109 = tpu.memref_squeeze %dma_wait3A_108 : memref<1x128xi32, #tpu.memory_space<vmem>> -> memref<128xi32, #tpu.memory_space<vmem>>
        %dma_wait3A_110 = arith.constant 0 : i32
        %dma_wait3A_111 = arith.constant 0 : i32
        %dma_wait3A_112 = tpu.memref_slice %arg7[%dma_wait3A_110, %dma_wait3A_111] : memref<10240x128xf32, #tpu.memory_space<vmem_shared>> -> memref<10240x128xf32, #tpu.memory_space<vmem_shared>>
        tpu.wait_indirect_dma semaphore(%run_scoped3A_100 : memref<!tpu.dma_semaphore, #tpu.memory_space<semaphore_mem>>) src(%arg11 : memref<128x128xf32, #tpu.memory_space<vmem>>) dst(%dma_wait3A_112 : memref<10240x128xf32, #tpu.memory_space<vmem_shared>>)
        tpu.yield
      }) : () -> ()
    }
    %scan3A_7 = arith.constant 5 : i32
    %barrier3A_8 = arith.constant 0 : index
    tpu.barrier barrier_id(%barrier3A_8)
    %mul3A_9 = arith.constant 640 : i32
    %mul3A_10 = arith.muli %arg1, %mul3A_9 : i32
    %mul3A_11 = arith.constant 640 : i32
    %mul3A_12 = arith.muli %arg1, %mul3A_11 : i32
    "tpu.region"() ({
      %run_scoped3A = tpu.sem_alloc : memref<!tpu.dma_semaphore, #tpu.memory_space<semaphore_mem>>
      %dma_start3A = arith.constant 0 : i32
      %dma_start3A_13 = tpu.memref_slice %arg6[%arg0, %mul3A_12, %dma_start3A] : memref<2x10240x128xf32, #tpu.memory_space<hbm>> -> memref<1x640x128xf32, #tpu.memory_space<hbm>>
      %dma_start3A_14 = tpu.memref_squeeze %dma_start3A_13 : memref<1x640x128xf32, #tpu.memory_space<hbm>> -> memref<640x128xf32, #tpu.memory_space<hbm>>
      %dma_start3A_15 = arith.constant 0 : i32
      %dma_start3A_16 = tpu.memref_slice %arg7[%mul3A_10, %dma_start3A_15] : memref<10240x128xf32, #tpu.memory_space<vmem_shared>> -> memref<640x128xf32, #tpu.memory_space<vmem_shared>>
      tpu.enqueue_dma source(%dma_start3A_16 : memref<640x128xf32, #tpu.memory_space<vmem_shared>>) target(%dma_start3A_14 : memref<640x128xf32, #tpu.memory_space<hbm>>) target_semaphore(%run_scoped3A : memref<!tpu.dma_semaphore, #tpu.memory_space<semaphore_mem>>)
      %dma_wait3A = arith.constant 0 : i32
      %dma_wait3A_17 = tpu.memref_slice %arg6[%arg0, %mul3A_12, %dma_wait3A] : memref<2x10240x128xf32, #tpu.memory_space<hbm>> -> memref<1x640x128xf32, #tpu.memory_space<hbm>>
      %dma_wait3A_18 = tpu.memref_squeeze %dma_wait3A_17 : memref<1x640x128xf32, #tpu.memory_space<hbm>> -> memref<640x128xf32, #tpu.memory_space<hbm>>
      %dma_wait3A_19 = arith.constant 0 : i32
      %dma_wait3A_20 = tpu.memref_slice %arg7[%mul3A_10, %dma_wait3A_19] : memref<10240x128xf32, #tpu.memory_space<vmem_shared>> -> memref<640x128xf32, #tpu.memory_space<vmem_shared>>
      tpu.wait_dma2 semaphore(%run_scoped3A : memref<!tpu.dma_semaphore, #tpu.memory_space<semaphore_mem>>) src(%dma_wait3A_20 : memref<640x128xf32, #tpu.memory_space<vmem_shared>>) dst(%dma_wait3A_18 : memref<640x128xf32, #tpu.memory_space<hbm>>)
      tpu.yield
    }) : () -> ()
    return
  }
}

#map = affine_map<(d0, d1) -> (0, 0, 0)>
#map1 = affine_map<(d0, d1) -> (0, 0)>
module attributes {stable_mosaic.version = 14 : i64} {
  func.func @k(%arg0: i32, %arg1: i32, %arg2: memref<2x10240x128xf32, #tpu.memory_space<hbm>>, %arg3: memref<2560x128xi32, #tpu.memory_space<hbm>>, %arg4: memref<2560x128xi32, #tpu.memory_space<hbm>>, %arg5: memref<10240x128xf32, #tpu.memory_space<hbm>>, %arg6: memref<2x10240x128xf32, #tpu.memory_space<hbm>>, %arg7: memref<10240x128xf32, #tpu.memory_space<vmem_shared>>, %arg8: memref<32x128xi32, #tpu.memory_space<vmem>>, %arg9: memref<32x128xi32, #tpu.memory_space<vmem>>, %arg10: memref<128x128xf32, #tpu.memory_space<vmem>>, %arg11: memref<128x128xf32, #tpu.memory_space<vmem>>, %arg12: memref<!tpu.dma_semaphore, #tpu.memory_space<semaphore_mem>>, %arg13: memref<!tpu.dma_semaphore, #tpu.memory_space<semaphore_mem>>, %arg14: memref<!tpu.dma_semaphore, #tpu.memory_space<semaphore_mem>>, %arg15: memref<!tpu.dma_semaphore, #tpu.memory_space<semaphore_mem>>) attributes {dimension_semantics = [#tpu.dimension_semantics<core_parallel>, #tpu.dimension_semantics<subcore_parallel>], iteration_bounds = array<i64: 2, 16>, scalar_prefetch = 0 : i64, scratch_operands = 9 : i64, tpu.core_type = #tpu.core_type<sc_vector_subcore>, window_params = [{transform_indices = #map}, {transform_indices = #map1}, {transform_indices = #map1}, {transform_indices = #map1}, {transform_indices = #map}]} {
    %mul3A = arith.constant 640 : i32
    %mul3A_0 = arith.muli %arg1, %mul3A : i32
    %mul3A_1 = arith.constant 640 : i32
    %mul3A_2 = arith.muli %arg1, %mul3A_1 : i32
    "tpu.region"() ({
      %run_scoped3A = tpu.sem_alloc : memref<!tpu.dma_semaphore, #tpu.memory_space<semaphore_mem>>
      %dma_start3A = arith.constant 0 : i32
      %dma_start3A_13 = tpu.memref_slice %arg7[%mul3A_2, %dma_start3A] : memref<10240x128xf32, #tpu.memory_space<vmem_shared>> -> memref<640x128xf32, #tpu.memory_space<vmem_shared>>
      %dma_start3A_14 = arith.constant 0 : i32
      %dma_start3A_15 = tpu.memref_slice %arg5[%mul3A_0, %dma_start3A_14] : memref<10240x128xf32, #tpu.memory_space<hbm>> -> memref<640x128xf32, #tpu.memory_space<hbm>>
      tpu.enqueue_dma source(%dma_start3A_15 : memref<640x128xf32, #tpu.memory_space<hbm>>) target(%dma_start3A_13 : memref<640x128xf32, #tpu.memory_space<vmem_shared>>) target_semaphore(%run_scoped3A : memref<!tpu.dma_semaphore, #tpu.memory_space<semaphore_mem>>)
      %dma_wait3A = arith.constant 0 : i32
      %dma_wait3A_16 = tpu.memref_slice %arg7[%mul3A_2, %dma_wait3A] : memref<10240x128xf32, #tpu.memory_space<vmem_shared>> -> memref<640x128xf32, #tpu.memory_space<vmem_shared>>
      %dma_wait3A_17 = arith.constant 0 : i32
      %dma_wait3A_18 = tpu.memref_slice %arg5[%mul3A_0, %dma_wait3A_17] : memref<10240x128xf32, #tpu.memory_space<hbm>> -> memref<640x128xf32, #tpu.memory_space<hbm>>
      tpu.wait_dma2 semaphore(%run_scoped3A : memref<!tpu.dma_semaphore, #tpu.memory_space<semaphore_mem>>) src(%dma_wait3A_18 : memref<640x128xf32, #tpu.memory_space<hbm>>) dst(%dma_wait3A_16 : memref<640x128xf32, #tpu.memory_space<vmem_shared>>)
      tpu.yield
    }) : () -> ()
    %barrier3A = arith.constant 0 : index
    tpu.barrier barrier_id(%barrier3A)
    %scan3A = arith.constant 0 : i32
    %scan3A_3 = arith.constant 0 : i32
    %scan3A_4 = arith.constant 5 : i32
    %scan3A_5 = arith.addi %scan3A_3, %scan3A_4 : i32
    %scan3A_6 = arith.constant 1 : i32
    scf.for %scan3A_13 = %scan3A_3 to %scan3A_5 step %scan3A_6  : i32 {
      %mul3A_14 = arith.constant 160 : i32
      %mul3A_15 = arith.muli %arg1, %mul3A_14 : i32
      %mul3A_16 = arith.constant 32 : i32
      %mul3A_17 = arith.muli %scan3A_13, %mul3A_16 : i32
      %add3A = arith.addi %mul3A_15, %mul3A_17 : i32
      "tpu.region"() ({
        %run_scoped3A_100 = tpu.sem_alloc : memref<!tpu.dma_semaphore, #tpu.memory_space<semaphore_mem>>
        %dma_start3A_101 = arith.constant 0 : i32
        %dma_start3A_102 = tpu.memref_slice %arg3[%add3A, %dma_start3A_101] : memref<2560x128xi32, #tpu.memory_space<hbm>> -> memref<32x128xi32, #tpu.memory_space<hbm>>
        %dma_start3A_103 = arith.constant 0 : i32
        %dma_start3A_104 = tpu.memref_slice %arg3[%add3A, %dma_start3A_103] : memref<2560x128xi32, #tpu.memory_space<hbm>> -> memref<32x128xi32, #tpu.memory_space<hbm>>
        tpu.enqueue_dma source(%dma_start3A_104 : memref<32x128xi32, #tpu.memory_space<hbm>>) target(%arg8 : memref<32x128xi32, #tpu.memory_space<vmem>>) target_semaphore(%run_scoped3A_100 : memref<!tpu.dma_semaphore, #tpu.memory_space<semaphore_mem>>)
        %dma_wait3A_105 = arith.constant 0 : i32
        %dma_wait3A_106 = tpu.memref_slice %arg3[%add3A, %dma_wait3A_105] : memref<2560x128xi32, #tpu.memory_space<hbm>> -> memref<32x128xi32, #tpu.memory_space<hbm>>
        %dma_wait3A_107 = arith.constant 0 : i32
        %dma_wait3A_108 = tpu.memref_slice %arg3[%add3A, %dma_wait3A_107] : memref<2560x128xi32, #tpu.memory_space<hbm>> -> memref<32x128xi32, #tpu.memory_space<hbm>>
        tpu.wait_dma2 semaphore(%run_scoped3A_100 : memref<!tpu.dma_semaphore, #tpu.memory_space<semaphore_mem>>) src(%dma_wait3A_108 : memref<32x128xi32, #tpu.memory_space<hbm>>) dst(%arg8 : memref<32x128xi32, #tpu.memory_space<vmem>>)
        tpu.yield
      }) : () -> ()
      "tpu.region"() ({
        %run_scoped3A_100 = tpu.sem_alloc : memref<!tpu.dma_semaphore, #tpu.memory_space<semaphore_mem>>
        %dma_start3A_101 = arith.constant 0 : i32
        %dma_start3A_102 = tpu.memref_slice %arg4[%add3A, %dma_start3A_101] : memref<2560x128xi32, #tpu.memory_space<hbm>> -> memref<32x128xi32, #tpu.memory_space<hbm>>
        %dma_start3A_103 = arith.constant 0 : i32
        %dma_start3A_104 = tpu.memref_slice %arg4[%add3A, %dma_start3A_103] : memref<2560x128xi32, #tpu.memory_space<hbm>> -> memref<32x128xi32, #tpu.memory_space<hbm>>
        tpu.enqueue_dma source(%dma_start3A_104 : memref<32x128xi32, #tpu.memory_space<hbm>>) target(%arg9 : memref<32x128xi32, #tpu.memory_space<vmem>>) target_semaphore(%run_scoped3A_100 : memref<!tpu.dma_semaphore, #tpu.memory_space<semaphore_mem>>)
        %dma_wait3A_105 = arith.constant 0 : i32
        %dma_wait3A_106 = tpu.memref_slice %arg4[%add3A, %dma_wait3A_105] : memref<2560x128xi32, #tpu.memory_space<hbm>> -> memref<32x128xi32, #tpu.memory_space<hbm>>
        %dma_wait3A_107 = arith.constant 0 : i32
        %dma_wait3A_108 = tpu.memref_slice %arg4[%add3A, %dma_wait3A_107] : memref<2560x128xi32, #tpu.memory_space<hbm>> -> memref<32x128xi32, #tpu.memory_space<hbm>>
        tpu.wait_dma2 semaphore(%run_scoped3A_100 : memref<!tpu.dma_semaphore, #tpu.memory_space<semaphore_mem>>) src(%dma_wait3A_108 : memref<32x128xi32, #tpu.memory_space<hbm>>) dst(%arg9 : memref<32x128xi32, #tpu.memory_space<vmem>>)
        tpu.yield
      }) : () -> ()
      %dma_start3A = arith.constant 0 : i32
      %dma_start3A_18 = arith.constant 0 : i32
      %dma_start3A_19 = arith.constant 0 : i32
      %dma_start3A_20 = tpu.memref_slice %arg10[%dma_start3A_18, %dma_start3A_19] : memref<128x128xf32, #tpu.memory_space<vmem>> -> memref<64x128xf32, #tpu.memory_space<vmem>>
      %dma_start3A_21 = arith.constant 0 : i32
      %dma_start3A_22 = tpu.memref_slice %arg8[%dma_start3A, %dma_start3A_21] : memref<32x128xi32, #tpu.memory_space<vmem>> -> memref<1x64xi32, #tpu.memory_space<vmem>>
      %dma_start3A_23 = tpu.memref_squeeze %dma_start3A_22 : memref<1x64xi32, #tpu.memory_space<vmem>> -> memref<64xi32, #tpu.memory_space<vmem>>
      %dma_start3A_24 = arith.constant 0 : i32
      %dma_start3A_25 = arith.constant 0 : i32
      %dma_start3A_26 = tpu.memref_slice %arg2[%arg0, %dma_start3A_24, %dma_start3A_25] : memref<2x10240x128xf32, #tpu.memory_space<hbm>> -> memref<1x10240x128xf32, #tpu.memory_space<hbm>>
      %dma_start3A_27 = tpu.memref_squeeze %dma_start3A_26 : memref<1x10240x128xf32, #tpu.memory_space<hbm>> -> memref<10240x128xf32, #tpu.memory_space<hbm>>
      %dma_start3A_28 = arith.constant 0 : i32
      %dma_start3A_29 = arith.constant 0 : i32
      %dma_start3A_30 = tpu.memref_slice %dma_start3A_27[%dma_start3A_28, %dma_start3A_29] : memref<10240x128xf32, #tpu.memory_space<hbm>> -> memref<10240x128xf32, #tpu.memory_space<hbm>>
      tpu.enqueue_indirect_dma source(%dma_start3A_30 : memref<10240x128xf32, #tpu.memory_space<hbm>>) target(%dma_start3A_20 : memref<64x128xf32, #tpu.memory_space<vmem>>) offsets(%dma_start3A_23 : memref<64xi32, #tpu.memory_space<vmem>>) semaphore(%arg12 : memref<!tpu.dma_semaphore, #tpu.memory_space<semaphore_mem>>)
      %dma_start3A_31 = arith.constant 0 : i32
      %dma_start3A_32 = arith.constant 64 : i32
      %dma_start3A_33 = arith.constant 0 : i32
      %dma_start3A_34 = tpu.memref_slice %arg10[%dma_start3A_32, %dma_start3A_33] : memref<128x128xf32, #tpu.memory_space<vmem>> -> memref<64x128xf32, #tpu.memory_space<vmem>>
      %dma_start3A_35 = arith.constant 64 : i32
      %dma_start3A_36 = tpu.memref_slice %arg8[%dma_start3A_31, %dma_start3A_35] : memref<32x128xi32, #tpu.memory_space<vmem>> -> memref<1x64xi32, #tpu.memory_space<vmem>>
      %dma_start3A_37 = tpu.memref_squeeze %dma_start3A_36 : memref<1x64xi32, #tpu.memory_space<vmem>> -> memref<64xi32, #tpu.memory_space<vmem>>
      %dma_start3A_38 = arith.constant 0 : i32
      %dma_start3A_39 = arith.constant 0 : i32
      %dma_start3A_40 = tpu.memref_slice %arg2[%arg0, %dma_start3A_38, %dma_start3A_39] : memref<2x10240x128xf32, #tpu.memory_space<hbm>> -> memref<1x10240x128xf32, #tpu.memory_space<hbm>>
      %dma_start3A_41 = tpu.memref_squeeze %dma_start3A_40 : memref<1x10240x128xf32, #tpu.memory_space<hbm>> -> memref<10240x128xf32, #tpu.memory_space<hbm>>
      %dma_start3A_42 = arith.constant 0 : i32
      %dma_start3A_43 = arith.constant 0 : i32
      %dma_start3A_44 = tpu.memref_slice %dma_start3A_41[%dma_start3A_42, %dma_start3A_43] : memref<10240x128xf32, #tpu.memory_space<hbm>> -> memref<10240x128xf32, #tpu.memory_space<hbm>>
      tpu.enqueue_indirect_dma source(%dma_start3A_44 : memref<10240x128xf32, #tpu.memory_space<hbm>>) target(%dma_start3A_34 : memref<64x128xf32, #tpu.memory_space<vmem>>) offsets(%dma_start3A_37 : memref<64xi32, #tpu.memory_space<vmem>>) semaphore(%arg12 : memref<!tpu.dma_semaphore, #tpu.memory_space<semaphore_mem>>)
      %dma_start3A_45 = arith.constant 1 : i32
      %dma_start3A_46 = arith.constant 0 : i32
      %dma_start3A_47 = arith.constant 0 : i32
      %dma_start3A_48 = tpu.memref_slice %arg11[%dma_start3A_46, %dma_start3A_47] : memref<128x128xf32, #tpu.memory_space<vmem>> -> memref<64x128xf32, #tpu.memory_space<vmem>>
      %dma_start3A_49 = arith.constant 0 : i32
      %dma_start3A_50 = tpu.memref_slice %arg8[%dma_start3A_45, %dma_start3A_49] : memref<32x128xi32, #tpu.memory_space<vmem>> -> memref<1x64xi32, #tpu.memory_space<vmem>>
      %dma_start3A_51 = tpu.memref_squeeze %dma_start3A_50 : memref<1x64xi32, #tpu.memory_space<vmem>> -> memref<64xi32, #tpu.memory_space<vmem>>
      %dma_start3A_52 = arith.constant 0 : i32
      %dma_start3A_53 = arith.constant 0 : i32
      %dma_start3A_54 = tpu.memref_slice %arg2[%arg0, %dma_start3A_52, %dma_start3A_53] : memref<2x10240x128xf32, #tpu.memory_space<hbm>> -> memref<1x10240x128xf32, #tpu.memory_space<hbm>>
      %dma_start3A_55 = tpu.memref_squeeze %dma_start3A_54 : memref<1x10240x128xf32, #tpu.memory_space<hbm>> -> memref<10240x128xf32, #tpu.memory_space<hbm>>
      %dma_start3A_56 = arith.constant 0 : i32
      %dma_start3A_57 = arith.constant 0 : i32
      %dma_start3A_58 = tpu.memref_slice %dma_start3A_55[%dma_start3A_56, %dma_start3A_57] : memref<10240x128xf32, #tpu.memory_space<hbm>> -> memref<10240x128xf32, #tpu.memory_space<hbm>>
      tpu.enqueue_indirect_dma source(%dma_start3A_58 : memref<10240x128xf32, #tpu.memory_space<hbm>>) target(%dma_start3A_48 : memref<64x128xf32, #tpu.memory_space<vmem>>) offsets(%dma_start3A_51 : memref<64xi32, #tpu.memory_space<vmem>>) semaphore(%arg13 : memref<!tpu.dma_semaphore, #tpu.memory_space<semaphore_mem>>)
      %dma_start3A_59 = arith.constant 1 : i32
      %dma_start3A_60 = arith.constant 64 : i32
      %dma_start3A_61 = arith.constant 0 : i32
      %dma_start3A_62 = tpu.memref_slice %arg11[%dma_start3A_60, %dma_start3A_61] : memref<128x128xf32, #tpu.memory_space<vmem>> -> memref<64x128xf32, #tpu.memory_space<vmem>>
      %dma_start3A_63 = arith.constant 64 : i32
      %dma_start3A_64 = tpu.memref_slice %arg8[%dma_start3A_59, %dma_start3A_63] : memref<32x128xi32, #tpu.memory_space<vmem>> -> memref<1x64xi32, #tpu.memory_space<vmem>>
      %dma_start3A_65 = tpu.memref_squeeze %dma_start3A_64 : memref<1x64xi32, #tpu.memory_space<vmem>> -> memref<64xi32, #tpu.memory_space<vmem>>
      %dma_start3A_66 = arith.constant 0 : i32
      %dma_start3A_67 = arith.constant 0 : i32
      %dma_start3A_68 = tpu.memref_slice %arg2[%arg0, %dma_start3A_66, %dma_start3A_67] : memref<2x10240x128xf32, #tpu.memory_space<hbm>> -> memref<1x10240x128xf32, #tpu.memory_space<hbm>>
      %dma_start3A_69 = tpu.memref_squeeze %dma_start3A_68 : memref<1x10240x128xf32, #tpu.memory_space<hbm>> -> memref<10240x128xf32, #tpu.memory_space<hbm>>
      %dma_start3A_70 = arith.constant 0 : i32
      %dma_start3A_71 = arith.constant 0 : i32
      %dma_start3A_72 = tpu.memref_slice %dma_start3A_69[%dma_start3A_70, %dma_start3A_71] : memref<10240x128xf32, #tpu.memory_space<hbm>> -> memref<10240x128xf32, #tpu.memory_space<hbm>>
      tpu.enqueue_indirect_dma source(%dma_start3A_72 : memref<10240x128xf32, #tpu.memory_space<hbm>>) target(%dma_start3A_62 : memref<64x128xf32, #tpu.memory_space<vmem>>) offsets(%dma_start3A_65 : memref<64xi32, #tpu.memory_space<vmem>>) semaphore(%arg13 : memref<!tpu.dma_semaphore, #tpu.memory_space<semaphore_mem>>)
      %scan3A_73 = arith.constant 0 : i32
      %scan3A_74 = arith.constant 15 : i32
      %scan3A_75 = arith.addi %scan3A_73, %scan3A_74 : i32
      %scan3A_76 = arith.constant 1 : i32
      scf.for %scan3A_100 = %scan3A_73 to %scan3A_75 step %scan3A_76  : i32 {
        %mul3A_101 = arith.constant 2 : i32
        %mul3A_102 = arith.muli %scan3A_100, %mul3A_101 : i32
        %add3A_103 = arith.constant 1 : i32
        %add3A_104 = arith.addi %mul3A_102, %add3A_103 : i32
        %dma_wait3A_105 = arith.constant 0 : i32
        %dma_wait3A_106 = tpu.memref_slice %arg8[%mul3A_102, %dma_wait3A_105] : memref<32x128xi32, #tpu.memory_space<vmem>> -> memref<1x128xi32, #tpu.memory_space<vmem>>
        %dma_wait3A_107 = tpu.memref_squeeze %dma_wait3A_106 : memref<1x128xi32, #tpu.memory_space<vmem>> -> memref<128xi32, #tpu.memory_space<vmem>>
        %dma_wait3A_108 = arith.constant 0 : i32
        %dma_wait3A_109 = arith.constant 0 : i32
        %dma_wait3A_110 = tpu.memref_slice %arg2[%arg0, %dma_wait3A_108, %dma_wait3A_109] : memref<2x10240x128xf32, #tpu.memory_space<hbm>> -> memref<1x10240x128xf32, #tpu.memory_space<hbm>>
        %dma_wait3A_111 = tpu.memref_squeeze %dma_wait3A_110 : memref<1x10240x128xf32, #tpu.memory_space<hbm>> -> memref<10240x128xf32, #tpu.memory_space<hbm>>
        %dma_wait3A_112 = arith.constant 0 : i32
        %dma_wait3A_113 = arith.constant 0 : i32
        %dma_wait3A_114 = tpu.memref_slice %dma_wait3A_111[%dma_wait3A_112, %dma_wait3A_113] : memref<10240x128xf32, #tpu.memory_space<hbm>> -> memref<10240x128xf32, #tpu.memory_space<hbm>>
        tpu.wait_indirect_dma semaphore(%arg12 : memref<!tpu.dma_semaphore, #tpu.memory_space<semaphore_mem>>) src(%dma_wait3A_114 : memref<10240x128xf32, #tpu.memory_space<hbm>>) dst(%arg10 : memref<128x128xf32, #tpu.memory_space<vmem>>)
        %dma_start3A_115 = arith.constant 0 : i32
        %dma_start3A_116 = tpu.memref_slice %arg9[%mul3A_102, %dma_start3A_115] : memref<32x128xi32, #tpu.memory_space<vmem>> -> memref<1x128xi32, #tpu.memory_space<vmem>>
        %dma_start3A_117 = tpu.memref_squeeze %dma_start3A_116 : memref<1x128xi32, #tpu.memory_space<vmem>> -> memref<128xi32, #tpu.memory_space<vmem>>
        %dma_start3A_118 = arith.constant 0 : i32
        %dma_start3A_119 = arith.constant 0 : i32
        %dma_start3A_120 = tpu.memref_slice %arg7[%dma_start3A_118, %dma_start3A_119] : memref<10240x128xf32, #tpu.memory_space<vmem_shared>> -> memref<10240x128xf32, #tpu.memory_space<vmem_shared>>
        tpu.enqueue_indirect_dma source(%arg10 : memref<128x128xf32, #tpu.memory_space<vmem>>) target(%dma_start3A_120 : memref<10240x128xf32, #tpu.memory_space<vmem_shared>>) offsets(%dma_start3A_117 : memref<128xi32, #tpu.memory_space<vmem>>) semaphore(%arg14 : memref<!tpu.dma_semaphore, #tpu.memory_space<semaphore_mem>>) {add = true}
        %dma_wait3A_121 = arith.constant 0 : i32
        %dma_wait3A_122 = tpu.memref_slice %arg8[%add3A_104, %dma_wait3A_121] : memref<32x128xi32, #tpu.memory_space<vmem>> -> memref<1x128xi32, #tpu.memory_space<vmem>>
        %dma_wait3A_123 = tpu.memref_squeeze %dma_wait3A_122 : memref<1x128xi32, #tpu.memory_space<vmem>> -> memref<128xi32, #tpu.memory_space<vmem>>
        %dma_wait3A_124 = arith.constant 0 : i32
        %dma_wait3A_125 = arith.constant 0 : i32
        %dma_wait3A_126 = tpu.memref_slice %arg2[%arg0, %dma_wait3A_124, %dma_wait3A_125] : memref<2x10240x128xf32, #tpu.memory_space<hbm>> -> memref<1x10240x128xf32, #tpu.memory_space<hbm>>
        %dma_wait3A_127 = tpu.memref_squeeze %dma_wait3A_126 : memref<1x10240x128xf32, #tpu.memory_space<hbm>> -> memref<10240x128xf32, #tpu.memory_space<hbm>>
        %dma_wait3A_128 = arith.constant 0 : i32
        %dma_wait3A_129 = arith.constant 0 : i32
        %dma_wait3A_130 = tpu.memref_slice %dma_wait3A_127[%dma_wait3A_128, %dma_wait3A_129] : memref<10240x128xf32, #tpu.memory_space<hbm>> -> memref<10240x128xf32, #tpu.memory_space<hbm>>
        tpu.wait_indirect_dma semaphore(%arg13 : memref<!tpu.dma_semaphore, #tpu.memory_space<semaphore_mem>>) src(%dma_wait3A_130 : memref<10240x128xf32, #tpu.memory_space<hbm>>) dst(%arg11 : memref<128x128xf32, #tpu.memory_space<vmem>>)
        %dma_start3A_131 = arith.constant 0 : i32
        %dma_start3A_132 = tpu.memref_slice %arg9[%add3A_104, %dma_start3A_131] : memref<32x128xi32, #tpu.memory_space<vmem>> -> memref<1x128xi32, #tpu.memory_space<vmem>>
        %dma_start3A_133 = tpu.memref_squeeze %dma_start3A_132 : memref<1x128xi32, #tpu.memory_space<vmem>> -> memref<128xi32, #tpu.memory_space<vmem>>
        %dma_start3A_134 = arith.constant 0 : i32
        %dma_start3A_135 = arith.constant 0 : i32
        %dma_start3A_136 = tpu.memref_slice %arg7[%dma_start3A_134, %dma_start3A_135] : memref<10240x128xf32, #tpu.memory_space<vmem_shared>> -> memref<10240x128xf32, #tpu.memory_space<vmem_shared>>
        tpu.enqueue_indirect_dma source(%arg11 : memref<128x128xf32, #tpu.memory_space<vmem>>) target(%dma_start3A_136 : memref<10240x128xf32, #tpu.memory_space<vmem_shared>>) offsets(%dma_start3A_133 : memref<128xi32, #tpu.memory_space<vmem>>) semaphore(%arg15 : memref<!tpu.dma_semaphore, #tpu.memory_space<semaphore_mem>>) {add = true}
        %dma_wait3A_137 = arith.constant 0 : i32
        %dma_wait3A_138 = tpu.memref_slice %arg9[%mul3A_102, %dma_wait3A_137] : memref<32x128xi32, #tpu.memory_space<vmem>> -> memref<1x128xi32, #tpu.memory_space<vmem>>
        %dma_wait3A_139 = tpu.memref_squeeze %dma_wait3A_138 : memref<1x128xi32, #tpu.memory_space<vmem>> -> memref<128xi32, #tpu.memory_space<vmem>>
        %dma_wait3A_140 = arith.constant 0 : i32
        %dma_wait3A_141 = arith.constant 0 : i32
        %dma_wait3A_142 = tpu.memref_slice %arg7[%dma_wait3A_140, %dma_wait3A_141] : memref<10240x128xf32, #tpu.memory_space<vmem_shared>> -> memref<10240x128xf32, #tpu.memory_space<vmem_shared>>
        tpu.wait_indirect_dma semaphore(%arg14 : memref<!tpu.dma_semaphore, #tpu.memory_space<semaphore_mem>>) src(%arg10 : memref<128x128xf32, #tpu.memory_space<vmem>>) dst(%dma_wait3A_142 : memref<10240x128xf32, #tpu.memory_space<vmem_shared>>)
        %add3A_143 = arith.constant 2 : i32
        %add3A_144 = arith.addi %mul3A_102, %add3A_143 : i32
        %dma_start3A_145 = arith.constant 0 : i32
        %dma_start3A_146 = arith.constant 0 : i32
        %dma_start3A_147 = tpu.memref_slice %arg10[%dma_start3A_145, %dma_start3A_146] : memref<128x128xf32, #tpu.memory_space<vmem>> -> memref<64x128xf32, #tpu.memory_space<vmem>>
        %dma_start3A_148 = arith.constant 0 : i32
        %dma_start3A_149 = tpu.memref_slice %arg8[%add3A_144, %dma_start3A_148] : memref<32x128xi32, #tpu.memory_space<vmem>> -> memref<1x64xi32, #tpu.memory_space<vmem>>
        %dma_start3A_150 = tpu.memref_squeeze %dma_start3A_149 : memref<1x64xi32, #tpu.memory_space<vmem>> -> memref<64xi32, #tpu.memory_space<vmem>>
        %dma_start3A_151 = arith.constant 0 : i32
        %dma_start3A_152 = arith.constant 0 : i32
        %dma_start3A_153 = tpu.memref_slice %arg2[%arg0, %dma_start3A_151, %dma_start3A_152] : memref<2x10240x128xf32, #tpu.memory_space<hbm>> -> memref<1x10240x128xf32, #tpu.memory_space<hbm>>
        %dma_start3A_154 = tpu.memref_squeeze %dma_start3A_153 : memref<1x10240x128xf32, #tpu.memory_space<hbm>> -> memref<10240x128xf32, #tpu.memory_space<hbm>>
        %dma_start3A_155 = arith.constant 0 : i32
        %dma_start3A_156 = arith.constant 0 : i32
        %dma_start3A_157 = tpu.memref_slice %dma_start3A_154[%dma_start3A_155, %dma_start3A_156] : memref<10240x128xf32, #tpu.memory_space<hbm>> -> memref<10240x128xf32, #tpu.memory_space<hbm>>
        tpu.enqueue_indirect_dma source(%dma_start3A_157 : memref<10240x128xf32, #tpu.memory_space<hbm>>) target(%dma_start3A_147 : memref<64x128xf32, #tpu.memory_space<vmem>>) offsets(%dma_start3A_150 : memref<64xi32, #tpu.memory_space<vmem>>) semaphore(%arg12 : memref<!tpu.dma_semaphore, #tpu.memory_space<semaphore_mem>>)
        %dma_start3A_158 = arith.constant 64 : i32
        %dma_start3A_159 = arith.constant 0 : i32
        %dma_start3A_160 = tpu.memref_slice %arg10[%dma_start3A_158, %dma_start3A_159] : memref<128x128xf32, #tpu.memory_space<vmem>> -> memref<64x128xf32, #tpu.memory_space<vmem>>
        %dma_start3A_161 = arith.constant 64 : i32
        %dma_start3A_162 = tpu.memref_slice %arg8[%add3A_144, %dma_start3A_161] : memref<32x128xi32, #tpu.memory_space<vmem>> -> memref<1x64xi32, #tpu.memory_space<vmem>>
        %dma_start3A_163 = tpu.memref_squeeze %dma_start3A_162 : memref<1x64xi32, #tpu.memory_space<vmem>> -> memref<64xi32, #tpu.memory_space<vmem>>
        %dma_start3A_164 = arith.constant 0 : i32
        %dma_start3A_165 = arith.constant 0 : i32
        %dma_start3A_166 = tpu.memref_slice %arg2[%arg0, %dma_start3A_164, %dma_start3A_165] : memref<2x10240x128xf32, #tpu.memory_space<hbm>> -> memref<1x10240x128xf32, #tpu.memory_space<hbm>>
        %dma_start3A_167 = tpu.memref_squeeze %dma_start3A_166 : memref<1x10240x128xf32, #tpu.memory_space<hbm>> -> memref<10240x128xf32, #tpu.memory_space<hbm>>
        %dma_start3A_168 = arith.constant 0 : i32
        %dma_start3A_169 = arith.constant 0 : i32
        %dma_start3A_170 = tpu.memref_slice %dma_start3A_167[%dma_start3A_168, %dma_start3A_169] : memref<10240x128xf32, #tpu.memory_space<hbm>> -> memref<10240x128xf32, #tpu.memory_space<hbm>>
        tpu.enqueue_indirect_dma source(%dma_start3A_170 : memref<10240x128xf32, #tpu.memory_space<hbm>>) target(%dma_start3A_160 : memref<64x128xf32, #tpu.memory_space<vmem>>) offsets(%dma_start3A_163 : memref<64xi32, #tpu.memory_space<vmem>>) semaphore(%arg12 : memref<!tpu.dma_semaphore, #tpu.memory_space<semaphore_mem>>)
        %dma_wait3A_171 = arith.constant 0 : i32
        %dma_wait3A_172 = tpu.memref_slice %arg9[%add3A_104, %dma_wait3A_171] : memref<32x128xi32, #tpu.memory_space<vmem>> -> memref<1x128xi32, #tpu.memory_space<vmem>>
        %dma_wait3A_173 = tpu.memref_squeeze %dma_wait3A_172 : memref<1x128xi32, #tpu.memory_space<vmem>> -> memref<128xi32, #tpu.memory_space<vmem>>
        %dma_wait3A_174 = arith.constant 0 : i32
        %dma_wait3A_175 = arith.constant 0 : i32
        %dma_wait3A_176 = tpu.memref_slice %arg7[%dma_wait3A_174, %dma_wait3A_175] : memref<10240x128xf32, #tpu.memory_space<vmem_shared>> -> memref<10240x128xf32, #tpu.memory_space<vmem_shared>>
        tpu.wait_indirect_dma semaphore(%arg15 : memref<!tpu.dma_semaphore, #tpu.memory_space<semaphore_mem>>) src(%arg11 : memref<128x128xf32, #tpu.memory_space<vmem>>) dst(%dma_wait3A_176 : memref<10240x128xf32, #tpu.memory_space<vmem_shared>>)
        %add3A_177 = arith.constant 2 : i32
        %add3A_178 = arith.addi %add3A_104, %add3A_177 : i32
        %dma_start3A_179 = arith.constant 0 : i32
        %dma_start3A_180 = arith.constant 0 : i32
        %dma_start3A_181 = tpu.memref_slice %arg11[%dma_start3A_179, %dma_start3A_180] : memref<128x128xf32, #tpu.memory_space<vmem>> -> memref<64x128xf32, #tpu.memory_space<vmem>>
        %dma_start3A_182 = arith.constant 0 : i32
        %dma_start3A_183 = tpu.memref_slice %arg8[%add3A_178, %dma_start3A_182] : memref<32x128xi32, #tpu.memory_space<vmem>> -> memref<1x64xi32, #tpu.memory_space<vmem>>
        %dma_start3A_184 = tpu.memref_squeeze %dma_start3A_183 : memref<1x64xi32, #tpu.memory_space<vmem>> -> memref<64xi32, #tpu.memory_space<vmem>>
        %dma_start3A_185 = arith.constant 0 : i32
        %dma_start3A_186 = arith.constant 0 : i32
        %dma_start3A_187 = tpu.memref_slice %arg2[%arg0, %dma_start3A_185, %dma_start3A_186] : memref<2x10240x128xf32, #tpu.memory_space<hbm>> -> memref<1x10240x128xf32, #tpu.memory_space<hbm>>
        %dma_start3A_188 = tpu.memref_squeeze %dma_start3A_187 : memref<1x10240x128xf32, #tpu.memory_space<hbm>> -> memref<10240x128xf32, #tpu.memory_space<hbm>>
        %dma_start3A_189 = arith.constant 0 : i32
        %dma_start3A_190 = arith.constant 0 : i32
        %dma_start3A_191 = tpu.memref_slice %dma_start3A_188[%dma_start3A_189, %dma_start3A_190] : memref<10240x128xf32, #tpu.memory_space<hbm>> -> memref<10240x128xf32, #tpu.memory_space<hbm>>
        tpu.enqueue_indirect_dma source(%dma_start3A_191 : memref<10240x128xf32, #tpu.memory_space<hbm>>) target(%dma_start3A_181 : memref<64x128xf32, #tpu.memory_space<vmem>>) offsets(%dma_start3A_184 : memref<64xi32, #tpu.memory_space<vmem>>) semaphore(%arg13 : memref<!tpu.dma_semaphore, #tpu.memory_space<semaphore_mem>>)
        %dma_start3A_192 = arith.constant 64 : i32
        %dma_start3A_193 = arith.constant 0 : i32
        %dma_start3A_194 = tpu.memref_slice %arg11[%dma_start3A_192, %dma_start3A_193] : memref<128x128xf32, #tpu.memory_space<vmem>> -> memref<64x128xf32, #tpu.memory_space<vmem>>
        %dma_start3A_195 = arith.constant 64 : i32
        %dma_start3A_196 = tpu.memref_slice %arg8[%add3A_178, %dma_start3A_195] : memref<32x128xi32, #tpu.memory_space<vmem>> -> memref<1x64xi32, #tpu.memory_space<vmem>>
        %dma_start3A_197 = tpu.memref_squeeze %dma_start3A_196 : memref<1x64xi32, #tpu.memory_space<vmem>> -> memref<64xi32, #tpu.memory_space<vmem>>
        %dma_start3A_198 = arith.constant 0 : i32
        %dma_start3A_199 = arith.constant 0 : i32
        %dma_start3A_200 = tpu.memref_slice %arg2[%arg0, %dma_start3A_198, %dma_start3A_199] : memref<2x10240x128xf32, #tpu.memory_space<hbm>> -> memref<1x10240x128xf32, #tpu.memory_space<hbm>>
        %dma_start3A_201 = tpu.memref_squeeze %dma_start3A_200 : memref<1x10240x128xf32, #tpu.memory_space<hbm>> -> memref<10240x128xf32, #tpu.memory_space<hbm>>
        %dma_start3A_202 = arith.constant 0 : i32
        %dma_start3A_203 = arith.constant 0 : i32
        %dma_start3A_204 = tpu.memref_slice %dma_start3A_201[%dma_start3A_202, %dma_start3A_203] : memref<10240x128xf32, #tpu.memory_space<hbm>> -> memref<10240x128xf32, #tpu.memory_space<hbm>>
        tpu.enqueue_indirect_dma source(%dma_start3A_204 : memref<10240x128xf32, #tpu.memory_space<hbm>>) target(%dma_start3A_194 : memref<64x128xf32, #tpu.memory_space<vmem>>) offsets(%dma_start3A_197 : memref<64xi32, #tpu.memory_space<vmem>>) semaphore(%arg13 : memref<!tpu.dma_semaphore, #tpu.memory_space<semaphore_mem>>)
      }
      %scan3A_77 = arith.constant 15 : i32
      %dma_wait3A = arith.constant 30 : i32
      %dma_wait3A_78 = arith.constant 0 : i32
      %dma_wait3A_79 = tpu.memref_slice %arg8[%dma_wait3A, %dma_wait3A_78] : memref<32x128xi32, #tpu.memory_space<vmem>> -> memref<1x128xi32, #tpu.memory_space<vmem>>
      %dma_wait3A_80 = tpu.memref_squeeze %dma_wait3A_79 : memref<1x128xi32, #tpu.memory_space<vmem>> -> memref<128xi32, #tpu.memory_space<vmem>>
      %dma_wait3A_81 = arith.constant 0 : i32
      %dma_wait3A_82 = arith.constant 0 : i32
      %dma_wait3A_83 = tpu.memref_slice %arg2[%arg0, %dma_wait3A_81, %dma_wait3A_82] : memref<2x10240x128xf32, #tpu.memory_space<hbm>> -> memref<1x10240x128xf32, #tpu.memory_space<hbm>>
      %dma_wait3A_84 = tpu.memref_squeeze %dma_wait3A_83 : memref<1x10240x128xf32, #tpu.memory_space<hbm>> -> memref<10240x128xf32, #tpu.memory_space<hbm>>
      %dma_wait3A_85 = arith.constant 0 : i32
      %dma_wait3A_86 = arith.constant 0 : i32
      %dma_wait3A_87 = tpu.memref_slice %dma_wait3A_84[%dma_wait3A_85, %dma_wait3A_86] : memref<10240x128xf32, #tpu.memory_space<hbm>> -> memref<10240x128xf32, #tpu.memory_space<hbm>>
      tpu.wait_indirect_dma semaphore(%arg12 : memref<!tpu.dma_semaphore, #tpu.memory_space<semaphore_mem>>) src(%dma_wait3A_87 : memref<10240x128xf32, #tpu.memory_space<hbm>>) dst(%arg10 : memref<128x128xf32, #tpu.memory_space<vmem>>)
      %run_scoped3A = arith.constant 30 : i32
      "tpu.region"() ({
        %run_scoped3A_100 = tpu.sem_alloc : memref<!tpu.dma_semaphore, #tpu.memory_space<semaphore_mem>>
        %dma_start3A_101 = arith.constant 0 : i32
        %dma_start3A_102 = tpu.memref_slice %arg9[%run_scoped3A, %dma_start3A_101] : memref<32x128xi32, #tpu.memory_space<vmem>> -> memref<1x128xi32, #tpu.memory_space<vmem>>
        %dma_start3A_103 = tpu.memref_squeeze %dma_start3A_102 : memref<1x128xi32, #tpu.memory_space<vmem>> -> memref<128xi32, #tpu.memory_space<vmem>>
        %dma_start3A_104 = arith.constant 0 : i32
        %dma_start3A_105 = arith.constant 0 : i32
        %dma_start3A_106 = tpu.memref_slice %arg7[%dma_start3A_104, %dma_start3A_105] : memref<10240x128xf32, #tpu.memory_space<vmem_shared>> -> memref<10240x128xf32, #tpu.memory_space<vmem_shared>>
        tpu.enqueue_indirect_dma source(%arg10 : memref<128x128xf32, #tpu.memory_space<vmem>>) target(%dma_start3A_106 : memref<10240x128xf32, #tpu.memory_space<vmem_shared>>) offsets(%dma_start3A_103 : memref<128xi32, #tpu.memory_space<vmem>>) semaphore(%run_scoped3A_100 : memref<!tpu.dma_semaphore, #tpu.memory_space<semaphore_mem>>) {add = true}
        %dma_wait3A_107 = arith.constant 0 : i32
        %dma_wait3A_108 = tpu.memref_slice %arg9[%run_scoped3A, %dma_wait3A_107] : memref<32x128xi32, #tpu.memory_space<vmem>> -> memref<1x128xi32, #tpu.memory_space<vmem>>
        %dma_wait3A_109 = tpu.memref_squeeze %dma_wait3A_108 : memref<1x128xi32, #tpu.memory_space<vmem>> -> memref<128xi32, #tpu.memory_space<vmem>>
        %dma_wait3A_110 = arith.constant 0 : i32
        %dma_wait3A_111 = arith.constant 0 : i32
        %dma_wait3A_112 = tpu.memref_slice %arg7[%dma_wait3A_110, %dma_wait3A_111] : memref<10240x128xf32, #tpu.memory_space<vmem_shared>> -> memref<10240x128xf32, #tpu.memory_space<vmem_shared>>
        tpu.wait_indirect_dma semaphore(%run_scoped3A_100 : memref<!tpu.dma_semaphore, #tpu.memory_space<semaphore_mem>>) src(%arg10 : memref<128x128xf32, #tpu.memory_space<vmem>>) dst(%dma_wait3A_112 : memref<10240x128xf32, #tpu.memory_space<vmem_shared>>)
        tpu.yield
      }) : () -> ()
      %dma_wait3A_88 = arith.constant 31 : i32
      %dma_wait3A_89 = arith.constant 0 : i32
      %dma_wait3A_90 = tpu.memref_slice %arg8[%dma_wait3A_88, %dma_wait3A_89] : memref<32x128xi32, #tpu.memory_space<vmem>> -> memref<1x128xi32, #tpu.memory_space<vmem>>
      %dma_wait3A_91 = tpu.memref_squeeze %dma_wait3A_90 : memref<1x128xi32, #tpu.memory_space<vmem>> -> memref<128xi32, #tpu.memory_space<vmem>>
      %dma_wait3A_92 = arith.constant 0 : i32
      %dma_wait3A_93 = arith.constant 0 : i32
      %dma_wait3A_94 = tpu.memref_slice %arg2[%arg0, %dma_wait3A_92, %dma_wait3A_93] : memref<2x10240x128xf32, #tpu.memory_space<hbm>> -> memref<1x10240x128xf32, #tpu.memory_space<hbm>>
      %dma_wait3A_95 = tpu.memref_squeeze %dma_wait3A_94 : memref<1x10240x128xf32, #tpu.memory_space<hbm>> -> memref<10240x128xf32, #tpu.memory_space<hbm>>
      %dma_wait3A_96 = arith.constant 0 : i32
      %dma_wait3A_97 = arith.constant 0 : i32
      %dma_wait3A_98 = tpu.memref_slice %dma_wait3A_95[%dma_wait3A_96, %dma_wait3A_97] : memref<10240x128xf32, #tpu.memory_space<hbm>> -> memref<10240x128xf32, #tpu.memory_space<hbm>>
      tpu.wait_indirect_dma semaphore(%arg13 : memref<!tpu.dma_semaphore, #tpu.memory_space<semaphore_mem>>) src(%dma_wait3A_98 : memref<10240x128xf32, #tpu.memory_space<hbm>>) dst(%arg11 : memref<128x128xf32, #tpu.memory_space<vmem>>)
      %run_scoped3A_99 = arith.constant 31 : i32
      "tpu.region"() ({
        %run_scoped3A_100 = tpu.sem_alloc : memref<!tpu.dma_semaphore, #tpu.memory_space<semaphore_mem>>
        %dma_start3A_101 = arith.constant 0 : i32
        %dma_start3A_102 = tpu.memref_slice %arg9[%run_scoped3A_99, %dma_start3A_101] : memref<32x128xi32, #tpu.memory_space<vmem>> -> memref<1x128xi32, #tpu.memory_space<vmem>>
        %dma_start3A_103 = tpu.memref_squeeze %dma_start3A_102 : memref<1x128xi32, #tpu.memory_space<vmem>> -> memref<128xi32, #tpu.memory_space<vmem>>
        %dma_start3A_104 = arith.constant 0 : i32
        %dma_start3A_105 = arith.constant 0 : i32
        %dma_start3A_106 = tpu.memref_slice %arg7[%dma_start3A_104, %dma_start3A_105] : memref<10240x128xf32, #tpu.memory_space<vmem_shared>> -> memref<10240x128xf32, #tpu.memory_space<vmem_shared>>
        tpu.enqueue_indirect_dma source(%arg11 : memref<128x128xf32, #tpu.memory_space<vmem>>) target(%dma_start3A_106 : memref<10240x128xf32, #tpu.memory_space<vmem_shared>>) offsets(%dma_start3A_103 : memref<128xi32, #tpu.memory_space<vmem>>) semaphore(%run_scoped3A_100 : memref<!tpu.dma_semaphore, #tpu.memory_space<semaphore_mem>>) {add = true}
        %dma_wait3A_107 = arith.constant 0 : i32
        %dma_wait3A_108 = tpu.memref_slice %arg9[%run_scoped3A_99, %dma_wait3A_107] : memref<32x128xi32, #tpu.memory_space<vmem>> -> memref<1x128xi32, #tpu.memory_space<vmem>>
        %dma_wait3A_109 = tpu.memref_squeeze %dma_wait3A_108 : memref<1x128xi32, #tpu.memory_space<vmem>> -> memref<128xi32, #tpu.memory_space<vmem>>
        %dma_wait3A_110 = arith.constant 0 : i32
        %dma_wait3A_111 = arith.constant 0 : i32
        %dma_wait3A_112 = tpu.memref_slice %arg7[%dma_wait3A_110, %dma_wait3A_111] : memref<10240x128xf32, #tpu.memory_space<vmem_shared>> -> memref<10240x128xf32, #tpu.memory_space<vmem_shared>>
        tpu.wait_indirect_dma semaphore(%run_scoped3A_100 : memref<!tpu.dma_semaphore, #tpu.memory_space<semaphore_mem>>) src(%arg11 : memref<128x128xf32, #tpu.memory_space<vmem>>) dst(%dma_wait3A_112 : memref<10240x128xf32, #tpu.memory_space<vmem_shared>>)
        tpu.yield
      }) : () -> ()
    }
    %scan3A_7 = arith.constant 5 : i32
    %barrier3A_8 = arith.constant 0 : index
    tpu.barrier barrier_id(%barrier3A_8)
    %mul3A_9 = arith.constant 640 : i32
    %mul3A_10 = arith.muli %arg1, %mul3A_9 : i32
    %mul3A_11 = arith.constant 640 : i32
    %mul3A_12 = arith.muli %arg1, %mul3A_11 : i32
    "tpu.region"() ({
      %run_scoped3A = tpu.sem_alloc : memref<!tpu.dma_semaphore, #tpu.memory_space<semaphore_mem>>
      %dma_start3A = arith.constant 0 : i32
      %dma_start3A_13 = tpu.memref_slice %arg6[%arg0, %mul3A_12, %dma_start3A] : memref<2x10240x128xf32, #tpu.memory_space<hbm>> -> memref<1x640x128xf32, #tpu.memory_space<hbm>>
      %dma_start3A_14 = tpu.memref_squeeze %dma_start3A_13 : memref<1x640x128xf32, #tpu.memory_space<hbm>> -> memref<640x128xf32, #tpu.memory_space<hbm>>
      %dma_start3A_15 = arith.constant 0 : i32
      %dma_start3A_16 = tpu.memref_slice %arg7[%mul3A_10, %dma_start3A_15] : memref<10240x128xf32, #tpu.memory_space<vmem_shared>> -> memref<640x128xf32, #tpu.memory_space<vmem_shared>>
      tpu.enqueue_dma source(%dma_start3A_16 : memref<640x128xf32, #tpu.memory_space<vmem_shared>>) target(%dma_start3A_14 : memref<640x128xf32, #tpu.memory_space<hbm>>) target_semaphore(%run_scoped3A : memref<!tpu.dma_semaphore, #tpu.memory_space<semaphore_mem>>)
      %dma_wait3A = arith.constant 0 : i32
      %dma_wait3A_17 = tpu.memref_slice %arg6[%arg0, %mul3A_12, %dma_wait3A] : memref<2x10240x128xf32, #tpu.memory_space<hbm>> -> memref<1x640x128xf32, #tpu.memory_space<hbm>>
      %dma_wait3A_18 = tpu.memref_squeeze %dma_wait3A_17 : memref<1x640x128xf32, #tpu.memory_space<hbm>> -> memref<640x128xf32, #tpu.memory_space<hbm>>
      %dma_wait3A_19 = arith.constant 0 : i32
      %dma_wait3A_20 = tpu.memref_slice %arg7[%mul3A_10, %dma_wait3A_19] : memref<10240x128xf32, #tpu.memory_space<vmem_shared>> -> memref<640x128xf32, #tpu.memory_space<vmem_shared>>
      tpu.wait_dma2 semaphore(%run_scoped3A : memref<!tpu.dma_semaphore, #tpu.memory_space<semaphore_mem>>) src(%dma_wait3A_20 : memref<640x128xf32, #tpu.memory_space<vmem_shared>>) dst(%dma_wait3A_18 : memref<640x128xf32, #tpu.memory_space<hbm>>)
      tpu.yield
    }) : () -> ()
    return
  }
}

#map = affine_map<(d0, d1) -> (0, 0)>
#map1 = affine_map<(d0, d1) -> (0)>
module attributes {stable_mosaic.version = 14 : i64} {
  func.func @k(%arg0: i32, %arg1: i32, %arg2: memref<2560x128xi32, #tpu.memory_space<hbm>>, %arg3: memref<20480xf32, #tpu.memory_space<hbm>>, %arg4: memref<10240xf32, #tpu.memory_space<vmem_shared>>, %arg5: memref<80x128xi32, #tpu.memory_space<vmem>>, %arg6: memref<128xf32, #tpu.memory_space<vmem>>, %arg7: memref<640xf32, #tpu.memory_space<vmem>>, %arg8: memref<!tpu.dma_semaphore, #tpu.memory_space<semaphore_mem>>) attributes {dimension_semantics = [#tpu.dimension_semantics<core_parallel>, #tpu.dimension_semantics<subcore_parallel>], iteration_bounds = array<i64: 2, 16>, scalar_prefetch = 0 : i64, scratch_operands = 5 : i64, tpu.core_type = #tpu.core_type<sc_vector_subcore>, window_params = [{transform_indices = #map}, {transform_indices = #map1}]} {
    %mul3A = arith.constant 2 : i32
    %mul3A_0 = arith.muli %arg1, %mul3A : i32
    %add3A = arith.addi %mul3A_0, %arg0 : i32
    %broadcast_in_dim3A = arith.constant 1.000000e+00 : f32
    %broadcast_in_dim3A_1 = vector.broadcast %broadcast_in_dim3A : f32 to vector<16xf32>
    %broadcast_in_dim3A_2 = arith.constant 0.000000e+00 : f32
    %broadcast_in_dim3A_3 = vector.broadcast %broadcast_in_dim3A_2 : f32 to vector<16xf32>
    %swap3A = arith.constant 0 : index
    %swap3A_4 = tpu.vector_load %arg6[%swap3A] {strides = array<i32>} : memref<128xf32, #tpu.memory_space<vmem>>, vector<16xf32>,
    %swap3A_5 = vector.shape_cast %swap3A_4 : vector<16xf32> to vector<16xf32>
    %swap3A_6 = vector.shape_cast %broadcast_in_dim3A_1 : vector<16xf32> to vector<16xf32>
    tpu.vector_store %arg6[%swap3A], %swap3A_6 {strides = array<i32>} : memref<128xf32, #tpu.memory_space<vmem>>, vector<16xf32>,
    %swap3A_7 = arith.constant 16 : index
    %swap3A_8 = tpu.vector_load %arg6[%swap3A_7] {strides = array<i32>} : memref<128xf32, #tpu.memory_space<vmem>>, vector<16xf32>,
    %swap3A_9 = vector.shape_cast %swap3A_8 : vector<16xf32> to vector<16xf32>
    %swap3A_10 = vector.shape_cast %broadcast_in_dim3A_1 : vector<16xf32> to vector<16xf32>
    tpu.vector_store %arg6[%swap3A_7], %swap3A_10 {strides = array<i32>} : memref<128xf32, #tpu.memory_space<vmem>>, vector<16xf32>,
    %swap3A_11 = arith.constant 32 : index
    %swap3A_12 = tpu.vector_load %arg6[%swap3A_11] {strides = array<i32>} : memref<128xf32, #tpu.memory_space<vmem>>, vector<16xf32>,
    %swap3A_13 = vector.shape_cast %swap3A_12 : vector<16xf32> to vector<16xf32>
    %swap3A_14 = vector.shape_cast %broadcast_in_dim3A_1 : vector<16xf32> to vector<16xf32>
    tpu.vector_store %arg6[%swap3A_11], %swap3A_14 {strides = array<i32>} : memref<128xf32, #tpu.memory_space<vmem>>, vector<16xf32>,
    %swap3A_15 = arith.constant 48 : index
    %swap3A_16 = tpu.vector_load %arg6[%swap3A_15] {strides = array<i32>} : memref<128xf32, #tpu.memory_space<vmem>>, vector<16xf32>,
    %swap3A_17 = vector.shape_cast %swap3A_16 : vector<16xf32> to vector<16xf32>
    %swap3A_18 = vector.shape_cast %broadcast_in_dim3A_1 : vector<16xf32> to vector<16xf32>
    tpu.vector_store %arg6[%swap3A_15], %swap3A_18 {strides = array<i32>} : memref<128xf32, #tpu.memory_space<vmem>>, vector<16xf32>,
    %swap3A_19 = arith.constant 64 : index
    %swap3A_20 = tpu.vector_load %arg6[%swap3A_19] {strides = array<i32>} : memref<128xf32, #tpu.memory_space<vmem>>, vector<16xf32>,
    %swap3A_21 = vector.shape_cast %swap3A_20 : vector<16xf32> to vector<16xf32>
    %swap3A_22 = vector.shape_cast %broadcast_in_dim3A_1 : vector<16xf32> to vector<16xf32>
    tpu.vector_store %arg6[%swap3A_19], %swap3A_22 {strides = array<i32>} : memref<128xf32, #tpu.memory_space<vmem>>, vector<16xf32>,
    %swap3A_23 = arith.constant 80 : index
    %swap3A_24 = tpu.vector_load %arg6[%swap3A_23] {strides = array<i32>} : memref<128xf32, #tpu.memory_space<vmem>>, vector<16xf32>,
    %swap3A_25 = vector.shape_cast %swap3A_24 : vector<16xf32> to vector<16xf32>
    %swap3A_26 = vector.shape_cast %broadcast_in_dim3A_1 : vector<16xf32> to vector<16xf32>
    tpu.vector_store %arg6[%swap3A_23], %swap3A_26 {strides = array<i32>} : memref<128xf32, #tpu.memory_space<vmem>>, vector<16xf32>,
    %swap3A_27 = arith.constant 96 : index
    %swap3A_28 = tpu.vector_load %arg6[%swap3A_27] {strides = array<i32>} : memref<128xf32, #tpu.memory_space<vmem>>, vector<16xf32>,
    %swap3A_29 = vector.shape_cast %swap3A_28 : vector<16xf32> to vector<16xf32>
    %swap3A_30 = vector.shape_cast %broadcast_in_dim3A_1 : vector<16xf32> to vector<16xf32>
    tpu.vector_store %arg6[%swap3A_27], %swap3A_30 {strides = array<i32>} : memref<128xf32, #tpu.memory_space<vmem>>, vector<16xf32>,
    %swap3A_31 = arith.constant 112 : index
    %swap3A_32 = tpu.vector_load %arg6[%swap3A_31] {strides = array<i32>} : memref<128xf32, #tpu.memory_space<vmem>>, vector<16xf32>,
    %swap3A_33 = vector.shape_cast %swap3A_32 : vector<16xf32> to vector<16xf32>
    %swap3A_34 = vector.shape_cast %broadcast_in_dim3A_1 : vector<16xf32> to vector<16xf32>
    tpu.vector_store %arg6[%swap3A_31], %swap3A_34 {strides = array<i32>} : memref<128xf32, #tpu.memory_space<vmem>>, vector<16xf32>,
    %swap3A_35 = arith.constant 0 : index
    %swap3A_36 = tpu.vector_load %arg7[%swap3A_35] {strides = array<i32>} : memref<640xf32, #tpu.memory_space<vmem>>, vector<16xf32>,
    %swap3A_37 = vector.shape_cast %swap3A_36 : vector<16xf32> to vector<16xf32>
    %swap3A_38 = vector.shape_cast %broadcast_in_dim3A_3 : vector<16xf32> to vector<16xf32>
    tpu.vector_store %arg7[%swap3A_35], %swap3A_38 {strides = array<i32>} : memref<640xf32, #tpu.memory_space<vmem>>, vector<16xf32>,
    %swap3A_39 = arith.constant 16 : index
    %swap3A_40 = tpu.vector_load %arg7[%swap3A_39] {strides = array<i32>} : memref<640xf32, #tpu.memory_space<vmem>>, vector<16xf32>,
    %swap3A_41 = vector.shape_cast %swap3A_40 : vector<16xf32> to vector<16xf32>
    %swap3A_42 = vector.shape_cast %broadcast_in_dim3A_3 : vector<16xf32> to vector<16xf32>
    tpu.vector_store %arg7[%swap3A_39], %swap3A_42 {strides = array<i32>} : memref<640xf32, #tpu.memory_space<vmem>>, vector<16xf32>,
    %swap3A_43 = arith.constant 32 : index
    %swap3A_44 = tpu.vector_load %arg7[%swap3A_43] {strides = array<i32>} : memref<640xf32, #tpu.memory_space<vmem>>, vector<16xf32>,
    %swap3A_45 = vector.shape_cast %swap3A_44 : vector<16xf32> to vector<16xf32>
    %swap3A_46 = vector.shape_cast %broadcast_in_dim3A_3 : vector<16xf32> to vector<16xf32>
    tpu.vector_store %arg7[%swap3A_43], %swap3A_46 {strides = array<i32>} : memref<640xf32, #tpu.memory_space<vmem>>, vector<16xf32>,
    %swap3A_47 = arith.constant 48 : index
    %swap3A_48 = tpu.vector_load %arg7[%swap3A_47] {strides = array<i32>} : memref<640xf32, #tpu.memory_space<vmem>>, vector<16xf32>,
    %swap3A_49 = vector.shape_cast %swap3A_48 : vector<16xf32> to vector<16xf32>
    %swap3A_50 = vector.shape_cast %broadcast_in_dim3A_3 : vector<16xf32> to vector<16xf32>
    tpu.vector_store %arg7[%swap3A_47], %swap3A_50 {strides = array<i32>} : memref<640xf32, #tpu.memory_space<vmem>>, vector<16xf32>,
    %swap3A_51 = arith.constant 64 : index
    %swap3A_52 = tpu.vector_load %arg7[%swap3A_51] {strides = array<i32>} : memref<640xf32, #tpu.memory_space<vmem>>, vector<16xf32>,
    %swap3A_53 = vector.shape_cast %swap3A_52 : vector<16xf32> to vector<16xf32>
    %swap3A_54 = vector.shape_cast %broadcast_in_dim3A_3 : vector<16xf32> to vector<16xf32>
    tpu.vector_store %arg7[%swap3A_51], %swap3A_54 {strides = array<i32>} : memref<640xf32, #tpu.memory_space<vmem>>, vector<16xf32>,
    %swap3A_55 = arith.constant 80 : index
    %swap3A_56 = tpu.vector_load %arg7[%swap3A_55] {strides = array<i32>} : memref<640xf32, #tpu.memory_space<vmem>>, vector<16xf32>,
    %swap3A_57 = vector.shape_cast %swap3A_56 : vector<16xf32> to vector<16xf32>
    %swap3A_58 = vector.shape_cast %broadcast_in_dim3A_3 : vector<16xf32> to vector<16xf32>
    tpu.vector_store %arg7[%swap3A_55], %swap3A_58 {strides = array<i32>} : memref<640xf32, #tpu.memory_space<vmem>>, vector<16xf32>,
    %swap3A_59 = arith.constant 96 : index
    %swap3A_60 = tpu.vector_load %arg7[%swap3A_59] {strides = array<i32>} : memref<640xf32, #tpu.memory_space<vmem>>, vector<16xf32>,
    %swap3A_61 = vector.shape_cast %swap3A_60 : vector<16xf32> to vector<16xf32>
    %swap3A_62 = vector.shape_cast %broadcast_in_dim3A_3 : vector<16xf32> to vector<16xf32>
    tpu.vector_store %arg7[%swap3A_59], %swap3A_62 {strides = array<i32>} : memref<640xf32, #tpu.memory_space<vmem>>, vector<16xf32>,
    %swap3A_63 = arith.constant 112 : index
    %swap3A_64 = tpu.vector_load %arg7[%swap3A_63] {strides = array<i32>} : memref<640xf32, #tpu.memory_space<vmem>>, vector<16xf32>,
    %swap3A_65 = vector.shape_cast %swap3A_64 : vector<16xf32> to vector<16xf32>
    %swap3A_66 = vector.shape_cast %broadcast_in_dim3A_3 : vector<16xf32> to vector<16xf32>
    tpu.vector_store %arg7[%swap3A_63], %swap3A_66 {strides = array<i32>} : memref<640xf32, #tpu.memory_space<vmem>>, vector<16xf32>,
    %swap3A_67 = arith.constant 128 : index
    %swap3A_68 = tpu.vector_load %arg7[%swap3A_67] {strides = array<i32>} : memref<640xf32, #tpu.memory_space<vmem>>, vector<16xf32>,
    %swap3A_69 = vector.shape_cast %swap3A_68 : vector<16xf32> to vector<16xf32>
    %swap3A_70 = vector.shape_cast %broadcast_in_dim3A_3 : vector<16xf32> to vector<16xf32>
    tpu.vector_store %arg7[%swap3A_67], %swap3A_70 {strides = array<i32>} : memref<640xf32, #tpu.memory_space<vmem>>, vector<16xf32>,
    %swap3A_71 = arith.constant 144 : index
    %swap3A_72 = tpu.vector_load %arg7[%swap3A_71] {strides = array<i32>} : memref<640xf32, #tpu.memory_space<vmem>>, vector<16xf32>,
    %swap3A_73 = vector.shape_cast %swap3A_72 : vector<16xf32> to vector<16xf32>
    %swap3A_74 = vector.shape_cast %broadcast_in_dim3A_3 : vector<16xf32> to vector<16xf32>
    tpu.vector_store %arg7[%swap3A_71], %swap3A_74 {strides = array<i32>} : memref<640xf32, #tpu.memory_space<vmem>>, vector<16xf32>,
    %swap3A_75 = arith.constant 160 : index
    %swap3A_76 = tpu.vector_load %arg7[%swap3A_75] {strides = array<i32>} : memref<640xf32, #tpu.memory_space<vmem>>, vector<16xf32>,
    %swap3A_77 = vector.shape_cast %swap3A_76 : vector<16xf32> to vector<16xf32>
    %swap3A_78 = vector.shape_cast %broadcast_in_dim3A_3 : vector<16xf32> to vector<16xf32>
    tpu.vector_store %arg7[%swap3A_75], %swap3A_78 {strides = array<i32>} : memref<640xf32, #tpu.memory_space<vmem>>, vector<16xf32>,
    %swap3A_79 = arith.constant 176 : index
    %swap3A_80 = tpu.vector_load %arg7[%swap3A_79] {strides = array<i32>} : memref<640xf32, #tpu.memory_space<vmem>>, vector<16xf32>,
    %swap3A_81 = vector.shape_cast %swap3A_80 : vector<16xf32> to vector<16xf32>
    %swap3A_82 = vector.shape_cast %broadcast_in_dim3A_3 : vector<16xf32> to vector<16xf32>
    tpu.vector_store %arg7[%swap3A_79], %swap3A_82 {strides = array<i32>} : memref<640xf32, #tpu.memory_space<vmem>>, vector<16xf32>,
    %swap3A_83 = arith.constant 192 : index
    %swap3A_84 = tpu.vector_load %arg7[%swap3A_83] {strides = array<i32>} : memref<640xf32, #tpu.memory_space<vmem>>, vector<16xf32>,
    %swap3A_85 = vector.shape_cast %swap3A_84 : vector<16xf32> to vector<16xf32>
    %swap3A_86 = vector.shape_cast %broadcast_in_dim3A_3 : vector<16xf32> to vector<16xf32>
    tpu.vector_store %arg7[%swap3A_83], %swap3A_86 {strides = array<i32>} : memref<640xf32, #tpu.memory_space<vmem>>, vector<16xf32>,
    %swap3A_87 = arith.constant 208 : index
    %swap3A_88 = tpu.vector_load %arg7[%swap3A_87] {strides = array<i32>} : memref<640xf32, #tpu.memory_space<vmem>>, vector<16xf32>,
    %swap3A_89 = vector.shape_cast %swap3A_88 : vector<16xf32> to vector<16xf32>
    %swap3A_90 = vector.shape_cast %broadcast_in_dim3A_3 : vector<16xf32> to vector<16xf32>
    tpu.vector_store %arg7[%swap3A_87], %swap3A_90 {strides = array<i32>} : memref<640xf32, #tpu.memory_space<vmem>>, vector<16xf32>,
    %swap3A_91 = arith.constant 224 : index
    %swap3A_92 = tpu.vector_load %arg7[%swap3A_91] {strides = array<i32>} : memref<640xf32, #tpu.memory_space<vmem>>, vector<16xf32>,
    %swap3A_93 = vector.shape_cast %swap3A_92 : vector<16xf32> to vector<16xf32>
    %swap3A_94 = vector.shape_cast %broadcast_in_dim3A_3 : vector<16xf32> to vector<16xf32>
    tpu.vector_store %arg7[%swap3A_91], %swap3A_94 {strides = array<i32>} : memref<640xf32, #tpu.memory_space<vmem>>, vector<16xf32>,
    %swap3A_95 = arith.constant 240 : index
    %swap3A_96 = tpu.vector_load %arg7[%swap3A_95] {strides = array<i32>} : memref<640xf32, #tpu.memory_space<vmem>>, vector<16xf32>,
    %swap3A_97 = vector.shape_cast %swap3A_96 : vector<16xf32> to vector<16xf32>
    %swap3A_98 = vector.shape_cast %broadcast_in_dim3A_3 : vector<16xf32> to vector<16xf32>
    tpu.vector_store %arg7[%swap3A_95], %swap3A_98 {strides = array<i32>} : memref<640xf32, #tpu.memory_space<vmem>>, vector<16xf32>,
    %swap3A_99 = arith.constant 256 : index
    %swap3A_100 = tpu.vector_load %arg7[%swap3A_99] {strides = array<i32>} : memref<640xf32, #tpu.memory_space<vmem>>, vector<16xf32>,
    %swap3A_101 = vector.shape_cast %swap3A_100 : vector<16xf32> to vector<16xf32>
    %swap3A_102 = vector.shape_cast %broadcast_in_dim3A_3 : vector<16xf32> to vector<16xf32>
    tpu.vector_store %arg7[%swap3A_99], %swap3A_102 {strides = array<i32>} : memref<640xf32, #tpu.memory_space<vmem>>, vector<16xf32>,
    %swap3A_103 = arith.constant 272 : index
    %swap3A_104 = tpu.vector_load %arg7[%swap3A_103] {strides = array<i32>} : memref<640xf32, #tpu.memory_space<vmem>>, vector<16xf32>,
    %swap3A_105 = vector.shape_cast %swap3A_104 : vector<16xf32> to vector<16xf32>
    %swap3A_106 = vector.shape_cast %broadcast_in_dim3A_3 : vector<16xf32> to vector<16xf32>
    tpu.vector_store %arg7[%swap3A_103], %swap3A_106 {strides = array<i32>} : memref<640xf32, #tpu.memory_space<vmem>>, vector<16xf32>,
    %swap3A_107 = arith.constant 288 : index
    %swap3A_108 = tpu.vector_load %arg7[%swap3A_107] {strides = array<i32>} : memref<640xf32, #tpu.memory_space<vmem>>, vector<16xf32>,
    %swap3A_109 = vector.shape_cast %swap3A_108 : vector<16xf32> to vector<16xf32>
    %swap3A_110 = vector.shape_cast %broadcast_in_dim3A_3 : vector<16xf32> to vector<16xf32>
    tpu.vector_store %arg7[%swap3A_107], %swap3A_110 {strides = array<i32>} : memref<640xf32, #tpu.memory_space<vmem>>, vector<16xf32>,
    %swap3A_111 = arith.constant 304 : index
    %swap3A_112 = tpu.vector_load %arg7[%swap3A_111] {strides = array<i32>} : memref<640xf32, #tpu.memory_space<vmem>>, vector<16xf32>,
    %swap3A_113 = vector.shape_cast %swap3A_112 : vector<16xf32> to vector<16xf32>
    %swap3A_114 = vector.shape_cast %broadcast_in_dim3A_3 : vector<16xf32> to vector<16xf32>
    tpu.vector_store %arg7[%swap3A_111], %swap3A_114 {strides = array<i32>} : memref<640xf32, #tpu.memory_space<vmem>>, vector<16xf32>,
    %swap3A_115 = arith.constant 320 : index
    %swap3A_116 = tpu.vector_load %arg7[%swap3A_115] {strides = array<i32>} : memref<640xf32, #tpu.memory_space<vmem>>, vector<16xf32>,
    %swap3A_117 = vector.shape_cast %swap3A_116 : vector<16xf32> to vector<16xf32>
    %swap3A_118 = vector.shape_cast %broadcast_in_dim3A_3 : vector<16xf32> to vector<16xf32>
    tpu.vector_store %arg7[%swap3A_115], %swap3A_118 {strides = array<i32>} : memref<640xf32, #tpu.memory_space<vmem>>, vector<16xf32>,
    %swap3A_119 = arith.constant 336 : index
    %swap3A_120 = tpu.vector_load %arg7[%swap3A_119] {strides = array<i32>} : memref<640xf32, #tpu.memory_space<vmem>>, vector<16xf32>,
    %swap3A_121 = vector.shape_cast %swap3A_120 : vector<16xf32> to vector<16xf32>
    %swap3A_122 = vector.shape_cast %broadcast_in_dim3A_3 : vector<16xf32> to vector<16xf32>
    tpu.vector_store %arg7[%swap3A_119], %swap3A_122 {strides = array<i32>} : memref<640xf32, #tpu.memory_space<vmem>>, vector<16xf32>,
    %swap3A_123 = arith.constant 352 : index
    %swap3A_124 = tpu.vector_load %arg7[%swap3A_123] {strides = array<i32>} : memref<640xf32, #tpu.memory_space<vmem>>, vector<16xf32>,
    %swap3A_125 = vector.shape_cast %swap3A_124 : vector<16xf32> to vector<16xf32>
    %swap3A_126 = vector.shape_cast %broadcast_in_dim3A_3 : vector<16xf32> to vector<16xf32>
    tpu.vector_store %arg7[%swap3A_123], %swap3A_126 {strides = array<i32>} : memref<640xf32, #tpu.memory_space<vmem>>, vector<16xf32>,
    %swap3A_127 = arith.constant 368 : index
    %swap3A_128 = tpu.vector_load %arg7[%swap3A_127] {strides = array<i32>} : memref<640xf32, #tpu.memory_space<vmem>>, vector<16xf32>,
    %swap3A_129 = vector.shape_cast %swap3A_128 : vector<16xf32> to vector<16xf32>
    %swap3A_130 = vector.shape_cast %broadcast_in_dim3A_3 : vector<16xf32> to vector<16xf32>
    tpu.vector_store %arg7[%swap3A_127], %swap3A_130 {strides = array<i32>} : memref<640xf32, #tpu.memory_space<vmem>>, vector<16xf32>,
    %swap3A_131 = arith.constant 384 : index
    %swap3A_132 = tpu.vector_load %arg7[%swap3A_131] {strides = array<i32>} : memref<640xf32, #tpu.memory_space<vmem>>, vector<16xf32>,
    %swap3A_133 = vector.shape_cast %swap3A_132 : vector<16xf32> to vector<16xf32>
    %swap3A_134 = vector.shape_cast %broadcast_in_dim3A_3 : vector<16xf32> to vector<16xf32>
    tpu.vector_store %arg7[%swap3A_131], %swap3A_134 {strides = array<i32>} : memref<640xf32, #tpu.memory_space<vmem>>, vector<16xf32>,
    %swap3A_135 = arith.constant 400 : index
    %swap3A_136 = tpu.vector_load %arg7[%swap3A_135] {strides = array<i32>} : memref<640xf32, #tpu.memory_space<vmem>>, vector<16xf32>,
    %swap3A_137 = vector.shape_cast %swap3A_136 : vector<16xf32> to vector<16xf32>
    %swap3A_138 = vector.shape_cast %broadcast_in_dim3A_3 : vector<16xf32> to vector<16xf32>
    tpu.vector_store %arg7[%swap3A_135], %swap3A_138 {strides = array<i32>} : memref<640xf32, #tpu.memory_space<vmem>>, vector<16xf32>,
    %swap3A_139 = arith.constant 416 : index
    %swap3A_140 = tpu.vector_load %arg7[%swap3A_139] {strides = array<i32>} : memref<640xf32, #tpu.memory_space<vmem>>, vector<16xf32>,
    %swap3A_141 = vector.shape_cast %swap3A_140 : vector<16xf32> to vector<16xf32>
    %swap3A_142 = vector.shape_cast %broadcast_in_dim3A_3 : vector<16xf32> to vector<16xf32>
    tpu.vector_store %arg7[%swap3A_139], %swap3A_142 {strides = array<i32>} : memref<640xf32, #tpu.memory_space<vmem>>, vector<16xf32>,
    %swap3A_143 = arith.constant 432 : index
    %swap3A_144 = tpu.vector_load %arg7[%swap3A_143] {strides = array<i32>} : memref<640xf32, #tpu.memory_space<vmem>>, vector<16xf32>,
    %swap3A_145 = vector.shape_cast %swap3A_144 : vector<16xf32> to vector<16xf32>
    %swap3A_146 = vector.shape_cast %broadcast_in_dim3A_3 : vector<16xf32> to vector<16xf32>
    tpu.vector_store %arg7[%swap3A_143], %swap3A_146 {strides = array<i32>} : memref<640xf32, #tpu.memory_space<vmem>>, vector<16xf32>,
    %swap3A_147 = arith.constant 448 : index
    %swap3A_148 = tpu.vector_load %arg7[%swap3A_147] {strides = array<i32>} : memref<640xf32, #tpu.memory_space<vmem>>, vector<16xf32>,
    %swap3A_149 = vector.shape_cast %swap3A_148 : vector<16xf32> to vector<16xf32>
    %swap3A_150 = vector.shape_cast %broadcast_in_dim3A_3 : vector<16xf32> to vector<16xf32>
    tpu.vector_store %arg7[%swap3A_147], %swap3A_150 {strides = array<i32>} : memref<640xf32, #tpu.memory_space<vmem>>, vector<16xf32>,
    %swap3A_151 = arith.constant 464 : index
    %swap3A_152 = tpu.vector_load %arg7[%swap3A_151] {strides = array<i32>} : memref<640xf32, #tpu.memory_space<vmem>>, vector<16xf32>,
    %swap3A_153 = vector.shape_cast %swap3A_152 : vector<16xf32> to vector<16xf32>
    %swap3A_154 = vector.shape_cast %broadcast_in_dim3A_3 : vector<16xf32> to vector<16xf32>
    tpu.vector_store %arg7[%swap3A_151], %swap3A_154 {strides = array<i32>} : memref<640xf32, #tpu.memory_space<vmem>>, vector<16xf32>,
    %swap3A_155 = arith.constant 480 : index
    %swap3A_156 = tpu.vector_load %arg7[%swap3A_155] {strides = array<i32>} : memref<640xf32, #tpu.memory_space<vmem>>, vector<16xf32>,
    %swap3A_157 = vector.shape_cast %swap3A_156 : vector<16xf32> to vector<16xf32>
    %swap3A_158 = vector.shape_cast %broadcast_in_dim3A_3 : vector<16xf32> to vector<16xf32>
    tpu.vector_store %arg7[%swap3A_155], %swap3A_158 {strides = array<i32>} : memref<640xf32, #tpu.memory_space<vmem>>, vector<16xf32>,
    %swap3A_159 = arith.constant 496 : index
    %swap3A_160 = tpu.vector_load %arg7[%swap3A_159] {strides = array<i32>} : memref<640xf32, #tpu.memory_space<vmem>>, vector<16xf32>,
    %swap3A_161 = vector.shape_cast %swap3A_160 : vector<16xf32> to vector<16xf32>
    %swap3A_162 = vector.shape_cast %broadcast_in_dim3A_3 : vector<16xf32> to vector<16xf32>
    tpu.vector_store %arg7[%swap3A_159], %swap3A_162 {strides = array<i32>} : memref<640xf32, #tpu.memory_space<vmem>>, vector<16xf32>,
    %swap3A_163 = arith.constant 512 : index
    %swap3A_164 = tpu.vector_load %arg7[%swap3A_163] {strides = array<i32>} : memref<640xf32, #tpu.memory_space<vmem>>, vector<16xf32>,
    %swap3A_165 = vector.shape_cast %swap3A_164 : vector<16xf32> to vector<16xf32>
    %swap3A_166 = vector.shape_cast %broadcast_in_dim3A_3 : vector<16xf32> to vector<16xf32>
    tpu.vector_store %arg7[%swap3A_163], %swap3A_166 {strides = array<i32>} : memref<640xf32, #tpu.memory_space<vmem>>, vector<16xf32>,
    %swap3A_167 = arith.constant 528 : index
    %swap3A_168 = tpu.vector_load %arg7[%swap3A_167] {strides = array<i32>} : memref<640xf32, #tpu.memory_space<vmem>>, vector<16xf32>,
    %swap3A_169 = vector.shape_cast %swap3A_168 : vector<16xf32> to vector<16xf32>
    %swap3A_170 = vector.shape_cast %broadcast_in_dim3A_3 : vector<16xf32> to vector<16xf32>
    tpu.vector_store %arg7[%swap3A_167], %swap3A_170 {strides = array<i32>} : memref<640xf32, #tpu.memory_space<vmem>>, vector<16xf32>,
    %swap3A_171 = arith.constant 544 : index
    %swap3A_172 = tpu.vector_load %arg7[%swap3A_171] {strides = array<i32>} : memref<640xf32, #tpu.memory_space<vmem>>, vector<16xf32>,
    %swap3A_173 = vector.shape_cast %swap3A_172 : vector<16xf32> to vector<16xf32>
    %swap3A_174 = vector.shape_cast %broadcast_in_dim3A_3 : vector<16xf32> to vector<16xf32>
    tpu.vector_store %arg7[%swap3A_171], %swap3A_174 {strides = array<i32>} : memref<640xf32, #tpu.memory_space<vmem>>, vector<16xf32>,
    %swap3A_175 = arith.constant 560 : index
    %swap3A_176 = tpu.vector_load %arg7[%swap3A_175] {strides = array<i32>} : memref<640xf32, #tpu.memory_space<vmem>>, vector<16xf32>,
    %swap3A_177 = vector.shape_cast %swap3A_176 : vector<16xf32> to vector<16xf32>
    %swap3A_178 = vector.shape_cast %broadcast_in_dim3A_3 : vector<16xf32> to vector<16xf32>
    tpu.vector_store %arg7[%swap3A_175], %swap3A_178 {strides = array<i32>} : memref<640xf32, #tpu.memory_space<vmem>>, vector<16xf32>,
    %swap3A_179 = arith.constant 576 : index
    %swap3A_180 = tpu.vector_load %arg7[%swap3A_179] {strides = array<i32>} : memref<640xf32, #tpu.memory_space<vmem>>, vector<16xf32>,
    %swap3A_181 = vector.shape_cast %swap3A_180 : vector<16xf32> to vector<16xf32>
    %swap3A_182 = vector.shape_cast %broadcast_in_dim3A_3 : vector<16xf32> to vector<16xf32>
    tpu.vector_store %arg7[%swap3A_179], %swap3A_182 {strides = array<i32>} : memref<640xf32, #tpu.memory_space<vmem>>, vector<16xf32>,
    %swap3A_183 = arith.constant 592 : index
    %swap3A_184 = tpu.vector_load %arg7[%swap3A_183] {strides = array<i32>} : memref<640xf32, #tpu.memory_space<vmem>>, vector<16xf32>,
    %swap3A_185 = vector.shape_cast %swap3A_184 : vector<16xf32> to vector<16xf32>
    %swap3A_186 = vector.shape_cast %broadcast_in_dim3A_3 : vector<16xf32> to vector<16xf32>
    tpu.vector_store %arg7[%swap3A_183], %swap3A_186 {strides = array<i32>} : memref<640xf32, #tpu.memory_space<vmem>>, vector<16xf32>,
    %swap3A_187 = arith.constant 608 : index
    %swap3A_188 = tpu.vector_load %arg7[%swap3A_187] {strides = array<i32>} : memref<640xf32, #tpu.memory_space<vmem>>, vector<16xf32>,
    %swap3A_189 = vector.shape_cast %swap3A_188 : vector<16xf32> to vector<16xf32>
    %swap3A_190 = vector.shape_cast %broadcast_in_dim3A_3 : vector<16xf32> to vector<16xf32>
    tpu.vector_store %arg7[%swap3A_187], %swap3A_190 {strides = array<i32>} : memref<640xf32, #tpu.memory_space<vmem>>, vector<16xf32>,
    %swap3A_191 = arith.constant 624 : index
    %swap3A_192 = tpu.vector_load %arg7[%swap3A_191] {strides = array<i32>} : memref<640xf32, #tpu.memory_space<vmem>>, vector<16xf32>,
    %swap3A_193 = vector.shape_cast %swap3A_192 : vector<16xf32> to vector<16xf32>
    %swap3A_194 = vector.shape_cast %broadcast_in_dim3A_3 : vector<16xf32> to vector<16xf32>
    tpu.vector_store %arg7[%swap3A_191], %swap3A_194 {strides = array<i32>} : memref<640xf32, #tpu.memory_space<vmem>>, vector<16xf32>,
    %mul3A_195 = arith.constant 640 : i32
    %mul3A_196 = arith.muli %arg1, %mul3A_195 : i32
    "tpu.region"() ({
      %run_scoped3A = tpu.sem_alloc : memref<!tpu.dma_semaphore, #tpu.memory_space<semaphore_mem>>
      %dma_start3A_258 = tpu.memref_slice %arg4[%mul3A_196] : memref<10240xf32, #tpu.memory_space<vmem_shared>> -> memref<640xf32, #tpu.memory_space<vmem_shared>>
      %dma_start3A_259 = tpu.memref_slice %arg4[%mul3A_196] : memref<10240xf32, #tpu.memory_space<vmem_shared>> -> memref<640xf32, #tpu.memory_space<vmem_shared>>
      tpu.enqueue_dma source(%arg7 : memref<640xf32, #tpu.memory_space<vmem>>) target(%dma_start3A_259 : memref<640xf32, #tpu.memory_space<vmem_shared>>) target_semaphore(%run_scoped3A : memref<!tpu.dma_semaphore, #tpu.memory_space<semaphore_mem>>)
      %dma_wait3A_260 = tpu.memref_slice %arg4[%mul3A_196] : memref<10240xf32, #tpu.memory_space<vmem_shared>> -> memref<640xf32, #tpu.memory_space<vmem_shared>>
      %dma_wait3A_261 = tpu.memref_slice %arg4[%mul3A_196] : memref<10240xf32, #tpu.memory_space<vmem_shared>> -> memref<640xf32, #tpu.memory_space<vmem_shared>>
      tpu.wait_dma2 semaphore(%run_scoped3A : memref<!tpu.dma_semaphore, #tpu.memory_space<semaphore_mem>>) src(%arg7 : memref<640xf32, #tpu.memory_space<vmem>>) dst(%dma_wait3A_261 : memref<640xf32, #tpu.memory_space<vmem_shared>>)
      tpu.yield
    }) : () -> ()
    %mul3A_197 = arith.constant 80 : i32
    %mul3A_198 = arith.muli %add3A, %mul3A_197 : i32
    "tpu.region"() ({
      %run_scoped3A = tpu.sem_alloc : memref<!tpu.dma_semaphore, #tpu.memory_space<semaphore_mem>>
      %dma_start3A_258 = arith.constant 0 : i32
      %dma_start3A_259 = tpu.memref_slice %arg2[%mul3A_198, %dma_start3A_258] : memref<2560x128xi32, #tpu.memory_space<hbm>> -> memref<80x128xi32, #tpu.memory_space<hbm>>
      %dma_start3A_260 = arith.constant 0 : i32
      %dma_start3A_261 = tpu.memref_slice %arg2[%mul3A_198, %dma_start3A_260] : memref<2560x128xi32, #tpu.memory_space<hbm>> -> memref<80x128xi32, #tpu.memory_space<hbm>>
      tpu.enqueue_dma source(%dma_start3A_261 : memref<80x128xi32, #tpu.memory_space<hbm>>) target(%arg5 : memref<80x128xi32, #tpu.memory_space<vmem>>) target_semaphore(%run_scoped3A : memref<!tpu.dma_semaphore, #tpu.memory_space<semaphore_mem>>)
      %dma_wait3A_262 = arith.constant 0 : i32
      %dma_wait3A_263 = tpu.memref_slice %arg2[%mul3A_198, %dma_wait3A_262] : memref<2560x128xi32, #tpu.memory_space<hbm>> -> memref<80x128xi32, #tpu.memory_space<hbm>>
      %dma_wait3A_264 = arith.constant 0 : i32
      %dma_wait3A_265 = tpu.memref_slice %arg2[%mul3A_198, %dma_wait3A_264] : memref<2560x128xi32, #tpu.memory_space<hbm>> -> memref<80x128xi32, #tpu.memory_space<hbm>>
      tpu.wait_dma2 semaphore(%run_scoped3A : memref<!tpu.dma_semaphore, #tpu.memory_space<semaphore_mem>>) src(%dma_wait3A_265 : memref<80x128xi32, #tpu.memory_space<hbm>>) dst(%arg5 : memref<80x128xi32, #tpu.memory_space<vmem>>)
      tpu.yield
    }) : () -> ()
    %barrier3A = arith.constant 0 : index
    tpu.barrier barrier_id(%barrier3A)
    %dma_start3A = arith.constant 0 : i32
    %dma_start3A_199 = arith.constant 0 : i32
    %dma_start3A_200 = tpu.memref_slice %arg5[%dma_start3A, %dma_start3A_199] : memref<80x128xi32, #tpu.memory_space<vmem>> -> memref<1x128xi32, #tpu.memory_space<vmem>>
    %dma_start3A_201 = tpu.memref_squeeze %dma_start3A_200 : memref<1x128xi32, #tpu.memory_space<vmem>> -> memref<128xi32, #tpu.memory_space<vmem>>
    %dma_start3A_202 = arith.constant 0 : i32
    %dma_start3A_203 = tpu.memref_slice %arg4[%dma_start3A_202] : memref<10240xf32, #tpu.memory_space<vmem_shared>> -> memref<10240xf32, #tpu.memory_space<vmem_shared>>
    tpu.enqueue_indirect_dma source(%arg6 : memref<128xf32, #tpu.memory_space<vmem>>) target(%dma_start3A_203 : memref<10240xf32, #tpu.memory_space<vmem_shared>>) offsets(%dma_start3A_201 : memref<128xi32, #tpu.memory_space<vmem>>) semaphore(%arg8 : memref<!tpu.dma_semaphore, #tpu.memory_space<semaphore_mem>>) {add = true}
    %dma_start3A_204 = arith.constant 1 : i32
    %dma_start3A_205 = arith.constant 0 : i32
    %dma_start3A_206 = tpu.memref_slice %arg5[%dma_start3A_204, %dma_start3A_205] : memref<80x128xi32, #tpu.memory_space<vmem>> -> memref<1x128xi32, #tpu.memory_space<vmem>>
    %dma_start3A_207 = tpu.memref_squeeze %dma_start3A_206 : memref<1x128xi32, #tpu.memory_space<vmem>> -> memref<128xi32, #tpu.memory_space<vmem>>
    %dma_start3A_208 = arith.constant 0 : i32
    %dma_start3A_209 = tpu.memref_slice %arg4[%dma_start3A_208] : memref<10240xf32, #tpu.memory_space<vmem_shared>> -> memref<10240xf32, #tpu.memory_space<vmem_shared>>
    tpu.enqueue_indirect_dma source(%arg6 : memref<128xf32, #tpu.memory_space<vmem>>) target(%dma_start3A_209 : memref<10240xf32, #tpu.memory_space<vmem_shared>>) offsets(%dma_start3A_207 : memref<128xi32, #tpu.memory_space<vmem>>) semaphore(%arg8 : memref<!tpu.dma_semaphore, #tpu.memory_space<semaphore_mem>>) {add = true}
    %dma_start3A_210 = arith.constant 2 : i32
    %dma_start3A_211 = arith.constant 0 : i32
    %dma_start3A_212 = tpu.memref_slice %arg5[%dma_start3A_210, %dma_start3A_211] : memref<80x128xi32, #tpu.memory_space<vmem>> -> memref<1x128xi32, #tpu.memory_space<vmem>>
    %dma_start3A_213 = tpu.memref_squeeze %dma_start3A_212 : memref<1x128xi32, #tpu.memory_space<vmem>> -> memref<128xi32, #tpu.memory_space<vmem>>
    %dma_start3A_214 = arith.constant 0 : i32
    %dma_start3A_215 = tpu.memref_slice %arg4[%dma_start3A_214] : memref<10240xf32, #tpu.memory_space<vmem_shared>> -> memref<10240xf32, #tpu.memory_space<vmem_shared>>
    tpu.enqueue_indirect_dma source(%arg6 : memref<128xf32, #tpu.memory_space<vmem>>) target(%dma_start3A_215 : memref<10240xf32, #tpu.memory_space<vmem_shared>>) offsets(%dma_start3A_213 : memref<128xi32, #tpu.memory_space<vmem>>) semaphore(%arg8 : memref<!tpu.dma_semaphore, #tpu.memory_space<semaphore_mem>>) {add = true}
    %dma_start3A_216 = arith.constant 3 : i32
    %dma_start3A_217 = arith.constant 0 : i32
    %dma_start3A_218 = tpu.memref_slice %arg5[%dma_start3A_216, %dma_start3A_217] : memref<80x128xi32, #tpu.memory_space<vmem>> -> memref<1x128xi32, #tpu.memory_space<vmem>>
    %dma_start3A_219 = tpu.memref_squeeze %dma_start3A_218 : memref<1x128xi32, #tpu.memory_space<vmem>> -> memref<128xi32, #tpu.memory_space<vmem>>
    %dma_start3A_220 = arith.constant 0 : i32
    %dma_start3A_221 = tpu.memref_slice %arg4[%dma_start3A_220] : memref<10240xf32, #tpu.memory_space<vmem_shared>> -> memref<10240xf32, #tpu.memory_space<vmem_shared>>
    tpu.enqueue_indirect_dma source(%arg6 : memref<128xf32, #tpu.memory_space<vmem>>) target(%dma_start3A_221 : memref<10240xf32, #tpu.memory_space<vmem_shared>>) offsets(%dma_start3A_219 : memref<128xi32, #tpu.memory_space<vmem>>) semaphore(%arg8 : memref<!tpu.dma_semaphore, #tpu.memory_space<semaphore_mem>>) {add = true}
    %scan3A = arith.constant 0 : i32
    %scan3A_222 = arith.constant 4 : i32
    %scan3A_223 = arith.constant 76 : i32
    %scan3A_224 = arith.addi %scan3A_222, %scan3A_223 : i32
    %scan3A_225 = arith.constant 1 : i32
    scf.for %scan3A_258 = %scan3A_222 to %scan3A_224 step %scan3A_225  : i32 {
      %dma_wait3A_259 = arith.constant 0 : i32
      %dma_wait3A_260 = arith.constant 0 : i32
      %dma_wait3A_261 = tpu.memref_slice %arg5[%dma_wait3A_259, %dma_wait3A_260] : memref<80x128xi32, #tpu.memory_space<vmem>> -> memref<1x128xi32, #tpu.memory_space<vmem>>
      %dma_wait3A_262 = tpu.memref_squeeze %dma_wait3A_261 : memref<1x128xi32, #tpu.memory_space<vmem>> -> memref<128xi32, #tpu.memory_space<vmem>>
      %dma_wait3A_263 = arith.constant 0 : i32
      %dma_wait3A_264 = tpu.memref_slice %arg4[%dma_wait3A_263] : memref<10240xf32, #tpu.memory_space<vmem_shared>> -> memref<10240xf32, #tpu.memory_space<vmem_shared>>
      tpu.wait_indirect_dma semaphore(%arg8 : memref<!tpu.dma_semaphore, #tpu.memory_space<semaphore_mem>>) src(%arg6 : memref<128xf32, #tpu.memory_space<vmem>>) dst(%dma_wait3A_264 : memref<10240xf32, #tpu.memory_space<vmem_shared>>)
      %dma_start3A_265 = arith.constant 0 : i32
      %dma_start3A_266 = tpu.memref_slice %arg5[%scan3A_258, %dma_start3A_265] : memref<80x128xi32, #tpu.memory_space<vmem>> -> memref<1x128xi32, #tpu.memory_space<vmem>>
      %dma_start3A_267 = tpu.memref_squeeze %dma_start3A_266 : memref<1x128xi32, #tpu.memory_space<vmem>> -> memref<128xi32, #tpu.memory_space<vmem>>
      %dma_start3A_268 = arith.constant 0 : i32
      %dma_start3A_269 = tpu.memref_slice %arg4[%dma_start3A_268] : memref<10240xf32, #tpu.memory_space<vmem_shared>> -> memref<10240xf32, #tpu.memory_space<vmem_shared>>
      tpu.enqueue_indirect_dma source(%arg6 : memref<128xf32, #tpu.memory_space<vmem>>) target(%dma_start3A_269 : memref<10240xf32, #tpu.memory_space<vmem_shared>>) offsets(%dma_start3A_267 : memref<128xi32, #tpu.memory_space<vmem>>) semaphore(%arg8 : memref<!tpu.dma_semaphore, #tpu.memory_space<semaphore_mem>>) {add = true}
    }
    %scan3A_226 = arith.constant 76 : i32
    %dma_wait3A = arith.constant 0 : i32
    %dma_wait3A_227 = arith.constant 0 : i32
    %dma_wait3A_228 = tpu.memref_slice %arg5[%dma_wait3A, %dma_wait3A_227] : memref<80x128xi32, #tpu.memory_space<vmem>> -> memref<1x128xi32, #tpu.memory_space<vmem>>
    %dma_wait3A_229 = tpu.memref_squeeze %dma_wait3A_228 : memref<1x128xi32, #tpu.memory_space<vmem>> -> memref<128xi32, #tpu.memory_space<vmem>>
    %dma_wait3A_230 = arith.constant 0 : i32
    %dma_wait3A_231 = tpu.memref_slice %arg4[%dma_wait3A_230] : memref<10240xf32, #tpu.memory_space<vmem_shared>> -> memref<10240xf32, #tpu.memory_space<vmem_shared>>
    tpu.wait_indirect_dma semaphore(%arg8 : memref<!tpu.dma_semaphore, #tpu.memory_space<semaphore_mem>>) src(%arg6 : memref<128xf32, #tpu.memory_space<vmem>>) dst(%dma_wait3A_231 : memref<10240xf32, #tpu.memory_space<vmem_shared>>)
    %dma_wait3A_232 = arith.constant 0 : i32
    %dma_wait3A_233 = arith.constant 0 : i32
    %dma_wait3A_234 = tpu.memref_slice %arg5[%dma_wait3A_232, %dma_wait3A_233] : memref<80x128xi32, #tpu.memory_space<vmem>> -> memref<1x128xi32, #tpu.memory_space<vmem>>
    %dma_wait3A_235 = tpu.memref_squeeze %dma_wait3A_234 : memref<1x128xi32, #tpu.memory_space<vmem>> -> memref<128xi32, #tpu.memory_space<vmem>>
    %dma_wait3A_236 = arith.constant 0 : i32
    %dma_wait3A_237 = tpu.memref_slice %arg4[%dma_wait3A_236] : memref<10240xf32, #tpu.memory_space<vmem_shared>> -> memref<10240xf32, #tpu.memory_space<vmem_shared>>
    tpu.wait_indirect_dma semaphore(%arg8 : memref<!tpu.dma_semaphore, #tpu.memory_space<semaphore_mem>>) src(%arg6 : memref<128xf32, #tpu.memory_space<vmem>>) dst(%dma_wait3A_237 : memref<10240xf32, #tpu.memory_space<vmem_shared>>)
    %dma_wait3A_238 = arith.constant 0 : i32
    %dma_wait3A_239 = arith.constant 0 : i32
    %dma_wait3A_240 = tpu.memref_slice %arg5[%dma_wait3A_238, %dma_wait3A_239] : memref<80x128xi32, #tpu.memory_space<vmem>> -> memref<1x128xi32, #tpu.memory_space<vmem>>
    %dma_wait3A_241 = tpu.memref_squeeze %dma_wait3A_240 : memref<1x128xi32, #tpu.memory_space<vmem>> -> memref<128xi32, #tpu.memory_space<vmem>>
    %dma_wait3A_242 = arith.constant 0 : i32
    %dma_wait3A_243 = tpu.memref_slice %arg4[%dma_wait3A_242] : memref<10240xf32, #tpu.memory_space<vmem_shared>> -> memref<10240xf32, #tpu.memory_space<vmem_shared>>
    tpu.wait_indirect_dma semaphore(%arg8 : memref<!tpu.dma_semaphore, #tpu.memory_space<semaphore_mem>>) src(%arg6 : memref<128xf32, #tpu.memory_space<vmem>>) dst(%dma_wait3A_243 : memref<10240xf32, #tpu.memory_space<vmem_shared>>)
    %dma_wait3A_244 = arith.constant 0 : i32
    %dma_wait3A_245 = arith.constant 0 : i32
    %dma_wait3A_246 = tpu.memref_slice %arg5[%dma_wait3A_244, %dma_wait3A_245] : memref<80x128xi32, #tpu.memory_space<vmem>> -> memref<1x128xi32, #tpu.memory_space<vmem>>
    %dma_wait3A_247 = tpu.memref_squeeze %dma_wait3A_246 : memref<1x128xi32, #tpu.memory_space<vmem>> -> memref<128xi32, #tpu.memory_space<vmem>>
    %dma_wait3A_248 = arith.constant 0 : i32
    %dma_wait3A_249 = tpu.memref_slice %arg4[%dma_wait3A_248] : memref<10240xf32, #tpu.memory_space<vmem_shared>> -> memref<10240xf32, #tpu.memory_space<vmem_shared>>
    tpu.wait_indirect_dma semaphore(%arg8 : memref<!tpu.dma_semaphore, #tpu.memory_space<semaphore_mem>>) src(%arg6 : memref<128xf32, #tpu.memory_space<vmem>>) dst(%dma_wait3A_249 : memref<10240xf32, #tpu.memory_space<vmem_shared>>)
    %barrier3A_250 = arith.constant 0 : index
    tpu.barrier barrier_id(%barrier3A_250)
    %mul3A_251 = arith.constant 640 : i32
    %mul3A_252 = arith.muli %arg1, %mul3A_251 : i32
    %mul3A_253 = arith.constant 10240 : i32
    %mul3A_254 = arith.muli %arg0, %mul3A_253 : i32
    %mul3A_255 = arith.constant 640 : i32
    %mul3A_256 = arith.muli %arg1, %mul3A_255 : i32
    %add3A_257 = arith.addi %mul3A_254, %mul3A_256 : i32
    "tpu.region"() ({
      %run_scoped3A = tpu.sem_alloc : memref<!tpu.dma_semaphore, #tpu.memory_space<semaphore_mem>>
      %dma_start3A_258 = tpu.memref_slice %arg3[%add3A_257] : memref<20480xf32, #tpu.memory_space<hbm>> -> memref<640xf32, #tpu.memory_space<hbm>>
      %dma_start3A_259 = tpu.memref_slice %arg4[%mul3A_252] : memref<10240xf32, #tpu.memory_space<vmem_shared>> -> memref<640xf32, #tpu.memory_space<vmem_shared>>
      tpu.enqueue_dma source(%dma_start3A_259 : memref<640xf32, #tpu.memory_space<vmem_shared>>) target(%dma_start3A_258 : memref<640xf32, #tpu.memory_space<hbm>>) target_semaphore(%run_scoped3A : memref<!tpu.dma_semaphore, #tpu.memory_space<semaphore_mem>>)
      %dma_wait3A_260 = tpu.memref_slice %arg3[%add3A_257] : memref<20480xf32, #tpu.memory_space<hbm>> -> memref<640xf32, #tpu.memory_space<hbm>>
      %dma_wait3A_261 = tpu.memref_slice %arg4[%mul3A_252] : memref<10240xf32, #tpu.memory_space<vmem_shared>> -> memref<640xf32, #tpu.memory_space<vmem_shared>>
      tpu.wait_dma2 semaphore(%run_scoped3A : memref<!tpu.dma_semaphore, #tpu.memory_space<semaphore_mem>>) src(%dma_wait3A_261 : memref<640xf32, #tpu.memory_space<vmem_shared>>) dst(%dma_wait3A_260 : memref<640xf32, #tpu.memory_space<hbm>>)
      tpu.yield
    }) : () -> ()
    return
  }
}

#map = affine_map<(d0, d1) -> (0, 0, 0)>
#map1 = affine_map<(d0, d1) -> (0, 0)>
module attributes {stable_mosaic.version = 14 : i64} {
  func.func @k(%arg0: i32, %arg1: i32, %arg2: memref<2x10240x128xf32, #tpu.memory_space<hbm>>, %arg3: memref<2560x128xi32, #tpu.memory_space<hbm>>, %arg4: memref<2560x128xi32, #tpu.memory_space<hbm>>, %arg5: memref<10240x128xf32, #tpu.memory_space<hbm>>, %arg6: memref<2x10240x128xf32, #tpu.memory_space<hbm>>, %arg7: memref<10240x128xf32, #tpu.memory_space<vmem_shared>>, %arg8: memref<32x128xi32, #tpu.memory_space<vmem>>, %arg9: memref<32x128xi32, #tpu.memory_space<vmem>>, %arg10: memref<128x128xf32, #tpu.memory_space<vmem>>, %arg11: memref<128x128xf32, #tpu.memory_space<vmem>>, %arg12: memref<!tpu.dma_semaphore, #tpu.memory_space<semaphore_mem>>, %arg13: memref<!tpu.dma_semaphore, #tpu.memory_space<semaphore_mem>>, %arg14: memref<!tpu.dma_semaphore, #tpu.memory_space<semaphore_mem>>, %arg15: memref<!tpu.dma_semaphore, #tpu.memory_space<semaphore_mem>>) attributes {dimension_semantics = [#tpu.dimension_semantics<core_parallel>, #tpu.dimension_semantics<subcore_parallel>], iteration_bounds = array<i64: 2, 16>, scalar_prefetch = 0 : i64, scratch_operands = 9 : i64, tpu.core_type = #tpu.core_type<sc_vector_subcore>, window_params = [{transform_indices = #map}, {transform_indices = #map1}, {transform_indices = #map1}, {transform_indices = #map1}, {transform_indices = #map}]} {
    %mul3A = arith.constant 640 : i32
    %mul3A_0 = arith.muli %arg1, %mul3A : i32
    %mul3A_1 = arith.constant 640 : i32
    %mul3A_2 = arith.muli %arg1, %mul3A_1 : i32
    "tpu.region"() ({
      %run_scoped3A = tpu.sem_alloc : memref<!tpu.dma_semaphore, #tpu.memory_space<semaphore_mem>>
      %dma_start3A = arith.constant 0 : i32
      %dma_start3A_13 = tpu.memref_slice %arg7[%mul3A_2, %dma_start3A] : memref<10240x128xf32, #tpu.memory_space<vmem_shared>> -> memref<640x128xf32, #tpu.memory_space<vmem_shared>>
      %dma_start3A_14 = arith.constant 0 : i32
      %dma_start3A_15 = tpu.memref_slice %arg5[%mul3A_0, %dma_start3A_14] : memref<10240x128xf32, #tpu.memory_space<hbm>> -> memref<640x128xf32, #tpu.memory_space<hbm>>
      tpu.enqueue_dma source(%dma_start3A_15 : memref<640x128xf32, #tpu.memory_space<hbm>>) target(%dma_start3A_13 : memref<640x128xf32, #tpu.memory_space<vmem_shared>>) target_semaphore(%run_scoped3A : memref<!tpu.dma_semaphore, #tpu.memory_space<semaphore_mem>>)
      %dma_wait3A = arith.constant 0 : i32
      %dma_wait3A_16 = tpu.memref_slice %arg7[%mul3A_2, %dma_wait3A] : memref<10240x128xf32, #tpu.memory_space<vmem_shared>> -> memref<640x128xf32, #tpu.memory_space<vmem_shared>>
      %dma_wait3A_17 = arith.constant 0 : i32
      %dma_wait3A_18 = tpu.memref_slice %arg5[%mul3A_0, %dma_wait3A_17] : memref<10240x128xf32, #tpu.memory_space<hbm>> -> memref<640x128xf32, #tpu.memory_space<hbm>>
      tpu.wait_dma2 semaphore(%run_scoped3A : memref<!tpu.dma_semaphore, #tpu.memory_space<semaphore_mem>>) src(%dma_wait3A_18 : memref<640x128xf32, #tpu.memory_space<hbm>>) dst(%dma_wait3A_16 : memref<640x128xf32, #tpu.memory_space<vmem_shared>>)
      tpu.yield
    }) : () -> ()
    %barrier3A = arith.constant 0 : index
    tpu.barrier barrier_id(%barrier3A)
    %scan3A = arith.constant 0 : i32
    %scan3A_3 = arith.constant 0 : i32
    %scan3A_4 = arith.constant 5 : i32
    %scan3A_5 = arith.addi %scan3A_3, %scan3A_4 : i32
    %scan3A_6 = arith.constant 1 : i32
    scf.for %scan3A_13 = %scan3A_3 to %scan3A_5 step %scan3A_6  : i32 {
      %mul3A_14 = arith.constant 160 : i32
      %mul3A_15 = arith.muli %arg1, %mul3A_14 : i32
      %mul3A_16 = arith.constant 32 : i32
      %mul3A_17 = arith.muli %scan3A_13, %mul3A_16 : i32
      %add3A = arith.addi %mul3A_15, %mul3A_17 : i32
      "tpu.region"() ({
        %run_scoped3A_100 = tpu.sem_alloc : memref<!tpu.dma_semaphore, #tpu.memory_space<semaphore_mem>>
        %dma_start3A_101 = arith.constant 0 : i32
        %dma_start3A_102 = tpu.memref_slice %arg3[%add3A, %dma_start3A_101] : memref<2560x128xi32, #tpu.memory_space<hbm>> -> memref<32x128xi32, #tpu.memory_space<hbm>>
        %dma_start3A_103 = arith.constant 0 : i32
        %dma_start3A_104 = tpu.memref_slice %arg3[%add3A, %dma_start3A_103] : memref<2560x128xi32, #tpu.memory_space<hbm>> -> memref<32x128xi32, #tpu.memory_space<hbm>>
        tpu.enqueue_dma source(%dma_start3A_104 : memref<32x128xi32, #tpu.memory_space<hbm>>) target(%arg8 : memref<32x128xi32, #tpu.memory_space<vmem>>) target_semaphore(%run_scoped3A_100 : memref<!tpu.dma_semaphore, #tpu.memory_space<semaphore_mem>>)
        %dma_wait3A_105 = arith.constant 0 : i32
        %dma_wait3A_106 = tpu.memref_slice %arg3[%add3A, %dma_wait3A_105] : memref<2560x128xi32, #tpu.memory_space<hbm>> -> memref<32x128xi32, #tpu.memory_space<hbm>>
        %dma_wait3A_107 = arith.constant 0 : i32
        %dma_wait3A_108 = tpu.memref_slice %arg3[%add3A, %dma_wait3A_107] : memref<2560x128xi32, #tpu.memory_space<hbm>> -> memref<32x128xi32, #tpu.memory_space<hbm>>
        tpu.wait_dma2 semaphore(%run_scoped3A_100 : memref<!tpu.dma_semaphore, #tpu.memory_space<semaphore_mem>>) src(%dma_wait3A_108 : memref<32x128xi32, #tpu.memory_space<hbm>>) dst(%arg8 : memref<32x128xi32, #tpu.memory_space<vmem>>)
        tpu.yield
      }) : () -> ()
      "tpu.region"() ({
        %run_scoped3A_100 = tpu.sem_alloc : memref<!tpu.dma_semaphore, #tpu.memory_space<semaphore_mem>>
        %dma_start3A_101 = arith.constant 0 : i32
        %dma_start3A_102 = tpu.memref_slice %arg4[%add3A, %dma_start3A_101] : memref<2560x128xi32, #tpu.memory_space<hbm>> -> memref<32x128xi32, #tpu.memory_space<hbm>>
        %dma_start3A_103 = arith.constant 0 : i32
        %dma_start3A_104 = tpu.memref_slice %arg4[%add3A, %dma_start3A_103] : memref<2560x128xi32, #tpu.memory_space<hbm>> -> memref<32x128xi32, #tpu.memory_space<hbm>>
        tpu.enqueue_dma source(%dma_start3A_104 : memref<32x128xi32, #tpu.memory_space<hbm>>) target(%arg9 : memref<32x128xi32, #tpu.memory_space<vmem>>) target_semaphore(%run_scoped3A_100 : memref<!tpu.dma_semaphore, #tpu.memory_space<semaphore_mem>>)
        %dma_wait3A_105 = arith.constant 0 : i32
        %dma_wait3A_106 = tpu.memref_slice %arg4[%add3A, %dma_wait3A_105] : memref<2560x128xi32, #tpu.memory_space<hbm>> -> memref<32x128xi32, #tpu.memory_space<hbm>>
        %dma_wait3A_107 = arith.constant 0 : i32
        %dma_wait3A_108 = tpu.memref_slice %arg4[%add3A, %dma_wait3A_107] : memref<2560x128xi32, #tpu.memory_space<hbm>> -> memref<32x128xi32, #tpu.memory_space<hbm>>
        tpu.wait_dma2 semaphore(%run_scoped3A_100 : memref<!tpu.dma_semaphore, #tpu.memory_space<semaphore_mem>>) src(%dma_wait3A_108 : memref<32x128xi32, #tpu.memory_space<hbm>>) dst(%arg9 : memref<32x128xi32, #tpu.memory_space<vmem>>)
        tpu.yield
      }) : () -> ()
      %dma_start3A = arith.constant 0 : i32
      %dma_start3A_18 = arith.constant 0 : i32
      %dma_start3A_19 = arith.constant 0 : i32
      %dma_start3A_20 = tpu.memref_slice %arg10[%dma_start3A_18, %dma_start3A_19] : memref<128x128xf32, #tpu.memory_space<vmem>> -> memref<64x128xf32, #tpu.memory_space<vmem>>
      %dma_start3A_21 = arith.constant 0 : i32
      %dma_start3A_22 = tpu.memref_slice %arg8[%dma_start3A, %dma_start3A_21] : memref<32x128xi32, #tpu.memory_space<vmem>> -> memref<1x64xi32, #tpu.memory_space<vmem>>
      %dma_start3A_23 = tpu.memref_squeeze %dma_start3A_22 : memref<1x64xi32, #tpu.memory_space<vmem>> -> memref<64xi32, #tpu.memory_space<vmem>>
      %dma_start3A_24 = arith.constant 0 : i32
      %dma_start3A_25 = arith.constant 0 : i32
      %dma_start3A_26 = tpu.memref_slice %arg2[%arg0, %dma_start3A_24, %dma_start3A_25] : memref<2x10240x128xf32, #tpu.memory_space<hbm>> -> memref<1x10240x128xf32, #tpu.memory_space<hbm>>
      %dma_start3A_27 = tpu.memref_squeeze %dma_start3A_26 : memref<1x10240x128xf32, #tpu.memory_space<hbm>> -> memref<10240x128xf32, #tpu.memory_space<hbm>>
      %dma_start3A_28 = arith.constant 0 : i32
      %dma_start3A_29 = arith.constant 0 : i32
      %dma_start3A_30 = tpu.memref_slice %dma_start3A_27[%dma_start3A_28, %dma_start3A_29] : memref<10240x128xf32, #tpu.memory_space<hbm>> -> memref<10240x128xf32, #tpu.memory_space<hbm>>
      tpu.enqueue_indirect_dma source(%dma_start3A_30 : memref<10240x128xf32, #tpu.memory_space<hbm>>) target(%dma_start3A_20 : memref<64x128xf32, #tpu.memory_space<vmem>>) offsets(%dma_start3A_23 : memref<64xi32, #tpu.memory_space<vmem>>) semaphore(%arg12 : memref<!tpu.dma_semaphore, #tpu.memory_space<semaphore_mem>>)
      %dma_start3A_31 = arith.constant 0 : i32
      %dma_start3A_32 = arith.constant 64 : i32
      %dma_start3A_33 = arith.constant 0 : i32
      %dma_start3A_34 = tpu.memref_slice %arg10[%dma_start3A_32, %dma_start3A_33] : memref<128x128xf32, #tpu.memory_space<vmem>> -> memref<64x128xf32, #tpu.memory_space<vmem>>
      %dma_start3A_35 = arith.constant 64 : i32
      %dma_start3A_36 = tpu.memref_slice %arg8[%dma_start3A_31, %dma_start3A_35] : memref<32x128xi32, #tpu.memory_space<vmem>> -> memref<1x64xi32, #tpu.memory_space<vmem>>
      %dma_start3A_37 = tpu.memref_squeeze %dma_start3A_36 : memref<1x64xi32, #tpu.memory_space<vmem>> -> memref<64xi32, #tpu.memory_space<vmem>>
      %dma_start3A_38 = arith.constant 0 : i32
      %dma_start3A_39 = arith.constant 0 : i32
      %dma_start3A_40 = tpu.memref_slice %arg2[%arg0, %dma_start3A_38, %dma_start3A_39] : memref<2x10240x128xf32, #tpu.memory_space<hbm>> -> memref<1x10240x128xf32, #tpu.memory_space<hbm>>
      %dma_start3A_41 = tpu.memref_squeeze %dma_start3A_40 : memref<1x10240x128xf32, #tpu.memory_space<hbm>> -> memref<10240x128xf32, #tpu.memory_space<hbm>>
      %dma_start3A_42 = arith.constant 0 : i32
      %dma_start3A_43 = arith.constant 0 : i32
      %dma_start3A_44 = tpu.memref_slice %dma_start3A_41[%dma_start3A_42, %dma_start3A_43] : memref<10240x128xf32, #tpu.memory_space<hbm>> -> memref<10240x128xf32, #tpu.memory_space<hbm>>
      tpu.enqueue_indirect_dma source(%dma_start3A_44 : memref<10240x128xf32, #tpu.memory_space<hbm>>) target(%dma_start3A_34 : memref<64x128xf32, #tpu.memory_space<vmem>>) offsets(%dma_start3A_37 : memref<64xi32, #tpu.memory_space<vmem>>) semaphore(%arg12 : memref<!tpu.dma_semaphore, #tpu.memory_space<semaphore_mem>>)
      %dma_start3A_45 = arith.constant 1 : i32
      %dma_start3A_46 = arith.constant 0 : i32
      %dma_start3A_47 = arith.constant 0 : i32
      %dma_start3A_48 = tpu.memref_slice %arg11[%dma_start3A_46, %dma_start3A_47] : memref<128x128xf32, #tpu.memory_space<vmem>> -> memref<64x128xf32, #tpu.memory_space<vmem>>
      %dma_start3A_49 = arith.constant 0 : i32
      %dma_start3A_50 = tpu.memref_slice %arg8[%dma_start3A_45, %dma_start3A_49] : memref<32x128xi32, #tpu.memory_space<vmem>> -> memref<1x64xi32, #tpu.memory_space<vmem>>
      %dma_start3A_51 = tpu.memref_squeeze %dma_start3A_50 : memref<1x64xi32, #tpu.memory_space<vmem>> -> memref<64xi32, #tpu.memory_space<vmem>>
      %dma_start3A_52 = arith.constant 0 : i32
      %dma_start3A_53 = arith.constant 0 : i32
      %dma_start3A_54 = tpu.memref_slice %arg2[%arg0, %dma_start3A_52, %dma_start3A_53] : memref<2x10240x128xf32, #tpu.memory_space<hbm>> -> memref<1x10240x128xf32, #tpu.memory_space<hbm>>
      %dma_start3A_55 = tpu.memref_squeeze %dma_start3A_54 : memref<1x10240x128xf32, #tpu.memory_space<hbm>> -> memref<10240x128xf32, #tpu.memory_space<hbm>>
      %dma_start3A_56 = arith.constant 0 : i32
      %dma_start3A_57 = arith.constant 0 : i32
      %dma_start3A_58 = tpu.memref_slice %dma_start3A_55[%dma_start3A_56, %dma_start3A_57] : memref<10240x128xf32, #tpu.memory_space<hbm>> -> memref<10240x128xf32, #tpu.memory_space<hbm>>
      tpu.enqueue_indirect_dma source(%dma_start3A_58 : memref<10240x128xf32, #tpu.memory_space<hbm>>) target(%dma_start3A_48 : memref<64x128xf32, #tpu.memory_space<vmem>>) offsets(%dma_start3A_51 : memref<64xi32, #tpu.memory_space<vmem>>) semaphore(%arg13 : memref<!tpu.dma_semaphore, #tpu.memory_space<semaphore_mem>>)
      %dma_start3A_59 = arith.constant 1 : i32
      %dma_start3A_60 = arith.constant 64 : i32
      %dma_start3A_61 = arith.constant 0 : i32
      %dma_start3A_62 = tpu.memref_slice %arg11[%dma_start3A_60, %dma_start3A_61] : memref<128x128xf32, #tpu.memory_space<vmem>> -> memref<64x128xf32, #tpu.memory_space<vmem>>
      %dma_start3A_63 = arith.constant 64 : i32
      %dma_start3A_64 = tpu.memref_slice %arg8[%dma_start3A_59, %dma_start3A_63] : memref<32x128xi32, #tpu.memory_space<vmem>> -> memref<1x64xi32, #tpu.memory_space<vmem>>
      %dma_start3A_65 = tpu.memref_squeeze %dma_start3A_64 : memref<1x64xi32, #tpu.memory_space<vmem>> -> memref<64xi32, #tpu.memory_space<vmem>>
      %dma_start3A_66 = arith.constant 0 : i32
      %dma_start3A_67 = arith.constant 0 : i32
      %dma_start3A_68 = tpu.memref_slice %arg2[%arg0, %dma_start3A_66, %dma_start3A_67] : memref<2x10240x128xf32, #tpu.memory_space<hbm>> -> memref<1x10240x128xf32, #tpu.memory_space<hbm>>
      %dma_start3A_69 = tpu.memref_squeeze %dma_start3A_68 : memref<1x10240x128xf32, #tpu.memory_space<hbm>> -> memref<10240x128xf32, #tpu.memory_space<hbm>>
      %dma_start3A_70 = arith.constant 0 : i32
      %dma_start3A_71 = arith.constant 0 : i32
      %dma_start3A_72 = tpu.memref_slice %dma_start3A_69[%dma_start3A_70, %dma_start3A_71] : memref<10240x128xf32, #tpu.memory_space<hbm>> -> memref<10240x128xf32, #tpu.memory_space<hbm>>
      tpu.enqueue_indirect_dma source(%dma_start3A_72 : memref<10240x128xf32, #tpu.memory_space<hbm>>) target(%dma_start3A_62 : memref<64x128xf32, #tpu.memory_space<vmem>>) offsets(%dma_start3A_65 : memref<64xi32, #tpu.memory_space<vmem>>) semaphore(%arg13 : memref<!tpu.dma_semaphore, #tpu.memory_space<semaphore_mem>>)
      %scan3A_73 = arith.constant 0 : i32
      %scan3A_74 = arith.constant 15 : i32
      %scan3A_75 = arith.addi %scan3A_73, %scan3A_74 : i32
      %scan3A_76 = arith.constant 1 : i32
      scf.for %scan3A_100 = %scan3A_73 to %scan3A_75 step %scan3A_76  : i32 {
        %mul3A_101 = arith.constant 2 : i32
        %mul3A_102 = arith.muli %scan3A_100, %mul3A_101 : i32
        %add3A_103 = arith.constant 1 : i32
        %add3A_104 = arith.addi %mul3A_102, %add3A_103 : i32
        %dma_wait3A_105 = arith.constant 0 : i32
        %dma_wait3A_106 = tpu.memref_slice %arg8[%mul3A_102, %dma_wait3A_105] : memref<32x128xi32, #tpu.memory_space<vmem>> -> memref<1x128xi32, #tpu.memory_space<vmem>>
        %dma_wait3A_107 = tpu.memref_squeeze %dma_wait3A_106 : memref<1x128xi32, #tpu.memory_space<vmem>> -> memref<128xi32, #tpu.memory_space<vmem>>
        %dma_wait3A_108 = arith.constant 0 : i32
        %dma_wait3A_109 = arith.constant 0 : i32
        %dma_wait3A_110 = tpu.memref_slice %arg2[%arg0, %dma_wait3A_108, %dma_wait3A_109] : memref<2x10240x128xf32, #tpu.memory_space<hbm>> -> memref<1x10240x128xf32, #tpu.memory_space<hbm>>
        %dma_wait3A_111 = tpu.memref_squeeze %dma_wait3A_110 : memref<1x10240x128xf32, #tpu.memory_space<hbm>> -> memref<10240x128xf32, #tpu.memory_space<hbm>>
        %dma_wait3A_112 = arith.constant 0 : i32
        %dma_wait3A_113 = arith.constant 0 : i32
        %dma_wait3A_114 = tpu.memref_slice %dma_wait3A_111[%dma_wait3A_112, %dma_wait3A_113] : memref<10240x128xf32, #tpu.memory_space<hbm>> -> memref<10240x128xf32, #tpu.memory_space<hbm>>
        tpu.wait_indirect_dma semaphore(%arg12 : memref<!tpu.dma_semaphore, #tpu.memory_space<semaphore_mem>>) src(%dma_wait3A_114 : memref<10240x128xf32, #tpu.memory_space<hbm>>) dst(%arg10 : memref<128x128xf32, #tpu.memory_space<vmem>>)
        %dma_start3A_115 = arith.constant 0 : i32
        %dma_start3A_116 = tpu.memref_slice %arg9[%mul3A_102, %dma_start3A_115] : memref<32x128xi32, #tpu.memory_space<vmem>> -> memref<1x128xi32, #tpu.memory_space<vmem>>
        %dma_start3A_117 = tpu.memref_squeeze %dma_start3A_116 : memref<1x128xi32, #tpu.memory_space<vmem>> -> memref<128xi32, #tpu.memory_space<vmem>>
        %dma_start3A_118 = arith.constant 0 : i32
        %dma_start3A_119 = arith.constant 0 : i32
        %dma_start3A_120 = tpu.memref_slice %arg7[%dma_start3A_118, %dma_start3A_119] : memref<10240x128xf32, #tpu.memory_space<vmem_shared>> -> memref<10240x128xf32, #tpu.memory_space<vmem_shared>>
        tpu.enqueue_indirect_dma source(%arg10 : memref<128x128xf32, #tpu.memory_space<vmem>>) target(%dma_start3A_120 : memref<10240x128xf32, #tpu.memory_space<vmem_shared>>) offsets(%dma_start3A_117 : memref<128xi32, #tpu.memory_space<vmem>>) semaphore(%arg14 : memref<!tpu.dma_semaphore, #tpu.memory_space<semaphore_mem>>) {add = true}
        %dma_wait3A_121 = arith.constant 0 : i32
        %dma_wait3A_122 = tpu.memref_slice %arg8[%add3A_104, %dma_wait3A_121] : memref<32x128xi32, #tpu.memory_space<vmem>> -> memref<1x128xi32, #tpu.memory_space<vmem>>
        %dma_wait3A_123 = tpu.memref_squeeze %dma_wait3A_122 : memref<1x128xi32, #tpu.memory_space<vmem>> -> memref<128xi32, #tpu.memory_space<vmem>>
        %dma_wait3A_124 = arith.constant 0 : i32
        %dma_wait3A_125 = arith.constant 0 : i32
        %dma_wait3A_126 = tpu.memref_slice %arg2[%arg0, %dma_wait3A_124, %dma_wait3A_125] : memref<2x10240x128xf32, #tpu.memory_space<hbm>> -> memref<1x10240x128xf32, #tpu.memory_space<hbm>>
        %dma_wait3A_127 = tpu.memref_squeeze %dma_wait3A_126 : memref<1x10240x128xf32, #tpu.memory_space<hbm>> -> memref<10240x128xf32, #tpu.memory_space<hbm>>
        %dma_wait3A_128 = arith.constant 0 : i32
        %dma_wait3A_129 = arith.constant 0 : i32
        %dma_wait3A_130 = tpu.memref_slice %dma_wait3A_127[%dma_wait3A_128, %dma_wait3A_129] : memref<10240x128xf32, #tpu.memory_space<hbm>> -> memref<10240x128xf32, #tpu.memory_space<hbm>>
        tpu.wait_indirect_dma semaphore(%arg13 : memref<!tpu.dma_semaphore, #tpu.memory_space<semaphore_mem>>) src(%dma_wait3A_130 : memref<10240x128xf32, #tpu.memory_space<hbm>>) dst(%arg11 : memref<128x128xf32, #tpu.memory_space<vmem>>)
        %dma_start3A_131 = arith.constant 0 : i32
        %dma_start3A_132 = tpu.memref_slice %arg9[%add3A_104, %dma_start3A_131] : memref<32x128xi32, #tpu.memory_space<vmem>> -> memref<1x128xi32, #tpu.memory_space<vmem>>
        %dma_start3A_133 = tpu.memref_squeeze %dma_start3A_132 : memref<1x128xi32, #tpu.memory_space<vmem>> -> memref<128xi32, #tpu.memory_space<vmem>>
        %dma_start3A_134 = arith.constant 0 : i32
        %dma_start3A_135 = arith.constant 0 : i32
        %dma_start3A_136 = tpu.memref_slice %arg7[%dma_start3A_134, %dma_start3A_135] : memref<10240x128xf32, #tpu.memory_space<vmem_shared>> -> memref<10240x128xf32, #tpu.memory_space<vmem_shared>>
        tpu.enqueue_indirect_dma source(%arg11 : memref<128x128xf32, #tpu.memory_space<vmem>>) target(%dma_start3A_136 : memref<10240x128xf32, #tpu.memory_space<vmem_shared>>) offsets(%dma_start3A_133 : memref<128xi32, #tpu.memory_space<vmem>>) semaphore(%arg15 : memref<!tpu.dma_semaphore, #tpu.memory_space<semaphore_mem>>) {add = true}
        %dma_wait3A_137 = arith.constant 0 : i32
        %dma_wait3A_138 = tpu.memref_slice %arg9[%mul3A_102, %dma_wait3A_137] : memref<32x128xi32, #tpu.memory_space<vmem>> -> memref<1x128xi32, #tpu.memory_space<vmem>>
        %dma_wait3A_139 = tpu.memref_squeeze %dma_wait3A_138 : memref<1x128xi32, #tpu.memory_space<vmem>> -> memref<128xi32, #tpu.memory_space<vmem>>
        %dma_wait3A_140 = arith.constant 0 : i32
        %dma_wait3A_141 = arith.constant 0 : i32
        %dma_wait3A_142 = tpu.memref_slice %arg7[%dma_wait3A_140, %dma_wait3A_141] : memref<10240x128xf32, #tpu.memory_space<vmem_shared>> -> memref<10240x128xf32, #tpu.memory_space<vmem_shared>>
        tpu.wait_indirect_dma semaphore(%arg14 : memref<!tpu.dma_semaphore, #tpu.memory_space<semaphore_mem>>) src(%arg10 : memref<128x128xf32, #tpu.memory_space<vmem>>) dst(%dma_wait3A_142 : memref<10240x128xf32, #tpu.memory_space<vmem_shared>>)
        %add3A_143 = arith.constant 2 : i32
        %add3A_144 = arith.addi %mul3A_102, %add3A_143 : i32
        %dma_start3A_145 = arith.constant 0 : i32
        %dma_start3A_146 = arith.constant 0 : i32
        %dma_start3A_147 = tpu.memref_slice %arg10[%dma_start3A_145, %dma_start3A_146] : memref<128x128xf32, #tpu.memory_space<vmem>> -> memref<64x128xf32, #tpu.memory_space<vmem>>
        %dma_start3A_148 = arith.constant 0 : i32
        %dma_start3A_149 = tpu.memref_slice %arg8[%add3A_144, %dma_start3A_148] : memref<32x128xi32, #tpu.memory_space<vmem>> -> memref<1x64xi32, #tpu.memory_space<vmem>>
        %dma_start3A_150 = tpu.memref_squeeze %dma_start3A_149 : memref<1x64xi32, #tpu.memory_space<vmem>> -> memref<64xi32, #tpu.memory_space<vmem>>
        %dma_start3A_151 = arith.constant 0 : i32
        %dma_start3A_152 = arith.constant 0 : i32
        %dma_start3A_153 = tpu.memref_slice %arg2[%arg0, %dma_start3A_151, %dma_start3A_152] : memref<2x10240x128xf32, #tpu.memory_space<hbm>> -> memref<1x10240x128xf32, #tpu.memory_space<hbm>>
        %dma_start3A_154 = tpu.memref_squeeze %dma_start3A_153 : memref<1x10240x128xf32, #tpu.memory_space<hbm>> -> memref<10240x128xf32, #tpu.memory_space<hbm>>
        %dma_start3A_155 = arith.constant 0 : i32
        %dma_start3A_156 = arith.constant 0 : i32
        %dma_start3A_157 = tpu.memref_slice %dma_start3A_154[%dma_start3A_155, %dma_start3A_156] : memref<10240x128xf32, #tpu.memory_space<hbm>> -> memref<10240x128xf32, #tpu.memory_space<hbm>>
        tpu.enqueue_indirect_dma source(%dma_start3A_157 : memref<10240x128xf32, #tpu.memory_space<hbm>>) target(%dma_start3A_147 : memref<64x128xf32, #tpu.memory_space<vmem>>) offsets(%dma_start3A_150 : memref<64xi32, #tpu.memory_space<vmem>>) semaphore(%arg12 : memref<!tpu.dma_semaphore, #tpu.memory_space<semaphore_mem>>)
        %dma_start3A_158 = arith.constant 64 : i32
        %dma_start3A_159 = arith.constant 0 : i32
        %dma_start3A_160 = tpu.memref_slice %arg10[%dma_start3A_158, %dma_start3A_159] : memref<128x128xf32, #tpu.memory_space<vmem>> -> memref<64x128xf32, #tpu.memory_space<vmem>>
        %dma_start3A_161 = arith.constant 64 : i32
        %dma_start3A_162 = tpu.memref_slice %arg8[%add3A_144, %dma_start3A_161] : memref<32x128xi32, #tpu.memory_space<vmem>> -> memref<1x64xi32, #tpu.memory_space<vmem>>
        %dma_start3A_163 = tpu.memref_squeeze %dma_start3A_162 : memref<1x64xi32, #tpu.memory_space<vmem>> -> memref<64xi32, #tpu.memory_space<vmem>>
        %dma_start3A_164 = arith.constant 0 : i32
        %dma_start3A_165 = arith.constant 0 : i32
        %dma_start3A_166 = tpu.memref_slice %arg2[%arg0, %dma_start3A_164, %dma_start3A_165] : memref<2x10240x128xf32, #tpu.memory_space<hbm>> -> memref<1x10240x128xf32, #tpu.memory_space<hbm>>
        %dma_start3A_167 = tpu.memref_squeeze %dma_start3A_166 : memref<1x10240x128xf32, #tpu.memory_space<hbm>> -> memref<10240x128xf32, #tpu.memory_space<hbm>>
        %dma_start3A_168 = arith.constant 0 : i32
        %dma_start3A_169 = arith.constant 0 : i32
        %dma_start3A_170 = tpu.memref_slice %dma_start3A_167[%dma_start3A_168, %dma_start3A_169] : memref<10240x128xf32, #tpu.memory_space<hbm>> -> memref<10240x128xf32, #tpu.memory_space<hbm>>
        tpu.enqueue_indirect_dma source(%dma_start3A_170 : memref<10240x128xf32, #tpu.memory_space<hbm>>) target(%dma_start3A_160 : memref<64x128xf32, #tpu.memory_space<vmem>>) offsets(%dma_start3A_163 : memref<64xi32, #tpu.memory_space<vmem>>) semaphore(%arg12 : memref<!tpu.dma_semaphore, #tpu.memory_space<semaphore_mem>>)
        %dma_wait3A_171 = arith.constant 0 : i32
        %dma_wait3A_172 = tpu.memref_slice %arg9[%add3A_104, %dma_wait3A_171] : memref<32x128xi32, #tpu.memory_space<vmem>> -> memref<1x128xi32, #tpu.memory_space<vmem>>
        %dma_wait3A_173 = tpu.memref_squeeze %dma_wait3A_172 : memref<1x128xi32, #tpu.memory_space<vmem>> -> memref<128xi32, #tpu.memory_space<vmem>>
        %dma_wait3A_174 = arith.constant 0 : i32
        %dma_wait3A_175 = arith.constant 0 : i32
        %dma_wait3A_176 = tpu.memref_slice %arg7[%dma_wait3A_174, %dma_wait3A_175] : memref<10240x128xf32, #tpu.memory_space<vmem_shared>> -> memref<10240x128xf32, #tpu.memory_space<vmem_shared>>
        tpu.wait_indirect_dma semaphore(%arg15 : memref<!tpu.dma_semaphore, #tpu.memory_space<semaphore_mem>>) src(%arg11 : memref<128x128xf32, #tpu.memory_space<vmem>>) dst(%dma_wait3A_176 : memref<10240x128xf32, #tpu.memory_space<vmem_shared>>)
        %add3A_177 = arith.constant 2 : i32
        %add3A_178 = arith.addi %add3A_104, %add3A_177 : i32
        %dma_start3A_179 = arith.constant 0 : i32
        %dma_start3A_180 = arith.constant 0 : i32
        %dma_start3A_181 = tpu.memref_slice %arg11[%dma_start3A_179, %dma_start3A_180] : memref<128x128xf32, #tpu.memory_space<vmem>> -> memref<64x128xf32, #tpu.memory_space<vmem>>
        %dma_start3A_182 = arith.constant 0 : i32
        %dma_start3A_183 = tpu.memref_slice %arg8[%add3A_178, %dma_start3A_182] : memref<32x128xi32, #tpu.memory_space<vmem>> -> memref<1x64xi32, #tpu.memory_space<vmem>>
        %dma_start3A_184 = tpu.memref_squeeze %dma_start3A_183 : memref<1x64xi32, #tpu.memory_space<vmem>> -> memref<64xi32, #tpu.memory_space<vmem>>
        %dma_start3A_185 = arith.constant 0 : i32
        %dma_start3A_186 = arith.constant 0 : i32
        %dma_start3A_187 = tpu.memref_slice %arg2[%arg0, %dma_start3A_185, %dma_start3A_186] : memref<2x10240x128xf32, #tpu.memory_space<hbm>> -> memref<1x10240x128xf32, #tpu.memory_space<hbm>>
        %dma_start3A_188 = tpu.memref_squeeze %dma_start3A_187 : memref<1x10240x128xf32, #tpu.memory_space<hbm>> -> memref<10240x128xf32, #tpu.memory_space<hbm>>
        %dma_start3A_189 = arith.constant 0 : i32
        %dma_start3A_190 = arith.constant 0 : i32
        %dma_start3A_191 = tpu.memref_slice %dma_start3A_188[%dma_start3A_189, %dma_start3A_190] : memref<10240x128xf32, #tpu.memory_space<hbm>> -> memref<10240x128xf32, #tpu.memory_space<hbm>>
        tpu.enqueue_indirect_dma source(%dma_start3A_191 : memref<10240x128xf32, #tpu.memory_space<hbm>>) target(%dma_start3A_181 : memref<64x128xf32, #tpu.memory_space<vmem>>) offsets(%dma_start3A_184 : memref<64xi32, #tpu.memory_space<vmem>>) semaphore(%arg13 : memref<!tpu.dma_semaphore, #tpu.memory_space<semaphore_mem>>)
        %dma_start3A_192 = arith.constant 64 : i32
        %dma_start3A_193 = arith.constant 0 : i32
        %dma_start3A_194 = tpu.memref_slice %arg11[%dma_start3A_192, %dma_start3A_193] : memref<128x128xf32, #tpu.memory_space<vmem>> -> memref<64x128xf32, #tpu.memory_space<vmem>>
        %dma_start3A_195 = arith.constant 64 : i32
        %dma_start3A_196 = tpu.memref_slice %arg8[%add3A_178, %dma_start3A_195] : memref<32x128xi32, #tpu.memory_space<vmem>> -> memref<1x64xi32, #tpu.memory_space<vmem>>
        %dma_start3A_197 = tpu.memref_squeeze %dma_start3A_196 : memref<1x64xi32, #tpu.memory_space<vmem>> -> memref<64xi32, #tpu.memory_space<vmem>>
        %dma_start3A_198 = arith.constant 0 : i32
        %dma_start3A_199 = arith.constant 0 : i32
        %dma_start3A_200 = tpu.memref_slice %arg2[%arg0, %dma_start3A_198, %dma_start3A_199] : memref<2x10240x128xf32, #tpu.memory_space<hbm>> -> memref<1x10240x128xf32, #tpu.memory_space<hbm>>
        %dma_start3A_201 = tpu.memref_squeeze %dma_start3A_200 : memref<1x10240x128xf32, #tpu.memory_space<hbm>> -> memref<10240x128xf32, #tpu.memory_space<hbm>>
        %dma_start3A_202 = arith.constant 0 : i32
        %dma_start3A_203 = arith.constant 0 : i32
        %dma_start3A_204 = tpu.memref_slice %dma_start3A_201[%dma_start3A_202, %dma_start3A_203] : memref<10240x128xf32, #tpu.memory_space<hbm>> -> memref<10240x128xf32, #tpu.memory_space<hbm>>
        tpu.enqueue_indirect_dma source(%dma_start3A_204 : memref<10240x128xf32, #tpu.memory_space<hbm>>) target(%dma_start3A_194 : memref<64x128xf32, #tpu.memory_space<vmem>>) offsets(%dma_start3A_197 : memref<64xi32, #tpu.memory_space<vmem>>) semaphore(%arg13 : memref<!tpu.dma_semaphore, #tpu.memory_space<semaphore_mem>>)
      }
      %scan3A_77 = arith.constant 15 : i32
      %dma_wait3A = arith.constant 30 : i32
      %dma_wait3A_78 = arith.constant 0 : i32
      %dma_wait3A_79 = tpu.memref_slice %arg8[%dma_wait3A, %dma_wait3A_78] : memref<32x128xi32, #tpu.memory_space<vmem>> -> memref<1x128xi32, #tpu.memory_space<vmem>>
      %dma_wait3A_80 = tpu.memref_squeeze %dma_wait3A_79 : memref<1x128xi32, #tpu.memory_space<vmem>> -> memref<128xi32, #tpu.memory_space<vmem>>
      %dma_wait3A_81 = arith.constant 0 : i32
      %dma_wait3A_82 = arith.constant 0 : i32
      %dma_wait3A_83 = tpu.memref_slice %arg2[%arg0, %dma_wait3A_81, %dma_wait3A_82] : memref<2x10240x128xf32, #tpu.memory_space<hbm>> -> memref<1x10240x128xf32, #tpu.memory_space<hbm>>
      %dma_wait3A_84 = tpu.memref_squeeze %dma_wait3A_83 : memref<1x10240x128xf32, #tpu.memory_space<hbm>> -> memref<10240x128xf32, #tpu.memory_space<hbm>>
      %dma_wait3A_85 = arith.constant 0 : i32
      %dma_wait3A_86 = arith.constant 0 : i32
      %dma_wait3A_87 = tpu.memref_slice %dma_wait3A_84[%dma_wait3A_85, %dma_wait3A_86] : memref<10240x128xf32, #tpu.memory_space<hbm>> -> memref<10240x128xf32, #tpu.memory_space<hbm>>
      tpu.wait_indirect_dma semaphore(%arg12 : memref<!tpu.dma_semaphore, #tpu.memory_space<semaphore_mem>>) src(%dma_wait3A_87 : memref<10240x128xf32, #tpu.memory_space<hbm>>) dst(%arg10 : memref<128x128xf32, #tpu.memory_space<vmem>>)
      %run_scoped3A = arith.constant 30 : i32
      "tpu.region"() ({
        %run_scoped3A_100 = tpu.sem_alloc : memref<!tpu.dma_semaphore, #tpu.memory_space<semaphore_mem>>
        %dma_start3A_101 = arith.constant 0 : i32
        %dma_start3A_102 = tpu.memref_slice %arg9[%run_scoped3A, %dma_start3A_101] : memref<32x128xi32, #tpu.memory_space<vmem>> -> memref<1x128xi32, #tpu.memory_space<vmem>>
        %dma_start3A_103 = tpu.memref_squeeze %dma_start3A_102 : memref<1x128xi32, #tpu.memory_space<vmem>> -> memref<128xi32, #tpu.memory_space<vmem>>
        %dma_start3A_104 = arith.constant 0 : i32
        %dma_start3A_105 = arith.constant 0 : i32
        %dma_start3A_106 = tpu.memref_slice %arg7[%dma_start3A_104, %dma_start3A_105] : memref<10240x128xf32, #tpu.memory_space<vmem_shared>> -> memref<10240x128xf32, #tpu.memory_space<vmem_shared>>
        tpu.enqueue_indirect_dma source(%arg10 : memref<128x128xf32, #tpu.memory_space<vmem>>) target(%dma_start3A_106 : memref<10240x128xf32, #tpu.memory_space<vmem_shared>>) offsets(%dma_start3A_103 : memref<128xi32, #tpu.memory_space<vmem>>) semaphore(%run_scoped3A_100 : memref<!tpu.dma_semaphore, #tpu.memory_space<semaphore_mem>>) {add = true}
        %dma_wait3A_107 = arith.constant 0 : i32
        %dma_wait3A_108 = tpu.memref_slice %arg9[%run_scoped3A, %dma_wait3A_107] : memref<32x128xi32, #tpu.memory_space<vmem>> -> memref<1x128xi32, #tpu.memory_space<vmem>>
        %dma_wait3A_109 = tpu.memref_squeeze %dma_wait3A_108 : memref<1x128xi32, #tpu.memory_space<vmem>> -> memref<128xi32, #tpu.memory_space<vmem>>
        %dma_wait3A_110 = arith.constant 0 : i32
        %dma_wait3A_111 = arith.constant 0 : i32
        %dma_wait3A_112 = tpu.memref_slice %arg7[%dma_wait3A_110, %dma_wait3A_111] : memref<10240x128xf32, #tpu.memory_space<vmem_shared>> -> memref<10240x128xf32, #tpu.memory_space<vmem_shared>>
        tpu.wait_indirect_dma semaphore(%run_scoped3A_100 : memref<!tpu.dma_semaphore, #tpu.memory_space<semaphore_mem>>) src(%arg10 : memref<128x128xf32, #tpu.memory_space<vmem>>) dst(%dma_wait3A_112 : memref<10240x128xf32, #tpu.memory_space<vmem_shared>>)
        tpu.yield
      }) : () -> ()
      %dma_wait3A_88 = arith.constant 31 : i32
      %dma_wait3A_89 = arith.constant 0 : i32
      %dma_wait3A_90 = tpu.memref_slice %arg8[%dma_wait3A_88, %dma_wait3A_89] : memref<32x128xi32, #tpu.memory_space<vmem>> -> memref<1x128xi32, #tpu.memory_space<vmem>>
      %dma_wait3A_91 = tpu.memref_squeeze %dma_wait3A_90 : memref<1x128xi32, #tpu.memory_space<vmem>> -> memref<128xi32, #tpu.memory_space<vmem>>
      %dma_wait3A_92 = arith.constant 0 : i32
      %dma_wait3A_93 = arith.constant 0 : i32
      %dma_wait3A_94 = tpu.memref_slice %arg2[%arg0, %dma_wait3A_92, %dma_wait3A_93] : memref<2x10240x128xf32, #tpu.memory_space<hbm>> -> memref<1x10240x128xf32, #tpu.memory_space<hbm>>
      %dma_wait3A_95 = tpu.memref_squeeze %dma_wait3A_94 : memref<1x10240x128xf32, #tpu.memory_space<hbm>> -> memref<10240x128xf32, #tpu.memory_space<hbm>>
      %dma_wait3A_96 = arith.constant 0 : i32
      %dma_wait3A_97 = arith.constant 0 : i32
      %dma_wait3A_98 = tpu.memref_slice %dma_wait3A_95[%dma_wait3A_96, %dma_wait3A_97] : memref<10240x128xf32, #tpu.memory_space<hbm>> -> memref<10240x128xf32, #tpu.memory_space<hbm>>
      tpu.wait_indirect_dma semaphore(%arg13 : memref<!tpu.dma_semaphore, #tpu.memory_space<semaphore_mem>>) src(%dma_wait3A_98 : memref<10240x128xf32, #tpu.memory_space<hbm>>) dst(%arg11 : memref<128x128xf32, #tpu.memory_space<vmem>>)
      %run_scoped3A_99 = arith.constant 31 : i32
      "tpu.region"() ({
        %run_scoped3A_100 = tpu.sem_alloc : memref<!tpu.dma_semaphore, #tpu.memory_space<semaphore_mem>>
        %dma_start3A_101 = arith.constant 0 : i32
        %dma_start3A_102 = tpu.memref_slice %arg9[%run_scoped3A_99, %dma_start3A_101] : memref<32x128xi32, #tpu.memory_space<vmem>> -> memref<1x128xi32, #tpu.memory_space<vmem>>
        %dma_start3A_103 = tpu.memref_squeeze %dma_start3A_102 : memref<1x128xi32, #tpu.memory_space<vmem>> -> memref<128xi32, #tpu.memory_space<vmem>>
        %dma_start3A_104 = arith.constant 0 : i32
        %dma_start3A_105 = arith.constant 0 : i32
        %dma_start3A_106 = tpu.memref_slice %arg7[%dma_start3A_104, %dma_start3A_105] : memref<10240x128xf32, #tpu.memory_space<vmem_shared>> -> memref<10240x128xf32, #tpu.memory_space<vmem_shared>>
        tpu.enqueue_indirect_dma source(%arg11 : memref<128x128xf32, #tpu.memory_space<vmem>>) target(%dma_start3A_106 : memref<10240x128xf32, #tpu.memory_space<vmem_shared>>) offsets(%dma_start3A_103 : memref<128xi32, #tpu.memory_space<vmem>>) semaphore(%run_scoped3A_100 : memref<!tpu.dma_semaphore, #tpu.memory_space<semaphore_mem>>) {add = true}
        %dma_wait3A_107 = arith.constant 0 : i32
        %dma_wait3A_108 = tpu.memref_slice %arg9[%run_scoped3A_99, %dma_wait3A_107] : memref<32x128xi32, #tpu.memory_space<vmem>> -> memref<1x128xi32, #tpu.memory_space<vmem>>
        %dma_wait3A_109 = tpu.memref_squeeze %dma_wait3A_108 : memref<1x128xi32, #tpu.memory_space<vmem>> -> memref<128xi32, #tpu.memory_space<vmem>>
        %dma_wait3A_110 = arith.constant 0 : i32
        %dma_wait3A_111 = arith.constant 0 : i32
        %dma_wait3A_112 = tpu.memref_slice %arg7[%dma_wait3A_110, %dma_wait3A_111] : memref<10240x128xf32, #tpu.memory_space<vmem_shared>> -> memref<10240x128xf32, #tpu.memory_space<vmem_shared>>
        tpu.wait_indirect_dma semaphore(%run_scoped3A_100 : memref<!tpu.dma_semaphore, #tpu.memory_space<semaphore_mem>>) src(%arg11 : memref<128x128xf32, #tpu.memory_space<vmem>>) dst(%dma_wait3A_112 : memref<10240x128xf32, #tpu.memory_space<vmem_shared>>)
        tpu.yield
      }) : () -> ()
    }
    %scan3A_7 = arith.constant 5 : i32
    %barrier3A_8 = arith.constant 0 : index
    tpu.barrier barrier_id(%barrier3A_8)
    %mul3A_9 = arith.constant 640 : i32
    %mul3A_10 = arith.muli %arg1, %mul3A_9 : i32
    %mul3A_11 = arith.constant 640 : i32
    %mul3A_12 = arith.muli %arg1, %mul3A_11 : i32
    "tpu.region"() ({
      %run_scoped3A = tpu.sem_alloc : memref<!tpu.dma_semaphore, #tpu.memory_space<semaphore_mem>>
      %dma_start3A = arith.constant 0 : i32
      %dma_start3A_13 = tpu.memref_slice %arg6[%arg0, %mul3A_12, %dma_start3A] : memref<2x10240x128xf32, #tpu.memory_space<hbm>> -> memref<1x640x128xf32, #tpu.memory_space<hbm>>
      %dma_start3A_14 = tpu.memref_squeeze %dma_start3A_13 : memref<1x640x128xf32, #tpu.memory_space<hbm>> -> memref<640x128xf32, #tpu.memory_space<hbm>>
      %dma_start3A_15 = arith.constant 0 : i32
      %dma_start3A_16 = tpu.memref_slice %arg7[%mul3A_10, %dma_start3A_15] : memref<10240x128xf32, #tpu.memory_space<vmem_shared>> -> memref<640x128xf32, #tpu.memory_space<vmem_shared>>
      tpu.enqueue_dma source(%dma_start3A_16 : memref<640x128xf32, #tpu.memory_space<vmem_shared>>) target(%dma_start3A_14 : memref<640x128xf32, #tpu.memory_space<hbm>>) target_semaphore(%run_scoped3A : memref<!tpu.dma_semaphore, #tpu.memory_space<semaphore_mem>>)
      %dma_wait3A = arith.constant 0 : i32
      %dma_wait3A_17 = tpu.memref_slice %arg6[%arg0, %mul3A_12, %dma_wait3A] : memref<2x10240x128xf32, #tpu.memory_space<hbm>> -> memref<1x640x128xf32, #tpu.memory_space<hbm>>
      %dma_wait3A_18 = tpu.memref_squeeze %dma_wait3A_17 : memref<1x640x128xf32, #tpu.memory_space<hbm>> -> memref<640x128xf32, #tpu.memory_space<hbm>>
      %dma_wait3A_19 = arith.constant 0 : i32
      %dma_wait3A_20 = tpu.memref_slice %arg7[%mul3A_10, %dma_wait3A_19] : memref<10240x128xf32, #tpu.memory_space<vmem_shared>> -> memref<640x128xf32, #tpu.memory_space<vmem_shared>>
      tpu.wait_dma2 semaphore(%run_scoped3A : memref<!tpu.dma_semaphore, #tpu.memory_space<semaphore_mem>>) src(%dma_wait3A_20 : memref<640x128xf32, #tpu.memory_space<vmem_shared>>) dst(%dma_wait3A_18 : memref<640x128xf32, #tpu.memory_space<hbm>>)
      tpu.yield
    }) : () -> ()
    return
  }
}

module attributes {stable_mosaic.version = 14 : i64} {
  func.func @body(%arg0: i32, %arg1: memref<512x128xf32, #tpu.memory_space<vmem>>, %arg2: memref<128x256xf32, #tpu.memory_space<vmem>>, %arg3: memref<2x512x128xf32, #tpu.memory_space<vmem>>) attributes {dimension_semantics = [#tpu.dimension_semantics<arbitrary>], iteration_bounds = array<i64: 20>, scalar_prefetch = 0 : i64, scratch_operands = 0 : i64, tpu.core_type = #tpu.core_type<tc>, window_params = [{transform_indices = @transform_0, window_bounds = array<i64: 512, 128>}, {pipeline_mode = #tpu.pipeline_mode<synchronous>, transform_indices = @transform_1, window_bounds = array<i64: 128, 256>}, {transform_indices = @transform_2, window_bounds = array<i64: 2, 512, 128>}]} {
    %get3A = arith.constant 0 : index
    %get3A_0 = arith.constant 0 : index
    %get3A_1 = vector.load %arg1[%get3A, %get3A_0] : memref<512x128xf32, #tpu.memory_space<vmem>>, vector<512x128xf32>
    %get3A_2 = arith.constant 0 : index
    %get3A_3 = arith.constant 0 : index
    %get3A_4 = vector.load %arg2[%get3A_2, %get3A_3] : memref<128x256xf32, #tpu.memory_space<vmem>>, vector<128x256xf32>
    %dot_general3A = arith.constant dense<0.000000e+00> : vector<512x256xf32>
    %dot_general3A_5 = tpu.matmul %get3A_1, %get3A_4, %dot_general3A {dimension_numbers = #tpu.dot_dimension_numbers<[1], [0], [0], [1], [0, 0, 1, 1], [], []>, transpose_lhs_hint = false} : vector<512x128xf32>, vector<128x256xf32>, vector<512x256xf32> -> vector<512x256xf32>
    %slice3A = vector.extract_strided_slice %dot_general3A_5 {offsets = [0, 0], sizes = [512, 128], strides = [1, 1]} : vector<512x256xf32> to vector<512x128xf32>
    %swap3A = arith.constant 0 : index
    %swap3A_6 = arith.constant 0 : index
    %swap3A_7 = arith.constant 0 : index
    %swap3A_8 = vector.load %arg3[%swap3A, %swap3A_6, %swap3A_7] : memref<2x512x128xf32, #tpu.memory_space<vmem>>, vector<1x512x128xf32>
    %swap3A_9 = vector.shape_cast %swap3A_8 : vector<1x512x128xf32> to vector<512x128xf32>
    %swap3A_10 = vector.shape_cast %slice3A : vector<512x128xf32> to vector<1x512x128xf32>
    tpu.vector_store %arg3[%swap3A, %swap3A_6, %swap3A_7], %swap3A_10 {strides = array<i32>} : memref<2x512x128xf32, #tpu.memory_space<vmem>>, vector<1x512x128xf32>,
    %slice3A_11 = vector.extract_strided_slice %dot_general3A_5 {offsets = [0, 128], sizes = [512, 128], strides = [1, 1]} : vector<512x256xf32> to vector<512x128xf32>
    %swap3A_12 = arith.constant 1 : index
    %swap3A_13 = arith.constant 0 : index
    %swap3A_14 = arith.constant 0 : index
    %swap3A_15 = vector.load %arg3[%swap3A_12, %swap3A_13, %swap3A_14] : memref<2x512x128xf32, #tpu.memory_space<vmem>>, vector<1x512x128xf32>
    %swap3A_16 = vector.shape_cast %swap3A_15 : vector<1x512x128xf32> to vector<512x128xf32>
    %swap3A_17 = vector.shape_cast %slice3A_11 : vector<512x128xf32> to vector<1x512x128xf32>
    tpu.vector_store %arg3[%swap3A_12, %swap3A_13, %swap3A_14], %swap3A_17 {strides = array<i32>} : memref<2x512x128xf32, #tpu.memory_space<vmem>>, vector<1x512x128xf32>,
    return
  }
  func.func @transform_0(%arg0: i32) -> (i32, i32) {
    %c0_i32 = arith.constant 0 : i32
    %c0_i32_0 = arith.constant 0 : i32
    return %arg0, %c0_i32 : i32, i32
  }
  func.func @transform_1(%arg0: i32) -> (i32, i32) {
    %c0_i32 = arith.constant 0 : i32
    %c0_i32_0 = arith.constant 0 : i32
    %c0_i32_1 = arith.constant 0 : i32
    return %c0_i32, %c0_i32_0 : i32, i32
  }
  func.func @transform_2(%arg0: i32) -> (i32, i32, i32) {
    %c0_i32 = arith.constant 0 : i32
    %c0_i32_0 = arith.constant 0 : i32
    %c0_i32_1 = arith.constant 0 : i32
    return %c0_i32, %arg0, %c0_i32_0 : i32, i32, i32
  }
}

module attributes {stable_mosaic.version = 14 : i64} {
  func.func @body(%arg0: i32, %arg1: memref<2x512x128xf32, #tpu.memory_space<vmem>>, %arg2: memref<512x1xf32, #tpu.memory_space<vmem>>, %arg3: memref<512x1xf32, #tpu.memory_space<vmem>>, %arg4: memref<2x512x128xf32, #tpu.memory_space<vmem>>) attributes {dimension_semantics = [#tpu.dimension_semantics<arbitrary>], iteration_bounds = array<i64: 20>, scalar_prefetch = 0 : i64, scratch_operands = 0 : i64, tpu.core_type = #tpu.core_type<tc>, window_params = [{transform_indices = @transform_0, window_bounds = array<i64: 2, 512, 128>}, {transform_indices = @transform_1, window_bounds = array<i64: 512, 1>}, {transform_indices = @transform_2, window_bounds = array<i64: 512, 1>}, {transform_indices = @transform_3, window_bounds = array<i64: 2, 512, 128>}]} {
    %get3A = arith.constant 0 : index
    %get3A_0 = arith.constant 0 : index
    %get3A_1 = vector.load %arg2[%get3A, %get3A_0] : memref<512x1xf32, #tpu.memory_space<vmem>>, vector<512x1xf32>
    %get3A_2 = arith.constant 0 : index
    %get3A_3 = arith.constant 0 : index
    %get3A_4 = vector.load %arg3[%get3A_2, %get3A_3] : memref<512x1xf32, #tpu.memory_space<vmem>>, vector<512x1xf32>
    %add3A = arith.addf %get3A_1, %get3A_4 : vector<512x1xf32>
    %add3A_5 = arith.constant 1.000000e+00 : f32
    %add3A_6 = vector.broadcast %add3A_5 : f32 to vector<512x1xf32>
    %add3A_7 = arith.addf %add3A, %add3A_6 : vector<512x1xf32>
    %rsqrt3A = math.rsqrt %add3A_7 : vector<512x1xf32>
    %get3A_8 = arith.constant 0 : index
    %get3A_9 = arith.constant 0 : index
    %get3A_10 = arith.constant 0 : index
    %get3A_11 = vector.load %arg1[%get3A_8, %get3A_9, %get3A_10] : memref<2x512x128xf32, #tpu.memory_space<vmem>>, vector<1x512x128xf32>
    %get3A_12 = vector.shape_cast %get3A_11 : vector<1x512x128xf32> to vector<512x128xf32>
    %mul3A = vector.broadcast %rsqrt3A : vector<512x1xf32> to vector<512x128xf32>
    %mul3A_13 = arith.mulf %mul3A, %get3A_12 : vector<512x128xf32>
    %swap3A = arith.constant 0 : index
    %swap3A_14 = arith.constant 0 : index
    %swap3A_15 = arith.constant 0 : index
    %swap3A_16 = vector.load %arg4[%swap3A, %swap3A_14, %swap3A_15] : memref<2x512x128xf32, #tpu.memory_space<vmem>>, vector<1x512x128xf32>
    %swap3A_17 = vector.shape_cast %swap3A_16 : vector<1x512x128xf32> to vector<512x128xf32>
    %swap3A_18 = vector.shape_cast %mul3A_13 : vector<512x128xf32> to vector<1x512x128xf32>
    tpu.vector_store %arg4[%swap3A, %swap3A_14, %swap3A_15], %swap3A_18 {strides = array<i32>} : memref<2x512x128xf32, #tpu.memory_space<vmem>>, vector<1x512x128xf32>,
    %get3A_19 = arith.constant 1 : index
    %get3A_20 = arith.constant 0 : index
    %get3A_21 = arith.constant 0 : index
    %get3A_22 = vector.load %arg1[%get3A_19, %get3A_20, %get3A_21] : memref<2x512x128xf32, #tpu.memory_space<vmem>>, vector<1x512x128xf32>
    %get3A_23 = vector.shape_cast %get3A_22 : vector<1x512x128xf32> to vector<512x128xf32>
    %mul3A_24 = vector.broadcast %rsqrt3A : vector<512x1xf32> to vector<512x128xf32>
    %mul3A_25 = arith.mulf %mul3A_24, %get3A_23 : vector<512x128xf32>
    %swap3A_26 = arith.constant 1 : index
    %swap3A_27 = arith.constant 0 : index
    %swap3A_28 = arith.constant 0 : index
    %swap3A_29 = vector.load %arg4[%swap3A_26, %swap3A_27, %swap3A_28] : memref<2x512x128xf32, #tpu.memory_space<vmem>>, vector<1x512x128xf32>
    %swap3A_30 = vector.shape_cast %swap3A_29 : vector<1x512x128xf32> to vector<512x128xf32>
    %swap3A_31 = vector.shape_cast %mul3A_25 : vector<512x128xf32> to vector<1x512x128xf32>
    tpu.vector_store %arg4[%swap3A_26, %swap3A_27, %swap3A_28], %swap3A_31 {strides = array<i32>} : memref<2x512x128xf32, #tpu.memory_space<vmem>>, vector<1x512x128xf32>,
    return
  }
  func.func @transform_0(%arg0: i32) -> (i32, i32, i32) {
    %c0_i32 = arith.constant 0 : i32
    %c0_i32_0 = arith.constant 0 : i32
    %c0_i32_1 = arith.constant 0 : i32
    return %c0_i32, %arg0, %c0_i32_0 : i32, i32, i32
  }
  func.func @transform_1(%arg0: i32) -> (i32, i32) {
    %c0_i32 = arith.constant 0 : i32
    %c0_i32_0 = arith.constant 0 : i32
    return %arg0, %c0_i32 : i32, i32
  }
  func.func @transform_2(%arg0: i32) -> (i32, i32) {
    %c0_i32 = arith.constant 0 : i32
    %c0_i32_0 = arith.constant 0 : i32
    return %arg0, %c0_i32 : i32, i32
  }
  func.func @transform_3(%arg0: i32) -> (i32, i32, i32) {
    %c0_i32 = arith.constant 0 : i32
    %c0_i32_0 = arith.constant 0 : i32
    %c0_i32_1 = arith.constant 0 : i32
    return %c0_i32, %arg0, %c0_i32_0 : i32, i32, i32
  }
}

module attributes {stable_mosaic.version = 14 : i64} {
  func.func @body(%arg0: i32, %arg1: memref<2x512x128xf32, #tpu.memory_space<vmem>>, %arg2: memref<2x512x128xf32, #tpu.memory_space<vmem>>, %arg3: memref<512x1xf32, #tpu.memory_space<vmem>>, %arg4: memref<512x1xf32, #tpu.memory_space<vmem>>, %arg5: memref<1x256xf32, #tpu.memory_space<vmem>>, %arg6: memref<256x256xf32, #tpu.memory_space<vmem>>, %arg7: memref<2x512x128xf32, #tpu.memory_space<vmem>>, %arg8: memref<2x512x128xf32, #tpu.memory_space<vmem>>) attributes {dimension_semantics = [#tpu.dimension_semantics<arbitrary>], iteration_bounds = array<i64: 20>, scalar_prefetch = 0 : i64, scratch_operands = 0 : i64, tpu.core_type = #tpu.core_type<tc>, window_params = [{transform_indices = @transform_0, window_bounds = array<i64: 2, 512, 128>}, {transform_indices = @transform_1, window_bounds = array<i64: 2, 512, 128>}, {transform_indices = @transform_2, window_bounds = array<i64: 512, 1>}, {transform_indices = @transform_3, window_bounds = array<i64: 512, 1>}, {pipeline_mode = #tpu.pipeline_mode<synchronous>, transform_indices = @transform_4, window_bounds = array<i64: 1, 256>}, {pipeline_mode = #tpu.pipeline_mode<synchronous>, transform_indices = @transform_5, window_bounds = array<i64: 256, 256>}, {transform_indices = @transform_6, window_bounds = array<i64: 2, 512, 128>}, {transform_indices = @transform_7, window_bounds = array<i64: 2, 512, 128>}]} {
    %get3A = arith.constant 0 : index
    %get3A_0 = arith.constant 0 : index
    %get3A_1 = vector.load %arg3[%get3A, %get3A_0] : memref<512x1xf32, #tpu.memory_space<vmem>>, vector<512x1xf32>
    %get3A_2 = arith.constant 0 : index
    %get3A_3 = arith.constant 0 : index
    %get3A_4 = vector.load %arg4[%get3A_2, %get3A_3] : memref<512x1xf32, #tpu.memory_space<vmem>>, vector<512x1xf32>
    %add3A = arith.addf %get3A_1, %get3A_4 : vector<512x1xf32>
    %add3A_5 = arith.constant 1.000000e+00 : f32
    %add3A_6 = vector.broadcast %add3A_5 : f32 to vector<512x1xf32>
    %add3A_7 = arith.addf %add3A, %add3A_6 : vector<512x1xf32>
    %rsqrt3A = math.rsqrt %add3A_7 : vector<512x1xf32>
    %get3A_8 = arith.constant 0 : index
    %get3A_9 = arith.constant 0 : index
    %get3A_10 = arith.constant 0 : index
    %get3A_11 = vector.load %arg1[%get3A_8, %get3A_9, %get3A_10] : memref<2x512x128xf32, #tpu.memory_space<vmem>>, vector<1x512x128xf32>
    %get3A_12 = vector.shape_cast %get3A_11 : vector<1x512x128xf32> to vector<512x128xf32>
    %get3A_13 = arith.constant 1 : index
    %get3A_14 = arith.constant 0 : index
    %get3A_15 = arith.constant 0 : index
    %get3A_16 = vector.load %arg1[%get3A_13, %get3A_14, %get3A_15] : memref<2x512x128xf32, #tpu.memory_space<vmem>>, vector<1x512x128xf32>
    %get3A_17 = vector.shape_cast %get3A_16 : vector<1x512x128xf32> to vector<512x128xf32>
    %concatenate3A = tpu.concatenate %get3A_12, %get3A_17 in 1 : vector<512x128xf32>, vector<512x128xf32> -> vector<512x256xf32>
    %get3A_18 = arith.constant 0 : index
    %get3A_19 = arith.constant 0 : index
    %get3A_20 = arith.constant 0 : index
    %get3A_21 = vector.load %arg2[%get3A_18, %get3A_19, %get3A_20] : memref<2x512x128xf32, #tpu.memory_space<vmem>>, vector<1x512x128xf32>
    %get3A_22 = vector.shape_cast %get3A_21 : vector<1x512x128xf32> to vector<512x128xf32>
    %get3A_23 = arith.constant 1 : index
    %get3A_24 = arith.constant 0 : index
    %get3A_25 = arith.constant 0 : index
    %get3A_26 = vector.load %arg2[%get3A_23, %get3A_24, %get3A_25] : memref<2x512x128xf32, #tpu.memory_space<vmem>>, vector<1x512x128xf32>
    %get3A_27 = vector.shape_cast %get3A_26 : vector<1x512x128xf32> to vector<512x128xf32>
    %concatenate3A_28 = tpu.concatenate %get3A_22, %get3A_27 in 1 : vector<512x128xf32>, vector<512x128xf32> -> vector<512x256xf32>
    %mul3A = vector.broadcast %rsqrt3A : vector<512x1xf32> to vector<512x256xf32>
    %mul3A_29 = arith.mulf %mul3A, %concatenate3A : vector<512x256xf32>
    %mul3A_30 = arith.mulf %rsqrt3A, %rsqrt3A : vector<512x1xf32>
    %mul3A_31 = vector.broadcast %mul3A_30 : vector<512x1xf32> to vector<512x256xf32>
    %mul3A_32 = arith.mulf %mul3A_31, %concatenate3A_28 : vector<512x256xf32>
    %add3A_33 = arith.addf %mul3A_29, %mul3A_32 : vector<512x256xf32>
    %get3A_34 = arith.constant 0 : index
    %get3A_35 = arith.constant 0 : index
    %get3A_36 = vector.load %arg5[%get3A_34, %get3A_35] : memref<1x256xf32, #tpu.memory_space<vmem>>, vector<1x256xf32>
    %add3A_37 = vector.broadcast %get3A_36 : vector<1x256xf32> to vector<512x256xf32>
    %add3A_38 = arith.addf %add3A_33, %add3A_37 : vector<512x256xf32>
    %max3A = arith.constant 0.000000e+00 : f32
    %max3A_39 = vector.broadcast %max3A : f32 to vector<512x256xf32>
    %max3A_40 = arith.maximumf %add3A_38, %max3A_39 : vector<512x256xf32>
    %get3A_41 = arith.constant 0 : index
    %get3A_42 = arith.constant 0 : index
    %get3A_43 = vector.load %arg6[%get3A_41, %get3A_42] : memref<256x256xf32, #tpu.memory_space<vmem>>, vector<256x256xf32>
    %dot_general3A = arith.constant dense<0.000000e+00> : vector<512x256xf32>
    %dot_general3A_44 = tpu.matmul %max3A_40, %get3A_43, %dot_general3A {dimension_numbers = #tpu.dot_dimension_numbers<[1], [0], [0], [1], [0, 0, 1, 1], [], []>, transpose_lhs_hint = false} : vector<512x256xf32>, vector<256x256xf32>, vector<512x256xf32> -> vector<512x256xf32>
    %mul3A_45 = vector.broadcast %rsqrt3A : vector<512x1xf32> to vector<512x256xf32>
    %mul3A_46 = arith.mulf %mul3A_45, %dot_general3A_44 : vector<512x256xf32>
    %slice3A = vector.extract_strided_slice %dot_general3A_44 {offsets = [0, 0], sizes = [512, 128], strides = [1, 1]} : vector<512x256xf32> to vector<512x128xf32>
    %swap3A = arith.constant 0 : index
    %swap3A_47 = arith.constant 0 : index
    %swap3A_48 = arith.constant 0 : index
    %swap3A_49 = vector.load %arg8[%swap3A, %swap3A_47, %swap3A_48] : memref<2x512x128xf32, #tpu.memory_space<vmem>>, vector<1x512x128xf32>
    %swap3A_50 = vector.shape_cast %swap3A_49 : vector<1x512x128xf32> to vector<512x128xf32>
    %swap3A_51 = vector.shape_cast %slice3A : vector<512x128xf32> to vector<1x512x128xf32>
    tpu.vector_store %arg8[%swap3A, %swap3A_47, %swap3A_48], %swap3A_51 {strides = array<i32>} : memref<2x512x128xf32, #tpu.memory_space<vmem>>, vector<1x512x128xf32>,
    %slice3A_52 = vector.extract_strided_slice %dot_general3A_44 {offsets = [0, 128], sizes = [512, 128], strides = [1, 1]} : vector<512x256xf32> to vector<512x128xf32>
    %swap3A_53 = arith.constant 1 : index
    %swap3A_54 = arith.constant 0 : index
    %swap3A_55 = arith.constant 0 : index
    %swap3A_56 = vector.load %arg8[%swap3A_53, %swap3A_54, %swap3A_55] : memref<2x512x128xf32, #tpu.memory_space<vmem>>, vector<1x512x128xf32>
    %swap3A_57 = vector.shape_cast %swap3A_56 : vector<1x512x128xf32> to vector<512x128xf32>
    %swap3A_58 = vector.shape_cast %slice3A_52 : vector<512x128xf32> to vector<1x512x128xf32>
    tpu.vector_store %arg8[%swap3A_53, %swap3A_54, %swap3A_55], %swap3A_58 {strides = array<i32>} : memref<2x512x128xf32, #tpu.memory_space<vmem>>, vector<1x512x128xf32>,
    %slice3A_59 = vector.extract_strided_slice %mul3A_46 {offsets = [0, 0], sizes = [512, 128], strides = [1, 1]} : vector<512x256xf32> to vector<512x128xf32>
    %swap3A_60 = arith.constant 0 : index
    %swap3A_61 = arith.constant 0 : index
    %swap3A_62 = arith.constant 0 : index
    %swap3A_63 = vector.load %arg7[%swap3A_60, %swap3A_61, %swap3A_62] : memref<2x512x128xf32, #tpu.memory_space<vmem>>, vector<1x512x128xf32>
    %swap3A_64 = vector.shape_cast %swap3A_63 : vector<1x512x128xf32> to vector<512x128xf32>
    %swap3A_65 = vector.shape_cast %slice3A_59 : vector<512x128xf32> to vector<1x512x128xf32>
    tpu.vector_store %arg7[%swap3A_60, %swap3A_61, %swap3A_62], %swap3A_65 {strides = array<i32>} : memref<2x512x128xf32, #tpu.memory_space<vmem>>, vector<1x512x128xf32>,
    %slice3A_66 = vector.extract_strided_slice %mul3A_46 {offsets = [0, 128], sizes = [512, 128], strides = [1, 1]} : vector<512x256xf32> to vector<512x128xf32>
    %swap3A_67 = arith.constant 1 : index
    %swap3A_68 = arith.constant 0 : index
    %swap3A_69 = arith.constant 0 : index
    %swap3A_70 = vector.load %arg7[%swap3A_67, %swap3A_68, %swap3A_69] : memref<2x512x128xf32, #tpu.memory_space<vmem>>, vector<1x512x128xf32>
    %swap3A_71 = vector.shape_cast %swap3A_70 : vector<1x512x128xf32> to vector<512x128xf32>
    %swap3A_72 = vector.shape_cast %slice3A_66 : vector<512x128xf32> to vector<1x512x128xf32>
    tpu.vector_store %arg7[%swap3A_67, %swap3A_68, %swap3A_69], %swap3A_72 {strides = array<i32>} : memref<2x512x128xf32, #tpu.memory_space<vmem>>, vector<1x512x128xf32>,
    return
  }
  func.func @transform_0(%arg0: i32) -> (i32, i32, i32) {
    %c0_i32 = arith.constant 0 : i32
    %c0_i32_0 = arith.constant 0 : i32
    %c0_i32_1 = arith.constant 0 : i32
    return %c0_i32, %arg0, %c0_i32_0 : i32, i32, i32
  }
  func.func @transform_1(%arg0: i32) -> (i32, i32, i32) {
    %c0_i32 = arith.constant 0 : i32
    %c0_i32_0 = arith.constant 0 : i32
    %c0_i32_1 = arith.constant 0 : i32
    return %c0_i32, %arg0, %c0_i32_0 : i32, i32, i32
  }
  func.func @transform_2(%arg0: i32) -> (i32, i32) {
    %c0_i32 = arith.constant 0 : i32
    %c0_i32_0 = arith.constant 0 : i32
    return %arg0, %c0_i32 : i32, i32
  }
  func.func @transform_3(%arg0: i32) -> (i32, i32) {
    %c0_i32 = arith.constant 0 : i32
    %c0_i32_0 = arith.constant 0 : i32
    return %arg0, %c0_i32 : i32, i32
  }
  func.func @transform_4(%arg0: i32) -> (i32, i32) {
    %c0_i32 = arith.constant 0 : i32
    %c0_i32_0 = arith.constant 0 : i32
    %c0_i32_1 = arith.constant 0 : i32
    return %c0_i32, %c0_i32_0 : i32, i32
  }
  func.func @transform_5(%arg0: i32) -> (i32, i32) {
    %c0_i32 = arith.constant 0 : i32
    %c0_i32_0 = arith.constant 0 : i32
    %c0_i32_1 = arith.constant 0 : i32
    return %c0_i32, %c0_i32_0 : i32, i32
  }
  func.func @transform_6(%arg0: i32) -> (i32, i32, i32) {
    %c0_i32 = arith.constant 0 : i32
    %c0_i32_0 = arith.constant 0 : i32
    %c0_i32_1 = arith.constant 0 : i32
    return %c0_i32, %arg0, %c0_i32_0 : i32, i32, i32
  }
  func.func @transform_7(%arg0: i32) -> (i32, i32, i32) {
    %c0_i32 = arith.constant 0 : i32
    %c0_i32_0 = arith.constant 0 : i32
    %c0_i32_1 = arith.constant 0 : i32
    return %c0_i32, %arg0, %c0_i32_0 : i32, i32, i32
  }
}

module attributes {stable_mosaic.version = 14 : i64} {
  func.func @body(%arg0: i32, %arg1: memref<2x512x128xf32, #tpu.memory_space<vmem>>, %arg2: memref<2x512x128xf32, #tpu.memory_space<vmem>>, %arg3: memref<512x1xf32, #tpu.memory_space<vmem>>, %arg4: memref<512x1xf32, #tpu.memory_space<vmem>>, %arg5: memref<1x256xf32, #tpu.memory_space<vmem>>, %arg6: memref<8x512xi32, #tpu.memory_space<vmem>>, %arg7: memref<256x8xf32, #tpu.memory_space<vmem>>, %arg8: memref<1x8xf32, #tpu.memory_space<vmem>>, %arg9: memref<256x32xf32, #tpu.memory_space<vmem>>, %arg10: memref<8x32xf32, #tpu.memory_space<vmem>>, %arg11: memref<1x32xf32, #tpu.memory_space<vmem>>, %arg12: memref<256x128xf32, #tpu.memory_space<vmem>>, %arg13: memref<32x128xf32, #tpu.memory_space<vmem>>, %arg14: memref<1x128xf32, #tpu.memory_space<vmem>>, %arg15: memref<64x8xf32, #tpu.memory_space<vmem>>, %arg16: memref<64x32xf32, #tpu.memory_space<vmem>>, %arg17: memref<64x128xf32, #tpu.memory_space<vmem>>, %arg18: memref<64x256xf32, #tpu.memory_space<vmem>>, %arg19: memref<64x128xf32, #tpu.memory_space<vmem>>) attributes {dimension_semantics = [#tpu.dimension_semantics<arbitrary>], iteration_bounds = array<i64: 20>, scalar_prefetch = 0 : i64, scratch_operands = 2 : i64, tpu.core_type = #tpu.core_type<tc>, window_params = [{transform_indices = @transform_0, window_bounds = array<i64: 2, 512, 128>}, {transform_indices = @transform_1, window_bounds = array<i64: 2, 512, 128>}, {transform_indices = @transform_2, window_bounds = array<i64: 512, 1>}, {transform_indices = @transform_3, window_bounds = array<i64: 512, 1>}, {pipeline_mode = #tpu.pipeline_mode<synchronous>, transform_indices = @transform_4, window_bounds = array<i64: 1, 256>}, {transform_indices = @transform_5, window_bounds = array<i64: 8, 512>}, {pipeline_mode = #tpu.pipeline_mode<synchronous>, transform_indices = @transform_6, window_bounds = array<i64: 256, 8>}, {pipeline_mode = #tpu.pipeline_mode<synchronous>, transform_indices = @transform_7, window_bounds = array<i64: 1, 8>}, {pipeline_mode = #tpu.pipeline_mode<synchronous>, transform_indices = @transform_8, window_bounds = array<i64: 256, 32>}, {pipeline_mode = #tpu.pipeline_mode<synchronous>, transform_indices = @transform_9, window_bounds = array<i64: 8, 32>}, {pipeline_mode = #tpu.pipeline_mode<synchronous>, transform_indices = @transform_10, window_bounds = array<i64: 1, 32>}, {pipeline_mode = #tpu.pipeline_mode<synchronous>, transform_indices = @transform_11, window_bounds = array<i64: 256, 128>}, {pipeline_mode = #tpu.pipeline_mode<synchronous>, transform_indices = @transform_12, window_bounds = array<i64: 32, 128>}, {pipeline_mode = #tpu.pipeline_mode<synchronous>, transform_indices = @transform_13, window_bounds = array<i64: 1, 128>}, {pipeline_mode = #tpu.pipeline_mode<synchronous>, transform_indices = @transform_14, window_bounds = array<i64: 64, 8>}, {pipeline_mode = #tpu.pipeline_mode<synchronous>, transform_indices = @transform_15, window_bounds = array<i64: 64, 32>}, {pipeline_mode = #tpu.pipeline_mode<synchronous>, transform_indices = @transform_16, window_bounds = array<i64: 64, 128>}]} {
    %get3A = arith.constant 0 : index
    %get3A_0 = arith.constant 0 : index
    %get3A_1 = vector.load %arg3[%get3A, %get3A_0] : memref<512x1xf32, #tpu.memory_space<vmem>>, vector<512x1xf32>
    %get3A_2 = arith.constant 0 : index
    %get3A_3 = arith.constant 0 : index
    %get3A_4 = vector.load %arg4[%get3A_2, %get3A_3] : memref<512x1xf32, #tpu.memory_space<vmem>>, vector<512x1xf32>
    %add3A = arith.addf %get3A_1, %get3A_4 : vector<512x1xf32>
    %add3A_5 = arith.constant 1.000000e+00 : f32
    %add3A_6 = vector.broadcast %add3A_5 : f32 to vector<512x1xf32>
    %add3A_7 = arith.addf %add3A, %add3A_6 : vector<512x1xf32>
    %rsqrt3A = math.rsqrt %add3A_7 : vector<512x1xf32>
    %get3A_8 = arith.constant 0 : index
    %get3A_9 = arith.constant 0 : index
    %get3A_10 = arith.constant 0 : index
    %get3A_11 = vector.load %arg1[%get3A_8, %get3A_9, %get3A_10] : memref<2x512x128xf32, #tpu.memory_space<vmem>>, vector<1x512x128xf32>
    %get3A_12 = vector.shape_cast %get3A_11 : vector<1x512x128xf32> to vector<512x128xf32>
    %get3A_13 = arith.constant 1 : index
    %get3A_14 = arith.constant 0 : index
    %get3A_15 = arith.constant 0 : index
    %get3A_16 = vector.load %arg1[%get3A_13, %get3A_14, %get3A_15] : memref<2x512x128xf32, #tpu.memory_space<vmem>>, vector<1x512x128xf32>
    %get3A_17 = vector.shape_cast %get3A_16 : vector<1x512x128xf32> to vector<512x128xf32>
    %concatenate3A = tpu.concatenate %get3A_12, %get3A_17 in 1 : vector<512x128xf32>, vector<512x128xf32> -> vector<512x256xf32>
    %get3A_18 = arith.constant 0 : index
    %get3A_19 = arith.constant 0 : index
    %get3A_20 = arith.constant 0 : index
    %get3A_21 = vector.load %arg2[%get3A_18, %get3A_19, %get3A_20] : memref<2x512x128xf32, #tpu.memory_space<vmem>>, vector<1x512x128xf32>
    %get3A_22 = vector.shape_cast %get3A_21 : vector<1x512x128xf32> to vector<512x128xf32>
    %get3A_23 = arith.constant 1 : index
    %get3A_24 = arith.constant 0 : index
    %get3A_25 = arith.constant 0 : index
    %get3A_26 = vector.load %arg2[%get3A_23, %get3A_24, %get3A_25] : memref<2x512x128xf32, #tpu.memory_space<vmem>>, vector<1x512x128xf32>
    %get3A_27 = vector.shape_cast %get3A_26 : vector<1x512x128xf32> to vector<512x128xf32>
    %concatenate3A_28 = tpu.concatenate %get3A_22, %get3A_27 in 1 : vector<512x128xf32>, vector<512x128xf32> -> vector<512x256xf32>
    %mul3A = vector.broadcast %rsqrt3A : vector<512x1xf32> to vector<512x256xf32>
    %mul3A_29 = arith.mulf %mul3A, %concatenate3A : vector<512x256xf32>
    %mul3A_30 = arith.mulf %rsqrt3A, %rsqrt3A : vector<512x1xf32>
    %mul3A_31 = vector.broadcast %mul3A_30 : vector<512x1xf32> to vector<512x256xf32>
    %mul3A_32 = arith.mulf %mul3A_31, %concatenate3A_28 : vector<512x256xf32>
    %add3A_33 = arith.addf %mul3A_29, %mul3A_32 : vector<512x256xf32>
    %get3A_34 = arith.constant 0 : index
    %get3A_35 = arith.constant 0 : index
    %get3A_36 = vector.load %arg5[%get3A_34, %get3A_35] : memref<1x256xf32, #tpu.memory_space<vmem>>, vector<1x256xf32>
    %add3A_37 = vector.broadcast %get3A_36 : vector<1x256xf32> to vector<512x256xf32>
    %add3A_38 = arith.addf %add3A_33, %add3A_37 : vector<512x256xf32>
    %iota3A = tpu.iota {dimensions = array<i32: 0>} : vector<64x1xi32>
    %get3A_39 = arith.constant 0 : index
    %get3A_40 = arith.constant 0 : index
    %get3A_41 = vector.load %arg6[%get3A_39, %get3A_40] : memref<8x512xi32, #tpu.memory_space<vmem>>, vector<1x512xi32>
    %eq3A = vector.broadcast %get3A_41 : vector<1x512xi32> to vector<64x512xi32>
    %eq3A_42 = vector.broadcast %iota3A : vector<64x1xi32> to vector<64x512xi32>
    %eq3A_43 = arith.cmpi eq, %eq3A, %eq3A_42 : vector<64x512xi32>
    %convert_element_type3A = arith.extui %eq3A_43 : vector<64x512xi1> to vector<64x512xi32>
    %convert_element_type3A_44 = arith.sitofp %convert_element_type3A : vector<64x512xi32> to vector<64x512xf32>
    %eq3A_45 = arith.constant 0 : i32
    %eq3A_46 = arith.cmpi eq, %arg0, %eq3A_45 : i32
    %convert_element_type3A_47 = arith.extui %eq3A_46 : i1 to i32
    %cond3A = arith.constant 0 : i32
    %cond3A_48 = arith.cmpi ne, %convert_element_type3A_47, %cond3A : i32
    scf.if %cond3A_48 {
      %broadcast_in_dim3A_71 = arith.constant 0.000000e+00 : f32
      %broadcast_in_dim3A_72 = vector.broadcast %broadcast_in_dim3A_71 : f32 to vector<64x256xf32>
      %swap3A_73 = arith.constant 0 : index
      %swap3A_74 = arith.constant 0 : index
      %swap3A_75 = vector.load %arg18[%swap3A_73, %swap3A_74] : memref<64x256xf32, #tpu.memory_space<vmem>>, vector<64x256xf32>
      tpu.vector_store %arg18[%swap3A_73, %swap3A_74], %broadcast_in_dim3A_72 {strides = array<i32>} : memref<64x256xf32, #tpu.memory_space<vmem>>, vector<64x256xf32>,
      %broadcast_in_dim3A_76 = arith.constant 0.000000e+00 : f32
      %broadcast_in_dim3A_77 = vector.broadcast %broadcast_in_dim3A_76 : f32 to vector<64x128xf32>
      %swap3A_78 = arith.constant 0 : index
      %swap3A_79 = arith.constant 0 : index
      %swap3A_80 = vector.load %arg19[%swap3A_78, %swap3A_79] : memref<64x128xf32, #tpu.memory_space<vmem>>, vector<64x128xf32>
      tpu.vector_store %arg19[%swap3A_78, %swap3A_79], %broadcast_in_dim3A_77 {strides = array<i32>} : memref<64x128xf32, #tpu.memory_space<vmem>>, vector<64x128xf32>,
    } else {
    }
    %get3A_49 = arith.constant 0 : index
    %get3A_50 = arith.constant 0 : index
    %get3A_51 = vector.load %arg18[%get3A_49, %get3A_50] : memref<64x256xf32, #tpu.memory_space<vmem>>, vector<64x256xf32>
    %dot_general3A = arith.constant dense<0.000000e+00> : vector<64x256xf32>
    %dot_general3A_52 = tpu.matmul %convert_element_type3A_44, %add3A_38, %dot_general3A {dimension_numbers = #tpu.dot_dimension_numbers<[1], [0], [0], [1], [0, 0, 1, 1], [], []>, transpose_lhs_hint = false} : vector<64x512xf32>, vector<512x256xf32>, vector<64x256xf32> -> vector<64x256xf32>
    %add3A_53 = arith.addf %get3A_51, %dot_general3A_52 : vector<64x256xf32>
    %swap3A = arith.constant 0 : index
    %swap3A_54 = arith.constant 0 : index
    %swap3A_55 = vector.load %arg18[%swap3A, %swap3A_54] : memref<64x256xf32, #tpu.memory_space<vmem>>, vector<64x256xf32>
    tpu.vector_store %arg18[%swap3A, %swap3A_54], %add3A_53 {strides = array<i32>} : memref<64x256xf32, #tpu.memory_space<vmem>>, vector<64x256xf32>,
    %reduce_sum3A = arith.constant dense<0.000000e+00> : vector<64xf32>
    %reduce_sum3A_56 = vector.multi_reduction <add>, %convert_element_type3A_44, %reduce_sum3A [1] : vector<64x512xf32> to vector<64xf32>
    %broadcast_in_dim3A = vector.shape_cast %reduce_sum3A_56 : vector<64xf32> to vector<64x1xf32>
    %get3A_57 = arith.constant 0 : index
    %get3A_58 = arith.constant 0 : index
    %get3A_59 = vector.load %arg19[%get3A_57, %get3A_58] : memref<64x128xf32, #tpu.memory_space<vmem>>, vector<64x128xf32>
    %broadcast_in_dim3A_60 = vector.shape_cast %broadcast_in_dim3A : vector<64x1xf32> to vector<64x1xf32>
    %broadcast_in_dim3A_61 = vector.broadcast %broadcast_in_dim3A_60 : vector<64x1xf32> to vector<64x128xf32>
    %add3A_62 = arith.addf %get3A_59, %broadcast_in_dim3A_61 : vector<64x128xf32>
    %swap3A_63 = arith.constant 0 : index
    %swap3A_64 = arith.constant 0 : index
    %swap3A_65 = vector.load %arg19[%swap3A_63, %swap3A_64] : memref<64x128xf32, #tpu.memory_space<vmem>>, vector<64x128xf32>
    tpu.vector_store %arg19[%swap3A_63, %swap3A_64], %add3A_62 {strides = array<i32>} : memref<64x128xf32, #tpu.memory_space<vmem>>, vector<64x128xf32>,
    %eq3A_66 = arith.constant 19 : i32
    %eq3A_67 = arith.cmpi eq, %arg0, %eq3A_66 : i32
    %convert_element_type3A_68 = arith.extui %eq3A_67 : i1 to i32
    %cond3A_69 = arith.constant 0 : i32
    %cond3A_70 = arith.cmpi ne, %convert_element_type3A_68, %cond3A_69 : i32
    scf.if %cond3A_70 {
      %get3A_71 = arith.constant 0 : index
      %get3A_72 = arith.constant 0 : index
      %get3A_73 = vector.load %arg18[%get3A_71, %get3A_72] : memref<64x256xf32, #tpu.memory_space<vmem>>, vector<64x256xf32>
      %get3A_74 = arith.constant 0 : index
      %get3A_75 = arith.constant 0 : index
      %get3A_76 = vector.load %arg19[%get3A_74, %get3A_75] : memref<64x128xf32, #tpu.memory_space<vmem>>, vector<64x1xf32>
      %max3A = arith.constant 1.000000e+00 : f32
      %max3A_77 = vector.broadcast %max3A : f32 to vector<64x1xf32>
      %max3A_78 = arith.maximumf %get3A_76, %max3A_77 : vector<64x1xf32>
      %div3A = vector.broadcast %max3A_78 : vector<64x1xf32> to vector<64x256xf32>
      %div3A_79 = arith.divf %get3A_73, %div3A : vector<64x256xf32>
      %get3A_80 = arith.constant 0 : index
      %get3A_81 = arith.constant 0 : index
      %get3A_82 = vector.load %arg7[%get3A_80, %get3A_81] : memref<256x8xf32, #tpu.memory_space<vmem>>, vector<256x8xf32>
      %dot_general3A_83 = arith.constant dense<0.000000e+00> : vector<64x8xf32>
      %dot_general3A_84 = tpu.matmul %div3A_79, %get3A_82, %dot_general3A_83 {dimension_numbers = #tpu.dot_dimension_numbers<[1], [0], [0], [1], [0, 0, 1, 1], [], []>, transpose_lhs_hint = false} : vector<64x256xf32>, vector<256x8xf32>, vector<64x8xf32> -> vector<64x8xf32>
      %get3A_85 = arith.constant 0 : index
      %get3A_86 = arith.constant 0 : index
      %get3A_87 = vector.load %arg8[%get3A_85, %get3A_86] : memref<1x8xf32, #tpu.memory_space<vmem>>, vector<1x8xf32>
      %add3A_88 = vector.broadcast %get3A_87 : vector<1x8xf32> to vector<64x8xf32>
      %add3A_89 = arith.addf %dot_general3A_84, %add3A_88 : vector<64x8xf32>
      %reduce_max3A = arith.constant dense<0xFF800000> : vector<64xf32>
      %reduce_max3A_90 = vector.multi_reduction <maximumf>, %add3A_89, %reduce_max3A [1] : vector<64x8xf32> to vector<64xf32>
      %broadcast_in_dim3A_91 = vector.shape_cast %reduce_max3A_90 : vector<64xf32> to vector<64x1xf32>
      %sub3A = vector.broadcast %broadcast_in_dim3A_91 : vector<64x1xf32> to vector<64x8xf32>
      %sub3A_92 = arith.subf %add3A_89, %sub3A : vector<64x8xf32>
      %exp3A = math.exp %sub3A_92 : vector<64x8xf32>
      %reduce_sum3A_93 = arith.constant dense<0.000000e+00> : vector<64xf32>
      %reduce_sum3A_94 = vector.multi_reduction <add>, %exp3A, %reduce_sum3A_93 [1] : vector<64x8xf32> to vector<64xf32>
      %broadcast_in_dim3A_95 = vector.shape_cast %reduce_sum3A_94 : vector<64xf32> to vector<64x1xf32>
      %div3A_96 = vector.broadcast %broadcast_in_dim3A_95 : vector<64x1xf32> to vector<64x8xf32>
      %div3A_97 = arith.divf %exp3A, %div3A_96 : vector<64x8xf32>
      %get3A_98 = arith.constant 0 : index
      %get3A_99 = arith.constant 0 : index
      %get3A_100 = vector.load %arg9[%get3A_98, %get3A_99] : memref<256x32xf32, #tpu.memory_space<vmem>>, vector<256x32xf32>
      %dot_general3A_101 = arith.constant dense<0.000000e+00> : vector<64x32xf32>
      %dot_general3A_102 = tpu.matmul %div3A_79, %get3A_100, %dot_general3A_101 {dimension_numbers = #tpu.dot_dimension_numbers<[1], [0], [0], [1], [0, 0, 1, 1], [], []>, transpose_lhs_hint = false} : vector<64x256xf32>, vector<256x32xf32>, vector<64x32xf32> -> vector<64x32xf32>
      %get3A_103 = arith.constant 0 : index
      %get3A_104 = arith.constant 0 : index
      %get3A_105 = vector.load %arg10[%get3A_103, %get3A_104] : memref<8x32xf32, #tpu.memory_space<vmem>>, vector<8x32xf32>
      %dot_general3A_106 = arith.constant dense<0.000000e+00> : vector<64x32xf32>
      %dot_general3A_107 = tpu.matmul %div3A_97, %get3A_105, %dot_general3A_106 {dimension_numbers = #tpu.dot_dimension_numbers<[1], [0], [0], [1], [0, 0, 1, 1], [], []>, transpose_lhs_hint = false} : vector<64x8xf32>, vector<8x32xf32>, vector<64x32xf32> -> vector<64x32xf32>
      %add3A_108 = arith.addf %dot_general3A_102, %dot_general3A_107 : vector<64x32xf32>
      %get3A_109 = arith.constant 0 : index
      %get3A_110 = arith.constant 0 : index
      %get3A_111 = vector.load %arg11[%get3A_109, %get3A_110] : memref<1x32xf32, #tpu.memory_space<vmem>>, vector<1x32xf32>
      %add3A_112 = vector.broadcast %get3A_111 : vector<1x32xf32> to vector<64x32xf32>
      %add3A_113 = arith.addf %add3A_108, %add3A_112 : vector<64x32xf32>
      %reduce_max3A_114 = arith.constant dense<0xFF800000> : vector<64xf32>
      %reduce_max3A_115 = vector.multi_reduction <maximumf>, %add3A_113, %reduce_max3A_114 [1] : vector<64x32xf32> to vector<64xf32>
      %broadcast_in_dim3A_116 = vector.shape_cast %reduce_max3A_115 : vector<64xf32> to vector<64x1xf32>
      %sub3A_117 = vector.broadcast %broadcast_in_dim3A_116 : vector<64x1xf32> to vector<64x32xf32>
      %sub3A_118 = arith.subf %add3A_113, %sub3A_117 : vector<64x32xf32>
      %exp3A_119 = math.exp %sub3A_118 : vector<64x32xf32>
      %reduce_sum3A_120 = arith.constant dense<0.000000e+00> : vector<64xf32>
      %reduce_sum3A_121 = vector.multi_reduction <add>, %exp3A_119, %reduce_sum3A_120 [1] : vector<64x32xf32> to vector<64xf32>
      %broadcast_in_dim3A_122 = vector.shape_cast %reduce_sum3A_121 : vector<64xf32> to vector<64x1xf32>
      %div3A_123 = vector.broadcast %broadcast_in_dim3A_122 : vector<64x1xf32> to vector<64x32xf32>
      %div3A_124 = arith.divf %exp3A_119, %div3A_123 : vector<64x32xf32>
      %get3A_125 = arith.constant 0 : index
      %get3A_126 = arith.constant 0 : index
      %get3A_127 = vector.load %arg12[%get3A_125, %get3A_126] : memref<256x128xf32, #tpu.memory_space<vmem>>, vector<256x128xf32>
      %dot_general3A_128 = arith.constant dense<0.000000e+00> : vector<64x128xf32>
      %dot_general3A_129 = tpu.matmul %div3A_79, %get3A_127, %dot_general3A_128 {dimension_numbers = #tpu.dot_dimension_numbers<[1], [0], [0], [1], [0, 0, 1, 1], [], []>, transpose_lhs_hint = false} : vector<64x256xf32>, vector<256x128xf32>, vector<64x128xf32> -> vector<64x128xf32>
      %get3A_130 = arith.constant 0 : index
      %get3A_131 = arith.constant 0 : index
      %get3A_132 = vector.load %arg13[%get3A_130, %get3A_131] : memref<32x128xf32, #tpu.memory_space<vmem>>, vector<32x128xf32>
      %dot_general3A_133 = arith.constant dense<0.000000e+00> : vector<64x128xf32>
      %dot_general3A_134 = tpu.matmul %div3A_124, %get3A_132, %dot_general3A_133 {dimension_numbers = #tpu.dot_dimension_numbers<[1], [0], [0], [1], [0, 0, 1, 1], [], []>, transpose_lhs_hint = false} : vector<64x32xf32>, vector<32x128xf32>, vector<64x128xf32> -> vector<64x128xf32>
      %add3A_135 = arith.addf %dot_general3A_129, %dot_general3A_134 : vector<64x128xf32>
      %get3A_136 = arith.constant 0 : index
      %get3A_137 = arith.constant 0 : index
      %get3A_138 = vector.load %arg14[%get3A_136, %get3A_137] : memref<1x128xf32, #tpu.memory_space<vmem>>, vector<1x128xf32>
      %add3A_139 = vector.broadcast %get3A_138 : vector<1x128xf32> to vector<64x128xf32>
      %add3A_140 = arith.addf %add3A_135, %add3A_139 : vector<64x128xf32>
      %swap3A_141 = arith.constant 0 : index
      %swap3A_142 = arith.constant 0 : index
      %swap3A_143 = vector.load %arg15[%swap3A_141, %swap3A_142] : memref<64x8xf32, #tpu.memory_space<vmem>>, vector<64x8xf32>
      tpu.vector_store %arg15[%swap3A_141, %swap3A_142], %add3A_89 {strides = array<i32>} : memref<64x8xf32, #tpu.memory_space<vmem>>, vector<64x8xf32>,
      %swap3A_144 = arith.constant 0 : index
      %swap3A_145 = arith.constant 0 : index
      %swap3A_146 = vector.load %arg16[%swap3A_144, %swap3A_145] : memref<64x32xf32, #tpu.memory_space<vmem>>, vector<64x32xf32>
      tpu.vector_store %arg16[%swap3A_144, %swap3A_145], %add3A_113 {strides = array<i32>} : memref<64x32xf32, #tpu.memory_space<vmem>>, vector<64x32xf32>,
      %swap3A_147 = arith.constant 0 : index
      %swap3A_148 = arith.constant 0 : index
      %swap3A_149 = vector.load %arg17[%swap3A_147, %swap3A_148] : memref<64x128xf32, #tpu.memory_space<vmem>>, vector<64x128xf32>
      tpu.vector_store %arg17[%swap3A_147, %swap3A_148], %add3A_140 {strides = array<i32>} : memref<64x128xf32, #tpu.memory_space<vmem>>, vector<64x128xf32>,
    } else {
    }
    return
  }
  func.func @transform_0(%arg0: i32) -> (i32, i32, i32) {
    %c0_i32 = arith.constant 0 : i32
    %c0_i32_0 = arith.constant 0 : i32
    %c0_i32_1 = arith.constant 0 : i32
    return %c0_i32, %arg0, %c0_i32_0 : i32, i32, i32
  }
  func.func @transform_1(%arg0: i32) -> (i32, i32, i32) {
    %c0_i32 = arith.constant 0 : i32
    %c0_i32_0 = arith.constant 0 : i32
    %c0_i32_1 = arith.constant 0 : i32
    return %c0_i32, %arg0, %c0_i32_0 : i32, i32, i32
  }
  func.func @transform_2(%arg0: i32) -> (i32, i32) {
    %c0_i32 = arith.constant 0 : i32
    %c0_i32_0 = arith.constant 0 : i32
    return %arg0, %c0_i32 : i32, i32
  }
  func.func @transform_3(%arg0: i32) -> (i32, i32) {
    %c0_i32 = arith.constant 0 : i32
    %c0_i32_0 = arith.constant 0 : i32
    return %arg0, %c0_i32 : i32, i32
  }
  func.func @transform_4(%arg0: i32) -> (i32, i32) {
    %c0_i32 = arith.constant 0 : i32
    %c0_i32_0 = arith.constant 0 : i32
    %c0_i32_1 = arith.constant 0 : i32
    return %c0_i32, %c0_i32_0 : i32, i32
  }
  func.func @transform_5(%arg0: i32) -> (i32, i32) {
    %c0_i32 = arith.constant 0 : i32
    %c0_i32_0 = arith.constant 0 : i32
    return %c0_i32, %arg0 : i32, i32
  }
  func.func @transform_6(%arg0: i32) -> (i32, i32) {
    %c0_i32 = arith.constant 0 : i32
    %c0_i32_0 = arith.constant 0 : i32
    %c0_i32_1 = arith.constant 0 : i32
    return %c0_i32, %c0_i32_0 : i32, i32
  }
  func.func @transform_7(%arg0: i32) -> (i32, i32) {
    %c0_i32 = arith.constant 0 : i32
    %c0_i32_0 = arith.constant 0 : i32
    %c0_i32_1 = arith.constant 0 : i32
    return %c0_i32, %c0_i32_0 : i32, i32
  }
  func.func @transform_8(%arg0: i32) -> (i32, i32) {
    %c0_i32 = arith.constant 0 : i32
    %c0_i32_0 = arith.constant 0 : i32
    %c0_i32_1 = arith.constant 0 : i32
    return %c0_i32, %c0_i32_0 : i32, i32
  }
  func.func @transform_9(%arg0: i32) -> (i32, i32) {
    %c0_i32 = arith.constant 0 : i32
    %c0_i32_0 = arith.constant 0 : i32
    %c0_i32_1 = arith.constant 0 : i32
    return %c0_i32, %c0_i32_0 : i32, i32
  }
  func.func @transform_10(%arg0: i32) -> (i32, i32) {
    %c0_i32 = arith.constant 0 : i32
    %c0_i32_0 = arith.constant 0 : i32
    %c0_i32_1 = arith.constant 0 : i32
    return %c0_i32, %c0_i32_0 : i32, i32
  }
  func.func @transform_11(%arg0: i32) -> (i32, i32) {
    %c0_i32 = arith.constant 0 : i32
    %c0_i32_0 = arith.constant 0 : i32
    %c0_i32_1 = arith.constant 0 : i32
    return %c0_i32, %c0_i32_0 : i32, i32
  }
  func.func @transform_12(%arg0: i32) -> (i32, i32) {
    %c0_i32 = arith.constant 0 : i32
    %c0_i32_0 = arith.constant 0 : i32
    %c0_i32_1 = arith.constant 0 : i32
    return %c0_i32, %c0_i32_0 : i32, i32
  }
  func.func @transform_13(%arg0: i32) -> (i32, i32) {
    %c0_i32 = arith.constant 0 : i32
    %c0_i32_0 = arith.constant 0 : i32
    %c0_i32_1 = arith.constant 0 : i32
    return %c0_i32, %c0_i32_0 : i32, i32
  }
  func.func @transform_14(%arg0: i32) -> (i32, i32) {
    %c0_i32 = arith.constant 0 : i32
    %c0_i32_0 = arith.constant 0 : i32
    %c0_i32_1 = arith.constant 0 : i32
    return %c0_i32, %c0_i32_0 : i32, i32
  }
  func.func @transform_15(%arg0: i32) -> (i32, i32) {
    %c0_i32 = arith.constant 0 : i32
    %c0_i32_0 = arith.constant 0 : i32
    %c0_i32_1 = arith.constant 0 : i32
    return %c0_i32, %c0_i32_0 : i32, i32
  }
  func.func @transform_16(%arg0: i32) -> (i32, i32) {
    %c0_i32 = arith.constant 0 : i32
    %c0_i32_0 = arith.constant 0 : i32
    %c0_i32_1 = arith.constant 0 : i32
    return %c0_i32, %c0_i32_0 : i32, i32
  }
}

</mosaic_0001>

<sc_bundles>
// kernel: kernel.11.cloned.1.call-start
scs
__scs_entry_jumppad:
0x0: {  	(pc) =	sbr.rel $0x88, $3  }
0x1: {  	(tag) =	ssettag $0x0;
	lr =	simm.s32 $0x1  }
0x2: {  	[smem:$0x3F92] =	sst lr;
	_ =	strace $0xD0000000  }
0x3: {  	_ = 	snop  }
0x4: {  	_ = 	snop  }
0x5: {  	_ = 	snop  }
0x6: {  	_ = 	snop  }
0x7: {  	_ = 	snop  }
__scs_overlays_trampoline_lowered:
0x8: {  	[smem:$0x3FA1] =	sst s0  }
0x9: {  	[smem:$0x3FA2] =	sst s1  }
0xa: {  	[smem:$0x3FA3] =	sst s2  }
0xb: {  	[smem:$0x3FA4] =	sst s3  }
0xc: {  	[smem:$0x3FA5] =	sst s4  }
0xd: {  	[smem:$0x3FA6] =	sst s5  }
0xe: {  	[smem:$0x3FA7] =	sst s6  }
0xf: {  	[smem:$0x3FA8] =	sst s7  }
0x10: {  	[smem:$0x3FA9] =	sst s8  }
0x11: {  	[smem:$0x3FAA] =	sst s9;
	s0 =	simm.s32 @!p0 $0x0  }
0x12: {  	s1 =	sld [smem:$0x3F90];
	s0 =	simm.s32 @p0 $0x1  }
0x13: {  	[smem:$0x3FAB] =	sst s0;
	s0 =	simm.s32 @!p1 $0x0  }
0x14: {  	s2 =	sld [smem:$0x3F8F];
	s0 =	simm.s32 @p1 $0x1  }
0x15: {  	[smem:$0x3FAC] =	sst s0;
	s0 =	simm.s32 @!p2 $0x0  }
0x16: {  	s3 =	sld [smem:$0x3FDB];
	s0 =	simm.s32 @p2 $0x1  }
0x17: {  	s4 =	simm.s32 $0x1BF5;
	[smem:$0x3FAE] =	sst s0  }
0x18: {  	s0 =	sld [smem:$0x3F91];
	_ =	swait.ge [sflag:s4], $0x0  }
0x19: {  	s7 =	sld [smem:$0x3F92]  }
0x1a: {  	s8 =	sadd.s32 $0xFFFFE003, lr  }
0x1b: {  	s9 =	sadd.s32 $0xFFFFFEF7, lr;
	s5 =	simm.s32 $0xFFFFFFFF;
	p2 =	slt.u32 s8, $0xFFFFF086  }
0x1c: {  	p1 =	slt.u32 s9, $0xF7A;
	s5 =	simm.s32 @!p2 $0x0  }
0x1d: {  	s5 =	simm.s32 @p1 $0x1;
	p0 =	seq.s32 s7, s2  }
0x1e: {  	s7 =	smul.u32 @!p0 $0xF7A, s2;
	p2 =	seq.s32 @!p0 s5, $0x0  }
0x1f: {  	s9 =	smul.u32 $0xF7A, s1;
	s8 =	simm.s32 @!p0 $0x1BF5;
	p2 =	por !p2, p0  }
0x20: {  	[sflag:s8] =	ssyncset.s32 @!p0 $0xFFFFF086;
	s6 =	sadd.s32 @!p0 s3, s7;
	s7 =	simm.s32 @!p0 $0x108  }
0x21: {  	s3 =	sadd.s32 s3, s9;
	s6 =	sadd.s32 @!p0 $0x88, s6;
	s7 =	simm.s32 @p2 $0x1082  }
0x22: {  	[simem:s7], [sflag:s8] =	dma.local @!p0 [hbm:s6], $0xF7A  }
0x23: {  	s9 =	sor.u32 $0xD0000000, s2;
	s6 =	simm.s32 $0x108;
	_ =	swait.ge @!p0 [sflag:s8], $0x0  }
0x24: {  	s3 =	sadd.s32 $0x88, s3;
	s6 =	simm.s32 @!p1 $0x1082;
	[sflag:s4] =	ssyncset.s32 $0xFFFFF086  }
0x25: {  	[simem:s6], [sflag:s4] =	dma.local [hbm:s3], $0xF7A  }
0x26: {  	[smem:$0x3F92] =	sst s1;
	(tag) =	ssettag s2;
	_ =	strace s9  }
0x27: {  	s1 =	sld [smem:$0x3FA2]  }
0x28: {  	s2 =	sld [smem:$0x3FA3]  }
0x29: {  	s4 =	sld [smem:$0x3FA5]  }
0x2a: {  	p0 =	seq.s32 s5, $0x0;
	s5 =	sld [smem:$0x3FA6]  }
0x2b: {  	s6 =	sld [smem:$0x3FA7]  }
0x2c: {  	s7 =	sld [smem:$0x3FA8]  }
0x2d: {  	s3 =	simm.s32 $0x108;
	s8 =	sld [smem:$0x3FA9]  }
0x2e: {  	s3 =	simm.s32 @!p0 $0x1082;
	s9 =	sld [smem:$0x3FAA]  }
0x2f: {  	lr =	sadd.s32 s0, s3;
	s0 =	sld [smem:$0x3FA1]  }
0x30: {  	s3 =	sld [smem:$0x3FA4]  }
0x31: {  	[smem:$0x3FAD] =	sst s10  }
0x32: {  	s10 =	sld [smem:$0x3FAB];
	_ =	sdelay $0x3  }
0x33: {  	p0 =	seq.s32 s10, $0x1;
	s10 =	sld [smem:$0x3FAD];
	_ =	sdelay $0x3  }
0x34: {  	[smem:$0x3FAD] =	sst s10  }
0x35: {  	s10 =	sld [smem:$0x3FAC];
	_ =	sdelay $0x3  }
0x36: {  	p1 =	seq.s32 s10, $0x1;
	s10 =	sld [smem:$0x3FAD];
	_ =	sdelay $0x3  }
0x37: {  	[smem:$0x3FAD] =	sst s10  }
0x38: {  	s10 =	sld [smem:$0x3FAE]  }
0x39: {  	_ = 	snop;
	(pc) =	sbr.ind lr, $3  }
0x3a: {  	_ = 	snop  }
0x3b: {  	_ = 	snop  }
0x3c: {  	p2 =	seq.s32 s10, $0x1;
	s10 =	sld [smem:$0x3FAD]  }
0x3d: {  	_ =	shalt  }
0x3e: {  	_ =	shalt  }
0x3f: {  	_ =	shalt  }
0x40: {  	_ =	shalt  }
0x41: {  	_ =	shalt  }
0x42: {  	_ =	shalt  }
0x43: {  	_ =	shalt  }
0x44: {  	_ =	shalt  }
0x45: {  	_ =	shalt  }
0x46: {  	_ =	shalt  }
0x47: {  	_ =	shalt  }
0x48: {  	_ =	shalt  }
0x49: {  	_ =	shalt  }
0x4a: {  	_ =	shalt  }
0x4b: {  	_ =	shalt  }
0x4c: {  	_ =	shalt  }
0x4d: {  	_ =	shalt  }
0x4e: {  	_ =	shalt  }
0x4f: {  	_ =	shalt  }
0x50: {  	_ =	shalt  }
0x51: {  	_ =	shalt  }
0x52: {  	_ =	shalt  }
0x53: {  	_ =	shalt  }
0x54: {  	_ =	shalt  }
0x55: {  	_ =	shalt  }
0x56: {  	_ =	shalt  }
0x57: {  	_ =	shalt  }
0x58: {  	_ =	shalt  }
0x59: {  	_ =	shalt  }
0x5a: {  	_ =	shalt  }
0x5b: {  	_ =	shalt  }
0x5c: {  	_ =	shalt  }
0x5d: {  	_ =	shalt  }
0x5e: {  	_ =	shalt  }
0x5f: {  	_ =	shalt  }
0x60: {  	_ =	shalt  }
0x61: {  	_ =	shalt  }
0x62: {  	_ =	shalt  }
0x63: {  	_ =	shalt  }
0x64: {  	_ =	shalt  }
0x65: {  	_ =	shalt  }
0x66: {  	_ =	shalt  }
0x67: {  	_ =	shalt  }
0x68: {  	_ =	shalt  }
0x69: {  	_ =	shalt  }
0x6a: {  	_ =	shalt  }
0x6b: {  	_ =	shalt  }
0x6c: {  	_ =	shalt  }
0x6d: {  	_ =	shalt  }
0x6e: {  	_ =	shalt  }
0x6f: {  	_ =	shalt  }
0x70: {  	_ =	shalt  }
0x71: {  	_ =	shalt  }
0x72: {  	_ =	shalt  }
0x73: {  	_ =	shalt  }
0x74: {  	_ =	shalt  }
0x75: {  	_ =	shalt  }
0x76: {  	_ =	shalt  }
0x77: {  	_ =	shalt  }
0x78: {  	_ =	shalt  }
0x79: {  	_ =	shalt  }
0x7a: {  	_ =	shalt  }
0x7b: {  	_ =	shalt  }
0x7c: {  	_ =	shalt  }
0x7d: {  	_ =	shalt  }
0x7e: {  	_ =	shalt  }
0x7f: {  	_ =	shalt  }
0x80: {  	_ =	shalt  }
0x81: {  	_ =	shalt  }
0x82: {  	_ =	shalt  }
0x83: {  	_ =	shalt  }
0x84: {  	_ =	shalt  }
0x85: {  	_ =	shalt  }
0x86: {  	_ =	shalt  }
0x87: {  	_ =	shalt  }
.Lfunc_end0:
.L_simem_size_0:
called_computation_lowered:
.L_overlay_start_0:
0x88: {  	s2 =	sld [smem:$0x3FD9]  }
0x89: {  	s3 =	sld [smem:$0x3FFE];
	_ =	sdelay $0x1  }
0x8a: {  	s1 =	srdreg.scid  }
0x8b: {  	s0 =	sand.u32 $0x1, s1  }
0x8c: {  	s16 =	sshll.u32 s0, $0xA;
	s2 =	sadd.s32 s3, s2  }
0x8d: {  	s2 =	sadd.s32 s2, s16  }
0x8e: {  	[smem:$0x3FB9] =	sst s2  }
0x8f: {  	_ = 	snop  }
0x90: {  	(tm) =	ssettm $0x1  }
0x91: {  	s17 =	sld [smem:$0x3FFB];
	_ =	sdelay $0x3  }
0x92: {  	_ =	strace s17  }
0x93: {  	s2 =	sld [smem:$0x3FFC];
	_ =	sdelay $0x3  }
0x94: {  	_ =	strace s2  }
0x95: {  	s2 =	sld [smem:$0x3FFD];
	_ =	sdelay $0x3  }
0x96: {  	_ =	strace s2  }
0x97: {  	_ =	strace $0x8FFFFFFF  }
0x98: {  	s18 =	sld [smem:$0x3FDB];
	_ =	sdelay $0x1  }
0x99: {  	s19 =	simm.s32 $_scs_section_size  }
0x9a: {  	s4 =	simm.s32 $_size__tile_overlayer_lowered;
	s5 =	simm.s32 $_tile_overlayer_lowered  }
0x9b: {  	s22 =	simm.s32 $0x1BFF;
	s21 =	sshll.u32 s5, $0x1;
	s2 =	sadd.s32 s19, s18  }
0x9c: {  	s6 =	simm.s32 $0x0;
	s20 =	sshll.u32 s4, $0x1;
	s4 =	sadd.s32 s21, s2  }
0x9d: {  	[timem:s6], [sflag:s22] =	dma.local [hbm:s4], s20  }
0x9e: {  	_ =	swait.ge [sflag:s22], s20  }
0x9f: {  	s3 =	ssub.s32 $0x0, s20;
	[sflag:s22] =	ssyncset.done $0x0  }
0xa0: {  	[sflag:s22] =	ssyncadd.s32 s3;
	_ =	sdelay $0x1  }
0xa1: {  	s23 =	simm.s32 $0x1B8B  }
0xa2: {  	_ =	swait.ge [sflag:s23], $0x1  }
0xa3: {  	[sflag:s23] =	ssyncset.done $0x0  }
0xa4: {  	s25 =	simm.s32 $0x1B8E;
	s24 =	sld [smem:$0x3FFE];
	[sflag:s23] =	ssyncadd.s32 $0xFFFFFFFF  }
0xa5: {  	s26 =	simm.s32 $execute0_lowered;
	[smem:$0x3FD2] =	sst s25  }
0xa6: {  	s4 =	sshll.u32 s26, $0x1;
	_ =	strace $0x80000046;
	[dreg:$0x1] =	wrdreg $0xFFFFFFFF  }
0xa7: {  	s28 =	simm.s32 $_size_execute0_lowered;
	s2 =	sadd.s32 s2, s4;
	[dreg:$0x0] =	wrdreg $0x0  }
0xa8: {  	s4 =	sshll.u32 s28, $0x1;
	[dreg:$0x2] =	wrdreg s2  }
0xa9: {  	[dreg:$0x3] =	wrdreg s4  }
0xaa: {  	[dreg:$0x4] =	wrdreg $0xC0  }
0xab: {  	_ =	task [dreg:s6], $0x5FFFF  }
0xac: {  	[dreg:$0x1] =	wrdreg $0xFFFFFFFF  }
0xad: {  	[dreg:$0x0] =	wrdreg $0x60  }
0xae: {  	[dreg:$0x2] =	wrdreg s24  }
0xaf: {  	[dreg:$0x3] =	wrdreg $0x0  }
0xb0: {  	[dreg:$0x4] =	wrdreg $0x9  }
0xb1: {  	_ =	task.clear_ibuf [dreg:s6], $0x5FFFF;
	_ =	strace $0x90000046  }
0xb2: {  	s29 =	simm.s32 $0x9;
	_ =	strace $0x80000048  }
0xb3: {  	_ =	swait.ge [sflag:s29], $0x1  }
0xb4: {  	[sflag:s29] =	ssyncadd.s32 $0xFFFFFFFF  }
0xb5: {  	_ =	strace $0x90000048  }
0xb6: {  	_ =	sfence  }
0xb7: {  	s30 =	sld [smem:$0x0];
	_ =	sdelay $0x2  }
0xb8: {  	s31 =	sshll.u32 s1, $0xD;
	s1 =	sshrl.u32 s1, $0x2  }
0xb9: {  	s3 =	sand.u32 $0x4000, s31;
	s1 =	sadd.s32 s1, s30  }
0xba: {  	s0 =	sor.u32 s3, s0;
	s1 =	sshll.u32 s1, $0x11  }
0xbb: {  	s0 =	sor.u32 s1, s0  }
0xbc: {  	s0 =	sadd.s32 $0x8F2B, s0  }
0xbd: {  	[sflag:s0] =	ssyncadd.remote.s32 $0x1  }
0xbe: {  	_ =	sfence.sel $0xFFFF  }
0xbf: {  	[dreg:$0x0] =	wrdreg $0xFFFFFFFF;
	(pc) =	sbr.abs _section_cstart, $3  }
0xc0: {  	[dreg:$0x1] =	wrdreg $0xFFFFFFFF  }
0xc1: {  	_ =	task.clear_ibuf [dreg:s6], $0x2FFFF;
	_ =	strace $0x9FFFFFFF  }
0xc2: {  	(tm) =	ssettm $0x7FFFFFFF  }
0xc3: {  	_ =	shalt  }
tec
execute0_lowered:
.L_overlay_start_1:
0x0: {  	(tag) =	ssettag $0x1  }
0x1: {  	s1 =	srdreg.scid;
	s4 =	rddreg [dreg:$0x0]  }
0x2: {  	s0 =	stileid.u32;
	s2 =	rddreg [dreg:$0x1];
	s3 =	simm.s32 $0x0  }
0x3: {  	s10 =	simm.s32 $0x280;
	s11 =	simm.s32 $0x80;
	s12 =	simm.s32 $0x2A80  }
0x4: {  	s13 =	simm.s32 $0x300;
	s14 =	simm.s32 $0x380;
	s15 =	simm.s32 $0x400  }
0x5: {  	s16 =	simm.s32 $0x1;
	s19 =	simm.s32 $0x0;
	s5 =	sand.u32 $0x1, s1  }
0x6: {  	s6 =	smul.u32 $0x280, s0;
	s7 =	sshll.u32 s0, $0x1;
	s1 =	rddreg [dreg:$0x2]  }
0x7: {  	[smem:$0x7FF] =	sst s3;
	s17 =	sshll.u32 s0, $0x6;
	s8 =	smul.u32 $0x2800, s5  }
0x8: {  	s7 =	sor.u32 s5, s7;
	_ =	strace $0x80000047;
	s5 =	ssub.s32 $0x2, s5  }
0x9: {  	s7 =	smul.u32 $0x500, s7;
	s31 =	sshrl.u32 s5, $0x1;
	s8 =	sadd.s32 s6, s8  }
0xa: {  	s17 =	sor.u32 $0x1C02, s17;
	s9 =	ssub.s32 s5, s31;
	s8 =	sshrl.u32 s8, $0x3  }
0xb: {  	s7 =	sadd.s32 s7, s4;
	s8 =	sadd.s32 s8, s4;
	s4 =	sadd.s32 s6, s2  }
0xc: {  	s5 =	sadd.s32 $0x4400, s7;
	s7 =	smax.u32 s9, $0x1;
	s9 =	simm.s32 $0x2  }
0xd: {  	v0 =	vimm.f32 $1.000000000e+00;
	v1 =	vimm.f32 $0.0e+00;
	s6 =	sadd.s32 $0x18400, s8;
	s8 =	simm.s32 $0x2B00;
	s18 =	sshrl.u32 s4, $0x3  }
.LBB2_1:
0xe: {  	[tilespmem:$0x2A80] =	vst v0  }
0xf: {  	[tilespmem:$0x2A90] =	vst v0  }
0x10: {  	[tilespmem:$0x2AA0] =	vst v0  }
0x11: {  	[tilespmem:$0x2AB0] =	vst v0  }
0x12: {  	[tilespmem:$0x2AC0] =	vst v0  }
0x13: {  	[tilespmem:$0x2AD0] =	vst v0  }
0x14: {  	[tilespmem:$0x2AE0] =	vst v0  }
0x15: {  	[tilespmem:$0x2AF0] =	vst v0  }
0x16: {  	[tilespmem:$0x2B00] =	vst v1  }
0x17: {  	[tilespmem:$0x2B10] =	vst v1  }
0x18: {  	[tilespmem:$0x2B20] =	vst v1  }
0x19: {  	[tilespmem:$0x2B30] =	vst v1  }
0x1a: {  	[tilespmem:$0x2B40] =	vst v1  }
0x1b: {  	[tilespmem:$0x2B50] =	vst v1  }
0x1c: {  	[tilespmem:$0x2B60] =	vst v1  }
0x1d: {  	[tilespmem:$0x2B70] =	vst v1  }
0x1e: {  	[tilespmem:$0x2B80] =	vst v1  }
0x1f: {  	[tilespmem:$0x2B90] =	vst v1  }
0x20: {  	[tilespmem:$0x2BA0] =	vst v1  }
0x21: {  	[tilespmem:$0x2BB0] =	vst v1  }
0x22: {  	[tilespmem:$0x2BC0] =	vst v1  }
0x23: {  	[tilespmem:$0x2BD0] =	vst v1  }
0x24: {  	[tilespmem:$0x2BE0] =	vst v1  }
0x25: {  	[tilespmem:$0x2BF0] =	vst v1  }
0x26: {  	[tilespmem:$0x2C00] =	vst v1  }
0x27: {  	[tilespmem:$0x2C10] =	vst v1  }
0x28: {  	[tilespmem:$0x2C20] =	vst v1  }
0x29: {  	[tilespmem:$0x2C30] =	vst v1  }
0x2a: {  	[tilespmem:$0x2C40] =	vst v1  }
0x2b: {  	[tilespmem:$0x2C50] =	vst v1  }
0x2c: {  	[tilespmem:$0x2C60] =	vst v1  }
0x2d: {  	[tilespmem:$0x2C70] =	vst v1  }
0x2e: {  	[tilespmem:$0x2C80] =	vst v1  }
0x2f: {  	[tilespmem:$0x2C90] =	vst v1  }
0x30: {  	[tilespmem:$0x2CA0] =	vst v1  }
0x31: {  	[tilespmem:$0x2CB0] =	vst v1  }
0x32: {  	[tilespmem:$0x2CC0] =	vst v1  }
0x33: {  	[tilespmem:$0x2CD0] =	vst v1  }
0x34: {  	[tilespmem:$0x2CE0] =	vst v1  }
0x35: {  	[tilespmem:$0x2CF0] =	vst v1  }
0x36: {  	[tilespmem:$0x2D00] =	vst v1  }
0x37: {  	[tilespmem:$0x2D10] =	vst v1  }
0x38: {  	[tilespmem:$0x2D20] =	vst v1  }
0x39: {  	[tilespmem:$0x2D30] =	vst v1  }
0x3a: {  	[tilespmem:$0x2D40] =	vst v1  }
0x3b: {  	[tilespmem:$0x2D50] =	vst v1  }
0x3c: {  	[tilespmem:$0x2D60] =	vst v1  }
0x3d: {  	[tilespmem:$0x2D70] =	vst v1  }
0x3e: {  	[spmem:s4] =	stream.linear.scatter [tilespmem:s8], [sflag:$0x2], $0x280, $0x38;
	[tilespmem:$0x2D80] =	vst v63  }
0x3f: {  	_ =	swait.ge [sflag:s9], $0x280  }
0x40: {  	[sflag:s9] =	ssyncset.done $0x0  }
0x41: {  	[sflag:s9] =	ssyncadd.s32 $0xFFFFFD80  }
0x42: {  	[tilespmem:s10], [sflag:$0x2] =	stream.linear.gather [hbm4b:s5+s3], $0x2800, $0x38;
	[tilespmem:$0x2D80] =	vst v63  }
0x43: {  	_ =	swait.ge [sflag:s9], $0x2800  }
0x44: {  	[sflag:s9] =	ssyncset.done $0x0  }
0x45: {  	[sflag:s9] =	ssyncadd.s32 $0xFFFFD800  }
0x46: {  	[bflag:$0x0] =	sbarrier.arrive $0xFFFF  }
0x47: {  	[spmem:s2] =	stream.indirect.scatter.add.f32 [tilespmem:s12], [sflag:$0x1], $0x1, s10, s11, $0xb8;
	[tilespmem:$0x2D80] =	vst v63  }
0x48: {  	_ = 	snop  }
0x49: {  	[spmem:s2] =	stream.indirect.scatter.add.f32 [tilespmem:s12], [sflag:$0x1], $0x1, s13, s11, $0xb8;
	[tilespmem:$0x2D80] =	vst v63  }
0x4a: {  	_ = 	snop  }
0x4b: {  	[spmem:s2] =	stream.indirect.scatter.add.f32 [tilespmem:s12], [sflag:$0x1], $0x1, s14, s11, $0xb8;
	[tilespmem:$0x2D80] =	vst v63  }
0x4c: {  	_ = 	snop  }
0x4d: {  	[spmem:s2] =	stream.indirect.scatter.add.f32 [tilespmem:s12], [sflag:$0x1], $0x1, s15, s11, $0xb8;
	[tilespmem:$0x2D80] =	vst v63  }
0x4e: {  	_ =	swait.ge [sflag:s16], $0x80  }
0x4f: {  	[sflag:s16] =	ssyncset.done $0x0  }
0x50: {  	s20 =	simm.s32 $0xA00;
	s21 =	simm.s32 $0x480;
	[sflag:s16] =	ssyncadd.s32 $0xFFFFFF80  }
.LBB2_2:
0x51: {  	[spmem:s2] =	stream.indirect.scatter.add.f32 [tilespmem:s12], [sflag:$0x1], $0x1, s21, s11, $0xb8;
	[tilespmem:$0x2D80] =	vst v63  }
0x52: {  	s21 =	smov.u32 s20;
	p0 =	sne.s32 s20, $0x9E00  }
.Ltmp0:
0x53: {  	s20 =	sadd.s32 $0x200, s20;
	(pc) =	sbr.rel @p0 .LBB2_2-.Ltmp0, $4  }
0x54: {  	_ = 	snop  }
0x55: {  	_ =	swait.ge [sflag:s16], $0x80  }
0x56: {  	s21 =	sshra.s32 s21, $0x2;
	[sflag:s16] =	ssyncset.done $0x0  }
0x57: {  	s21 =	sadd.s32 $0x280, s21;
	[sflag:s16] =	ssyncadd.s32 $0xFFFFFF80  }
0x58: {  	[spmem:s2] =	stream.indirect.scatter.add.f32 [tilespmem:s12], [sflag:$0x1], $0x1, s21, s11, $0xb8;
	[tilespmem:$0x2D80] =	vst v63  }
0x59: {  	_ =	swait.ge [sflag:s16], $0x80  }
0x5a: {  	[sflag:s16] =	ssyncset.done $0x0  }
0x5b: {  	[sflag:s16] =	ssyncadd.s32 $0xFFFFFF80  }
0x5c: {  	_ =	swait.ge [sflag:s16], $0x80  }
0x5d: {  	[sflag:s16] =	ssyncset.done $0x0  }
0x5e: {  	[sflag:s16] =	ssyncadd.s32 $0xFFFFFF80  }
0x5f: {  	_ =	swait.ge [sflag:s16], $0x80  }
0x60: {  	[sflag:s16] =	ssyncset.done $0x0  }
0x61: {  	[sflag:s16] =	ssyncadd.s32 $0xFFFFFF80  }
0x62: {  	_ =	swait.ge [sflag:s16], $0x80  }
0x63: {  	s19 =	sadd.s32 $0x1, s19;
	[sflag:s16] =	ssyncset.done $0x0  }
0x64: {  	p0 =	sne.s32 s19, s7;
	[sflag:s16] =	ssyncadd.s32 $0xFFFFFF80  }
.Ltmp1:
0x65: {  	[bflag:$0x0] =	sbarrier.arrive $0xFFFF;
	(pc) =	sbr.rel @p0 .LBB2_1-.Ltmp1, $4  }
0x66: {  	[hbm:s6], [sflag:s17] =	dma.local [spmem:s18], $0x50  }
0x67: {  	_ =	swait.ge [sflag:s9], $0x50  }
0x68: {  	[sflag:s9] =	ssyncset.done $0x0  }
0x69: {  	[sflag:s9] =	ssyncadd.s32 $0xFFFFFFB0  }
0x6a: {  	_ =	sfence.sel $0x180000  }
0x6b: {  	[bflag:$0x0] =	sbarrier.arrive $0xFFFF  }
0x6c: {  	p0 =	sne.s32 s0, $0x0;
	_ =	strace $0x90000047  }
0x6d: {  	s0 =	sadd.s32 @!p0 $0x100000, s1;
	[bflag:$0x2] =	sbarrier.arrive $0xFFFF  }
0x6e: {  	[sflag:s0] =	ssyncadd.tile.s32 @!p0 $0x1;
	_ =	shalt  }
.Lfunc_end2:
_tile_overlayer_lowered:
.L_overlay_start_2:
0x6f: {  	(tag) =	ssettag $0x2  }
0x70: {  	s0 =	rddreg [dreg:$0x0];
	s2 =	stileid.u32  }
0x71: {  	s1 =	rddreg [dreg:$0x1];
	p0 =	sne.s32 s2, $0x0  }
0x72: {  	s3 =	rddreg [dreg:$0x2];
	[bflag:$0x3] =	sbarrier.arrive $0xFFFF;
	s2 =	simm.s32 @!p0 $0x1C02  }
0x73: {  	[timem:s3], [sflag:s2] =	dma.local @!p0 [hbm:s0], s1  }
0x74: {  	s0 =	simm.s32 @!p0 $0x2  }
0x75: {  	_ =	swait.ge @!p0 [sflag:s0], s1  }
0x76: {  	s1 =	ssub.s32 @!p0 $0x0, s1;
	[sflag:s0] =	ssyncset.done @!p0 $0x0  }
0x77: {  	[sflag:s0] =	ssyncadd.s32 @!p0 s1  }
0x78: {  	[bflag:$0x3] =	sbarrier.arrive $0xFFFF  }
0x79: {  	_ =	shalt  }

// kernel: kernel.14.cloned.1.call-start
scs
__scs_entry_jumppad:
0x0: {  	(pc) =	sbr.rel $0x88, $3  }
0x1: {  	(tag) =	ssettag $0x0;
	lr =	simm.s32 $0x1  }
0x2: {  	[smem:$0x3F92] =	sst lr;
	_ =	strace $0xD0000000  }
0x3: {  	_ = 	snop  }
0x4: {  	_ = 	snop  }
0x5: {  	_ = 	snop  }
0x6: {  	_ = 	snop  }
0x7: {  	_ = 	snop  }
__scs_overlays_trampoline_lowered:
0x8: {  	[smem:$0x3FA1] =	sst s0  }
0x9: {  	[smem:$0x3FA2] =	sst s1  }
0xa: {  	[smem:$0x3FA3] =	sst s2  }
0xb: {  	[smem:$0x3FA4] =	sst s3  }
0xc: {  	[smem:$0x3FA5] =	sst s4  }
0xd: {  	[smem:$0x3FA6] =	sst s5  }
0xe: {  	[smem:$0x3FA7] =	sst s6  }
0xf: {  	[smem:$0x3FA8] =	sst s7  }
0x10: {  	[smem:$0x3FA9] =	sst s8  }
0x11: {  	[smem:$0x3FAA] =	sst s9;
	s0 =	simm.s32 @!p0 $0x0  }
0x12: {  	s1 =	sld [smem:$0x3F90];
	s0 =	simm.s32 @p0 $0x1  }
0x13: {  	[smem:$0x3FAB] =	sst s0;
	s0 =	simm.s32 @!p1 $0x0  }
0x14: {  	s2 =	sld [smem:$0x3F8F];
	s0 =	simm.s32 @p1 $0x1  }
0x15: {  	[smem:$0x3FAC] =	sst s0;
	s0 =	simm.s32 @!p2 $0x0  }
0x16: {  	s3 =	sld [smem:$0x3FDB];
	s0 =	simm.s32 @p2 $0x1  }
0x17: {  	s4 =	simm.s32 $0x1BF5;
	[smem:$0x3FAE] =	sst s0  }
0x18: {  	s0 =	sld [smem:$0x3F91];
	_ =	swait.ge [sflag:s4], $0x0  }
0x19: {  	s7 =	sld [smem:$0x3F92]  }
0x1a: {  	s8 =	sadd.s32 $0xFFFFE003, lr  }
0x1b: {  	s9 =	sadd.s32 $0xFFFFFEF7, lr;
	s5 =	simm.s32 $0xFFFFFFFF;
	p2 =	slt.u32 s8, $0xFFFFF086  }
0x1c: {  	p1 =	slt.u32 s9, $0xF7A;
	s5 =	simm.s32 @!p2 $0x0  }
0x1d: {  	s5 =	simm.s32 @p1 $0x1;
	p0 =	seq.s32 s7, s2  }
0x1e: {  	s7 =	smul.u32 @!p0 $0xF7A, s2;
	p2 =	seq.s32 @!p0 s5, $0x0  }
0x1f: {  	s9 =	smul.u32 $0xF7A, s1;
	s8 =	simm.s32 @!p0 $0x1BF5;
	p2 =	por !p2, p0  }
0x20: {  	[sflag:s8] =	ssyncset.s32 @!p0 $0xFFFFF086;
	s6 =	sadd.s32 @!p0 s3, s7;
	s7 =	simm.s32 @!p0 $0x108  }
0x21: {  	s3 =	sadd.s32 s3, s9;
	s6 =	sadd.s32 @!p0 $0x88, s6;
	s7 =	simm.s32 @p2 $0x1082  }
0x22: {  	[simem:s7], [sflag:s8] =	dma.local @!p0 [hbm:s6], $0xF7A  }
0x23: {  	s9 =	sor.u32 $0xD0000000, s2;
	s6 =	simm.s32 $0x108;
	_ =	swait.ge @!p0 [sflag:s8], $0x0  }
0x24: {  	s3 =	sadd.s32 $0x88, s3;
	s6 =	simm.s32 @!p1 $0x1082;
	[sflag:s4] =	ssyncset.s32 $0xFFFFF086  }
0x25: {  	[simem:s6], [sflag:s4] =	dma.local [hbm:s3], $0xF7A  }
0x26: {  	[smem:$0x3F92] =	sst s1;
	(tag) =	ssettag s2;
	_ =	strace s9  }
0x27: {  	s1 =	sld [smem:$0x3FA2]  }
0x28: {  	s2 =	sld [smem:$0x3FA3]  }
0x29: {  	s4 =	sld [smem:$0x3FA5]  }
0x2a: {  	p0 =	seq.s32 s5, $0x0;
	s5 =	sld [smem:$0x3FA6]  }
0x2b: {  	s6 =	sld [smem:$0x3FA7]  }
0x2c: {  	s7 =	sld [smem:$0x3FA8]  }
0x2d: {  	s3 =	simm.s32 $0x108;
	s8 =	sld [smem:$0x3FA9]  }
0x2e: {  	s3 =	simm.s32 @!p0 $0x1082;
	s9 =	sld [smem:$0x3FAA]  }
0x2f: {  	lr =	sadd.s32 s0, s3;
	s0 =	sld [smem:$0x3FA1]  }
0x30: {  	s3 =	sld [smem:$0x3FA4]  }
0x31: {  	[smem:$0x3FAD] =	sst s10  }
0x32: {  	s10 =	sld [smem:$0x3FAB];
	_ =	sdelay $0x3  }
0x33: {  	p0 =	seq.s32 s10, $0x1;
	s10 =	sld [smem:$0x3FAD];
	_ =	sdelay $0x3  }
0x34: {  	[smem:$0x3FAD] =	sst s10  }
0x35: {  	s10 =	sld [smem:$0x3FAC];
	_ =	sdelay $0x3  }
0x36: {  	p1 =	seq.s32 s10, $0x1;
	s10 =	sld [smem:$0x3FAD];
	_ =	sdelay $0x3  }
0x37: {  	[smem:$0x3FAD] =	sst s10  }
0x38: {  	s10 =	sld [smem:$0x3FAE]  }
0x39: {  	_ = 	snop;
	(pc) =	sbr.ind lr, $3  }
0x3a: {  	_ = 	snop  }
0x3b: {  	_ = 	snop  }
0x3c: {  	p2 =	seq.s32 s10, $0x1;
	s10 =	sld [smem:$0x3FAD]  }
0x3d: {  	_ =	shalt  }
0x3e: {  	_ =	shalt  }
0x3f: {  	_ =	shalt  }
0x40: {  	_ =	shalt  }
0x41: {  	_ =	shalt  }
0x42: {  	_ =	shalt  }
0x43: {  	_ =	shalt  }
0x44: {  	_ =	shalt  }
0x45: {  	_ =	shalt  }
0x46: {  	_ =	shalt  }
0x47: {  	_ =	shalt  }
0x48: {  	_ =	shalt  }
0x49: {  	_ =	shalt  }
0x4a: {  	_ =	shalt  }
0x4b: {  	_ =	shalt  }
0x4c: {  	_ =	shalt  }
0x4d: {  	_ =	shalt  }
0x4e: {  	_ =	shalt  }
0x4f: {  	_ =	shalt  }
0x50: {  	_ =	shalt  }
0x51: {  	_ =	shalt  }
0x52: {  	_ =	shalt  }
0x53: {  	_ =	shalt  }
0x54: {  	_ =	shalt  }
0x55: {  	_ =	shalt  }
0x56: {  	_ =	shalt  }
0x57: {  	_ =	shalt  }
0x58: {  	_ =	shalt  }
0x59: {  	_ =	shalt  }
0x5a: {  	_ =	shalt  }
0x5b: {  	_ =	shalt  }
0x5c: {  	_ =	shalt  }
0x5d: {  	_ =	shalt  }
0x5e: {  	_ =	shalt  }
0x5f: {  	_ =	shalt  }
0x60: {  	_ =	shalt  }
0x61: {  	_ =	shalt  }
0x62: {  	_ =	shalt  }
0x63: {  	_ =	shalt  }
0x64: {  	_ =	shalt  }
0x65: {  	_ =	shalt  }
0x66: {  	_ =	shalt  }
0x67: {  	_ =	shalt  }
0x68: {  	_ =	shalt  }
0x69: {  	_ =	shalt  }
0x6a: {  	_ =	shalt  }
0x6b: {  	_ =	shalt  }
0x6c: {  	_ =	shalt  }
0x6d: {  	_ =	shalt  }
0x6e: {  	_ =	shalt  }
0x6f: {  	_ =	shalt  }
0x70: {  	_ =	shalt  }
0x71: {  	_ =	shalt  }
0x72: {  	_ =	shalt  }
0x73: {  	_ =	shalt  }
0x74: {  	_ =	shalt  }
0x75: {  	_ =	shalt  }
0x76: {  	_ =	shalt  }
0x77: {  	_ =	shalt  }
0x78: {  	_ =	shalt  }
0x79: {  	_ =	shalt  }
0x7a: {  	_ =	shalt  }
0x7b: {  	_ =	shalt  }
0x7c: {  	_ =	shalt  }
0x7d: {  	_ =	shalt  }
0x7e: {  	_ =	shalt  }
0x7f: {  	_ =	shalt  }
0x80: {  	_ =	shalt  }
0x81: {  	_ =	shalt  }
0x82: {  	_ =	shalt  }
0x83: {  	_ =	shalt  }
0x84: {  	_ =	shalt  }
0x85: {  	_ =	shalt  }
0x86: {  	_ =	shalt  }
0x87: {  	_ =	shalt  }
.Lfunc_end0:
.L_simem_size_0:
called_computation.1_lowered:
.L_overlay_start_0:
0x88: {  	s2 =	sld [smem:$0x3FD9]  }
0x89: {  	s3 =	sld [smem:$0x3FFE];
	_ =	sdelay $0x1  }
0x8a: {  	s1 =	srdreg.scid  }
0x8b: {  	s0 =	sand.u32 $0x1, s1  }
0x8c: {  	s16 =	sshll.u32 s0, $0xA;
	s2 =	sadd.s32 s3, s2  }
0x8d: {  	s2 =	sadd.s32 s2, s16  }
0x8e: {  	[smem:$0x3FB9] =	sst s2  }
0x8f: {  	_ = 	snop  }
0x90: {  	(tm) =	ssettm $0x1  }
0x91: {  	s17 =	sld [smem:$0x3FFB];
	_ =	sdelay $0x3  }
0x92: {  	_ =	strace s17  }
0x93: {  	s2 =	sld [smem:$0x3FFC];
	_ =	sdelay $0x3  }
0x94: {  	_ =	strace s2  }
0x95: {  	s2 =	sld [smem:$0x3FFD];
	_ =	sdelay $0x3  }
0x96: {  	_ =	strace s2  }
0x97: {  	_ =	strace $0x8FFFFFFF  }
0x98: {  	s18 =	sld [smem:$0x3FDB];
	_ =	sdelay $0x1  }
0x99: {  	s19 =	simm.s32 $_scs_section_size  }
0x9a: {  	s4 =	simm.s32 $_size__tile_overlayer_lowered;
	s5 =	simm.s32 $_tile_overlayer_lowered  }
0x9b: {  	s22 =	simm.s32 $0x1BFF;
	s21 =	sshll.u32 s5, $0x1;
	s2 =	sadd.s32 s19, s18  }
0x9c: {  	s6 =	simm.s32 $0x0;
	s20 =	sshll.u32 s4, $0x1;
	s4 =	sadd.s32 s21, s2  }
0x9d: {  	[timem:s6], [sflag:s22] =	dma.local [hbm:s4], s20  }
0x9e: {  	_ =	swait.ge [sflag:s22], s20  }
0x9f: {  	s3 =	ssub.s32 $0x0, s20;
	[sflag:s22] =	ssyncset.done $0x0  }
0xa0: {  	[sflag:s22] =	ssyncadd.s32 s3;
	_ =	sdelay $0x1  }
0xa1: {  	s23 =	simm.s32 $0x1B8B  }
0xa2: {  	_ =	swait.ge [sflag:s23], $0x1  }
0xa3: {  	[sflag:s23] =	ssyncset.done $0x0  }
0xa4: {  	s25 =	simm.s32 $0x1B8E;
	s24 =	sld [smem:$0x3FFE];
	[sflag:s23] =	ssyncadd.s32 $0xFFFFFFFF  }
0xa5: {  	s26 =	simm.s32 $execute0_lowered;
	[smem:$0x3FD2] =	sst s25  }
0xa6: {  	s4 =	sshll.u32 s26, $0x1;
	_ =	strace $0x80000049;
	[dreg:$0x1] =	wrdreg $0xFFFFFFFF  }
0xa7: {  	s28 =	simm.s32 $_size_execute0_lowered;
	s2 =	sadd.s32 s2, s4;
	[dreg:$0x0] =	wrdreg $0x0  }
0xa8: {  	s4 =	sshll.u32 s28, $0x1;
	[dreg:$0x2] =	wrdreg s2  }
0xa9: {  	[dreg:$0x3] =	wrdreg s4  }
0xaa: {  	[dreg:$0x4] =	wrdreg $0xC0  }
0xab: {  	_ =	task [dreg:s6], $0x5FFFF  }
0xac: {  	[dreg:$0x1] =	wrdreg $0xFFFFFFFF  }
0xad: {  	[dreg:$0x0] =	wrdreg $0x60  }
0xae: {  	[dreg:$0x2] =	wrdreg s24  }
0xaf: {  	[dreg:$0x3] =	wrdreg $0x0  }
0xb0: {  	[dreg:$0x4] =	wrdreg $0x9  }
0xb1: {  	_ =	task.clear_ibuf [dreg:s6], $0x5FFFF;
	_ =	strace $0x90000049  }
0xb2: {  	s29 =	simm.s32 $0x9;
	_ =	strace $0x8000004B  }
0xb3: {  	_ =	swait.ge [sflag:s29], $0x1  }
0xb4: {  	[sflag:s29] =	ssyncadd.s32 $0xFFFFFFFF  }
0xb5: {  	_ =	strace $0x9000004B  }
0xb6: {  	_ =	sfence  }
0xb7: {  	s30 =	sld [smem:$0x0];
	_ =	sdelay $0x2  }
0xb8: {  	s31 =	sshll.u32 s1, $0xD;
	s1 =	sshrl.u32 s1, $0x2  }
0xb9: {  	s3 =	sand.u32 $0x4000, s31;
	s1 =	sadd.s32 s1, s30  }
0xba: {  	s0 =	sor.u32 s3, s0;
	s1 =	sshll.u32 s1, $0x11  }
0xbb: {  	s0 =	sor.u32 s1, s0  }
0xbc: {  	s0 =	sadd.s32 $0x8F2B, s0  }
0xbd: {  	[sflag:s0] =	ssyncadd.remote.s32 $0x1  }
0xbe: {  	_ =	sfence.sel $0xFFFF  }
0xbf: {  	[dreg:$0x0] =	wrdreg $0xFFFFFFFF;
	(pc) =	sbr.abs _section_cstart, $3  }
0xc0: {  	[dreg:$0x1] =	wrdreg $0xFFFFFFFF  }
0xc1: {  	_ =	task.clear_ibuf [dreg:s6], $0x2FFFF;
	_ =	strace $0x9FFFFFFF  }
0xc2: {  	(tm) =	ssettm $0x7FFFFFFF  }
0xc3: {  	_ =	shalt  }
tec
execute0_lowered:
.L_overlay_start_1:
0x0: {  	(tag) =	ssettag $0x1  }
0x1: {  	s0 =	rddreg [dreg:$0x0]  }
0x2: {  	s1 =	rddreg [dreg:$0x1]  }
0x3: {  	s2 =	srdreg.scid;
	s3 =	simm.s32 $0x0;
	s11 =	stileid.u32  }
0x4: {  	s13 =	simm.s32 $0x5;
	s14 =	simm.s32 $0x14000;
	s15 =	simm.s32 $0x15000  }
0x5: {  	s16 =	simm.s32 $0x40;
	s17 =	simm.s32 $0x16000;
	s18 =	simm.s32 $0x14040  }
0x6: {  	s19 =	simm.s32 $0x18000;
	s20 =	simm.s32 $0x14080;
	s21 =	simm.s32 $0x1A000  }
0x7: {  	s22 =	simm.s32 $0x140C0;
	s28 =	simm.s32 $0x3;
	s29 =	simm.s32 $0x4  }
0x8: {  	s30 =	simm.s32 $0x15F00;
	s31 =	simm.s32 $0x15F80;
	s6 =	smul.u32 $0x14000, s11  }
0x9: {  	s2 =	sand.u32 $0x1, s2;
	[smem:$0x7FF] =	sst s3;
	s23 =	smul.u32 $0x50000, s11  }
0xa: {  	s5 =	sadd.s32 $0x4400, s0;
	s26 =	sshll.u32 s11, $0x6;
	s4 =	smul.u32 $0x28000, s2  }
0xb: {  	_ =	strace $0x8000004A;
	s7 =	smul.u32 $0x140000, s2;
	s2 =	ssub.s32 $0x2, s2  }
0xc: {  	s8 =	sshrl.u32 s6, $0x3;
	s10 =	sshrl.u32 s2, $0x1;
	s24 =	sshrl.u32 s23, $0x2  }
0xd: {  	s23 =	simm.s32 $0x1C000;
	s9 =	sadd.s32 s4, s0;
	s4 =	sadd.s32 $0xE400, s0  }
0xe: {  	s6 =	sadd.s32 s6, s7;
	s8 =	sadd.s32 s8, s0;
	s2 =	ssub.s32 s2, s10  }
0xf: {  	s7 =	sor.u32 $0x1C05, s26;
	s26 =	simm.s32 $0x2;
	s6 =	sshrl.u32 s6, $0x3  }
0x10: {  	s25 =	sadd.s32 $0xB8E00, s8;
	s8 =	smul.u32 $0x5000, s11;
	s9 =	sadd.s32 $0x68E00, s9  }
0x11: {  	s11 =	smax.u32 s2, $0x1;
	s0 =	sadd.s32 s6, s0;
	s6 =	sadd.s32 s24, s1  }
0x12: {  	[dreg:$0x3] =	wrdreg s25;
	s24 =	simm.s32 $0x1;
	s0 =	sadd.s32 $0xE0E00, s0  }
0x13: {  	s25 =	simm.s32 $0x80;
	s12 =	sshrl.u32 s6, $0x3;
	[dreg:$0x4] =	wrdreg s0  }
.LBB2_1:
0x14: {  	s0 =	rddreg [dreg:$0x3]  }
0x15: {  	[spmem:s12], [sflag:s7] =	dma.local [hbm:s0], $0x2800  }
0x16: {  	_ =	swait.ge [sflag:s13], $0x2800  }
0x17: {  	[sflag:s13] =	ssyncset.done $0x0  }
0x18: {  	[sflag:s13] =	ssyncadd.s32 $0xFFFFD800  }
0x19: {  	s0 =	simm.s32 $0x0;
	[bflag:$0x0] =	sbarrier.arrive $0xFFFF  }
.LBB2_2:
0x1a: {  	s2 =	sshll.u32 s0, $0xC  }
0x1b: {  	s2 =	sadd.s32 s8, s2  }
0x1c: {  	s2 =	sshrl.u32 s2, $0x3  }
0x1d: {  	s10 =	simm.s32 $0x0;
	s6 =	sadd.s32 s4, s2  }
0x1e: {  	[tilespmem:s14], [sflag:$0x5] =	stream.linear.gather [hbm4b:s6+s10], $0x1000, $0x38;
	[tilespmem:$0x1E000] =	vst v63  }
0x1f: {  	_ =	swait.ge [sflag:s13], $0x1000  }
0x20: {  	[sflag:s13] =	ssyncset.done $0x0  }
0x21: {  	s2 =	sadd.s32 s5, s2;
	[sflag:s13] =	ssyncadd.s32 $0xFFFFF000  }
0x22: {  	[tilespmem:s15], [sflag:$0x5] =	stream.linear.gather [hbm4b:s2+s10], $0x1000, $0x38;
	[tilespmem:$0x1E000] =	vst v63  }
0x23: {  	_ =	swait.ge [sflag:s13], $0x1000  }
0x24: {  	[sflag:s13] =	ssyncset.done $0x0  }
0x25: {  	[sflag:s13] =	ssyncadd.s32 $0xFFFFF000  }
0x26: {  	[tilespmem:s17], [sflag:$0x1] =	stream.indirect.gather [hbm4b:s9+s16], $0x80, s14, s16, $0xb8;
	[tilespmem:$0x1E000] =	vst v63  }
0x27: {  	_ = 	snop  }
0x28: {  	[tilespmem:s19], [sflag:$0x1] =	stream.indirect.gather [hbm4b:s9+s16], $0x80, s18, s16, $0xb8;
	[tilespmem:$0x1E000] =	vst v63  }
0x29: {  	_ = 	snop  }
0x2a: {  	[tilespmem:s21], [sflag:$0x2] =	stream.indirect.gather [hbm4b:s9+s16], $0x80, s20, s16, $0xb8;
	[tilespmem:$0x1E000] =	vst v63  }
0x2b: {  	_ = 	snop  }
0x2c: {  	[tilespmem:s23], [sflag:$0x2] =	stream.indirect.gather [hbm4b:s9+s16], $0x80, s22, s16, $0xb8;
	[tilespmem:$0x1E000] =	vst v63  }
0x2d: {  	_ =	swait.ge [sflag:s24], $0x4000  }
0x2e: {  	[sflag:s24] =	ssyncset.done $0x0  }
0x2f: {  	s10 =	simm.s32 $0x15000;
	[sflag:s24] =	ssyncadd.s32 $0xFFFFC000  }
0x30: {  	[spmem:s1] =	stream.indirect.scatter.add.f32 [tilespmem:s17], [sflag:$0x3], $0x80, s10, s25, $0xb8;
	[tilespmem:$0x1E000] =	vst v63  }
0x31: {  	_ =	swait.ge [sflag:s26], $0x4000  }
0x32: {  	[sflag:s26] =	ssyncset.done $0x0  }
0x33: {  	s6 =	simm.s32 $0x15080;
	[sflag:s26] =	ssyncadd.s32 $0xFFFFC000  }
0x34: {  	[spmem:s1] =	stream.indirect.scatter.add.f32 [tilespmem:s21], [sflag:$0x4], $0x80, s6, s25, $0xb8;
	[tilespmem:$0x1E000] =	vst v63  }
0x35: {  	_ =	swait.ge [sflag:s28], $0x4000  }
0x36: {  	[sflag:s28] =	ssyncset.done $0x0  }
0x37: {  	s10 =	simm.s32 $0x14100;
	[sflag:s28] =	ssyncadd.s32 $0xFFFFC000  }
0x38: {  	[tilespmem:s17], [sflag:$0x1] =	stream.indirect.gather [hbm4b:s9+s16], $0x80, s10, s16, $0xb8;
	[tilespmem:$0x1E000] =	vst v63  }
0x39: {  	s6 =	simm.s32 $0x14140  }
0x3a: {  	[tilespmem:s19], [sflag:$0x1] =	stream.indirect.gather [hbm4b:s9+s16], $0x80, s6, s16, $0xb8;
	[tilespmem:$0x1E000] =	vst v63  }
0x3b: {  	_ =	swait.ge [sflag:s29], $0x4000  }
0x3c: {  	s2 =	simm.s32 $0x400;
	[sflag:s29] =	ssyncset.done $0x0  }
0x3d: {  	s10 =	simm.s32 $0x14180;
	s6 =	simm.s32 $0x141C0;
	[sflag:s29] =	ssyncadd.s32 $0xFFFFC000  }
0x3e: {  	[tilespmem:s21], [sflag:$0x2] =	stream.indirect.gather [hbm4b:s9+s16], $0x80, s10, s16, $0xb8;
	[tilespmem:$0x1E000] =	vst v63  }
.LBB2_3:
0x3f: {  	[tilespmem:s23], [sflag:$0x2] =	stream.indirect.gather [hbm4b:s9+s16], $0x80, s6, s16, $0xb8;
	[tilespmem:$0x1E000] =	vst v63  }
0x40: {  	s6 =	smov.u32 s2  }
0x41: {  	p0 =	sne.s32 s2, $0x3800;
	s2 =	sadd.s32 $0x400, s2;
	_ =	swait.ge [sflag:s24], $0x4000  }
0x42: {  	s6 =	sshra.s32 s6, $0x2;
	[sflag:s24] =	ssyncset.done $0x0  }
0x43: {  	s10 =	sadd.s32 $0x15000, s6;
	[sflag:s24] =	ssyncadd.s32 $0xFFFFC000  }
0x44: {  	[spmem:s1] =	stream.indirect.scatter.add.f32 [tilespmem:s17], [sflag:$0x3], $0x80, s10, s25, $0xb8;
	[tilespmem:$0x1E000] =	vst v63  }
0x45: {  	_ =	swait.ge [sflag:s26], $0x4000  }
0x46: {  	[sflag:s26] =	ssyncset.done $0x0  }
0x47: {  	s10 =	sadd.s32 $0x15080, s6;
	[sflag:s26] =	ssyncadd.s32 $0xFFFFC000  }
0x48: {  	[spmem:s1] =	stream.indirect.scatter.add.f32 [tilespmem:s21], [sflag:$0x4], $0x80, s10, s25, $0xb8;
	[tilespmem:$0x1E000] =	vst v63  }
0x49: {  	_ =	swait.ge [sflag:s28], $0x4000  }
0x4a: {  	[sflag:s28] =	ssyncset.done $0x0  }
0x4b: {  	s10 =	sadd.s32 $0x14100, s6;
	[sflag:s28] =	ssyncadd.s32 $0xFFFFC000  }
0x4c: {  	[tilespmem:s17], [sflag:$0x1] =	stream.indirect.gather [hbm4b:s9+s16], $0x80, s10, s16, $0xb8;
	[tilespmem:$0x1E000] =	vst v63  }
0x4d: {  	s10 =	sadd.s32 $0x14140, s6  }
0x4e: {  	[tilespmem:s19], [sflag:$0x1] =	stream.indirect.gather [hbm4b:s9+s16], $0x80, s10, s16, $0xb8;
	[tilespmem:$0x1E000] =	vst v63  }
.Ltmp0:
0x4f: {  	_ =	swait.ge [sflag:s29], $0x4000;
	(pc) =	sbr.rel @p0 .LBB2_3-.Ltmp0, $4  }
0x50: {  	[sflag:s29] =	ssyncset.done $0x0  }
0x51: {  	s10 =	sadd.s32 $0x14180, s6;
	[sflag:s29] =	ssyncadd.s32 $0xFFFFC000  }
0x52: {  	[tilespmem:s21], [sflag:$0x2] =	stream.indirect.gather [hbm4b:s9+s16], $0x80, s10, s16, $0xb8;
	[tilespmem:$0x1E000] =	vst v63  }
0x53: {  	s6 =	sadd.s32 $0x141C0, s6  }
0x54: {  	[tilespmem:s23], [sflag:$0x2] =	stream.indirect.gather [hbm4b:s9+s16], $0x80, s6, s16, $0xb8;
	[tilespmem:$0x1E000] =	vst v63  }
0x55: {  	_ =	swait.ge [sflag:s24], $0x4000  }
0x56: {  	[sflag:s24] =	ssyncset.done $0x0  }
0x57: {  	[sflag:s24] =	ssyncadd.s32 $0xFFFFC000  }
0x58: {  	[spmem:s1] =	stream.indirect.scatter.add.f32 [tilespmem:s17], [sflag:$0x5], $0x80, s30, s25, $0xb8;
	[tilespmem:$0x1E000] =	vst v63  }
0x59: {  	_ =	swait.ge [sflag:s13], $0x4000  }
0x5a: {  	[sflag:s13] =	ssyncset.done $0x0  }
0x5b: {  	[sflag:s13] =	ssyncadd.s32 $0xFFFFC000  }
0x5c: {  	s0 =	sadd.s32 $0x1, s0;
	_ =	swait.ge [sflag:s26], $0x4000  }
0x5d: {  	p0 =	sne.s32 s0, $0x5;
	[sflag:s26] =	ssyncset.done $0x0  }
.Ltmp1:
0x5e: {  	[sflag:s26] =	ssyncadd.s32 $0xFFFFC000;
	(pc) =	sbr.rel @p0 .LBB2_2-.Ltmp1, $4  }
0x5f: {  	[spmem:s1] =	stream.indirect.scatter.add.f32 [tilespmem:s21], [sflag:$0x5], $0x80, s31, s25, $0xb8;
	[tilespmem:$0x1E000] =	vst v63  }
0x60: {  	_ =	swait.ge [sflag:s13], $0x4000  }
0x61: {  	[sflag:s13] =	ssyncset.done $0x0  }
0x62: {  	[sflag:s13] =	ssyncadd.s32 $0xFFFFC000  }
0x63: {  	s3 =	sadd.s32 $0x1, s3  }
0x64: {  	[bflag:$0x0] =	sbarrier.arrive $0xFFFF;
	p0 =	sne.s32 s3, s11  }
.Ltmp2:
0x65: {  	s0 =	rddreg [dreg:$0x4];
	(pc) =	sbr.rel @p0 .LBB2_1-.Ltmp2, $4  }
0x66: {  	[hbm:s0], [sflag:s7] =	dma.local [spmem:s12], $0x2800  }
0x67: {  	_ =	swait.ge [sflag:s13], $0x2800  }
0x68: {  	[sflag:s13] =	ssyncset.done $0x0  }
0x69: {  	[sflag:s13] =	ssyncadd.s32 $0xFFFFD800  }
0x6a: {  	_ =	sfence.sel $0x180000  }
0x6b: {  	[bflag:$0x0] =	sbarrier.arrive $0xFFFF  }
0x6c: {  	_ =	strace $0x9000004A  }
0x6d: {  	s0 =	stileid.u32;
	[bflag:$0x2] =	sbarrier.arrive $0xFFFF  }
0x6e: {  	p0 =	sne.s32 s0, $0x0;
	s0 =	rddreg [dreg:$0x2]  }
0x6f: {  	s0 =	sadd.s32 @!p0 $0x100000, s0  }
0x70: {  	[sflag:s0] =	ssyncadd.tile.s32 @!p0 $0x1;
	_ =	shalt  }
.Lfunc_end2:
_tile_overlayer_lowered:
.L_overlay_start_2:
0x71: {  	(tag) =	ssettag $0x2  }
0x72: {  	s0 =	rddreg [dreg:$0x0];
	s2 =	stileid.u32  }
0x73: {  	s1 =	rddreg [dreg:$0x1];
	p0 =	sne.s32 s2, $0x0  }
0x74: {  	s3 =	rddreg [dreg:$0x2];
	[bflag:$0x3] =	sbarrier.arrive $0xFFFF;
	s2 =	simm.s32 @!p0 $0x1C05  }
0x75: {  	[timem:s3], [sflag:s2] =	dma.local @!p0 [hbm:s0], s1  }
0x76: {  	s0 =	simm.s32 @!p0 $0x5  }
0x77: {  	_ =	swait.ge @!p0 [sflag:s0], s1  }
0x78: {  	s1 =	ssub.s32 @!p0 $0x0, s1;
	[sflag:s0] =	ssyncset.done @!p0 $0x0  }
0x79: {  	[sflag:s0] =	ssyncadd.s32 @!p0 s1  }
0x7a: {  	[bflag:$0x3] =	sbarrier.arrive $0xFFFF  }
0x7b: {  	_ =	shalt  }

// kernel: kernel.17.cloned.1.call-start
scs
__scs_entry_jumppad:
0x0: {  	(pc) =	sbr.rel $0x88, $3  }
0x1: {  	(tag) =	ssettag $0x0;
	lr =	simm.s32 $0x1  }
0x2: {  	[smem:$0x3F92] =	sst lr;
	_ =	strace $0xD0000000  }
0x3: {  	_ = 	snop  }
0x4: {  	_ = 	snop  }
0x5: {  	_ = 	snop  }
0x6: {  	_ = 	snop  }
0x7: {  	_ = 	snop  }
__scs_overlays_trampoline_lowered:
0x8: {  	[smem:$0x3FA1] =	sst s0  }
0x9: {  	[smem:$0x3FA2] =	sst s1  }
0xa: {  	[smem:$0x3FA3] =	sst s2  }
0xb: {  	[smem:$0x3FA4] =	sst s3  }
0xc: {  	[smem:$0x3FA5] =	sst s4  }
0xd: {  	[smem:$0x3FA6] =	sst s5  }
0xe: {  	[smem:$0x3FA7] =	sst s6  }
0xf: {  	[smem:$0x3FA8] =	sst s7  }
0x10: {  	[smem:$0x3FA9] =	sst s8  }
0x11: {  	[smem:$0x3FAA] =	sst s9;
	s0 =	simm.s32 @!p0 $0x0  }
0x12: {  	s1 =	sld [smem:$0x3F90];
	s0 =	simm.s32 @p0 $0x1  }
0x13: {  	[smem:$0x3FAB] =	sst s0;
	s0 =	simm.s32 @!p1 $0x0  }
0x14: {  	s2 =	sld [smem:$0x3F8F];
	s0 =	simm.s32 @p1 $0x1  }
0x15: {  	[smem:$0x3FAC] =	sst s0;
	s0 =	simm.s32 @!p2 $0x0  }
0x16: {  	s3 =	sld [smem:$0x3FDB];
	s0 =	simm.s32 @p2 $0x1  }
0x17: {  	s4 =	simm.s32 $0x1BF5;
	[smem:$0x3FAE] =	sst s0  }
0x18: {  	s0 =	sld [smem:$0x3F91];
	_ =	swait.ge [sflag:s4], $0x0  }
0x19: {  	s7 =	sld [smem:$0x3F92]  }
0x1a: {  	s8 =	sadd.s32 $0xFFFFE003, lr  }
0x1b: {  	s9 =	sadd.s32 $0xFFFFFEF7, lr;
	s5 =	simm.s32 $0xFFFFFFFF;
	p2 =	slt.u32 s8, $0xFFFFF086  }
0x1c: {  	p1 =	slt.u32 s9, $0xF7A;
	s5 =	simm.s32 @!p2 $0x0  }
0x1d: {  	s5 =	simm.s32 @p1 $0x1;
	p0 =	seq.s32 s7, s2  }
0x1e: {  	s7 =	smul.u32 @!p0 $0xF7A, s2;
	p2 =	seq.s32 @!p0 s5, $0x0  }
0x1f: {  	s9 =	smul.u32 $0xF7A, s1;
	s8 =	simm.s32 @!p0 $0x1BF5;
	p2 =	por !p2, p0  }
0x20: {  	[sflag:s8] =	ssyncset.s32 @!p0 $0xFFFFF086;
	s6 =	sadd.s32 @!p0 s3, s7;
	s7 =	simm.s32 @!p0 $0x108  }
0x21: {  	s3 =	sadd.s32 s3, s9;
	s6 =	sadd.s32 @!p0 $0x88, s6;
	s7 =	simm.s32 @p2 $0x1082  }
0x22: {  	[simem:s7], [sflag:s8] =	dma.local @!p0 [hbm:s6], $0xF7A  }
0x23: {  	s9 =	sor.u32 $0xD0000000, s2;
	s6 =	simm.s32 $0x108;
	_ =	swait.ge @!p0 [sflag:s8], $0x0  }
0x24: {  	s3 =	sadd.s32 $0x88, s3;
	s6 =	simm.s32 @!p1 $0x1082;
	[sflag:s4] =	ssyncset.s32 $0xFFFFF086  }
0x25: {  	[simem:s6], [sflag:s4] =	dma.local [hbm:s3], $0xF7A  }
0x26: {  	[smem:$0x3F92] =	sst s1;
	(tag) =	ssettag s2;
	_ =	strace s9  }
0x27: {  	s1 =	sld [smem:$0x3FA2]  }
0x28: {  	s2 =	sld [smem:$0x3FA3]  }
0x29: {  	s4 =	sld [smem:$0x3FA5]  }
0x2a: {  	p0 =	seq.s32 s5, $0x0;
	s5 =	sld [smem:$0x3FA6]  }
0x2b: {  	s6 =	sld [smem:$0x3FA7]  }
0x2c: {  	s7 =	sld [smem:$0x3FA8]  }
0x2d: {  	s3 =	simm.s32 $0x108;
	s8 =	sld [smem:$0x3FA9]  }
0x2e: {  	s3 =	simm.s32 @!p0 $0x1082;
	s9 =	sld [smem:$0x3FAA]  }
0x2f: {  	lr =	sadd.s32 s0, s3;
	s0 =	sld [smem:$0x3FA1]  }
0x30: {  	s3 =	sld [smem:$0x3FA4]  }
0x31: {  	[smem:$0x3FAD] =	sst s10  }
0x32: {  	s10 =	sld [smem:$0x3FAB];
	_ =	sdelay $0x3  }
0x33: {  	p0 =	seq.s32 s10, $0x1;
	s10 =	sld [smem:$0x3FAD];
	_ =	sdelay $0x3  }
0x34: {  	[smem:$0x3FAD] =	sst s10  }
0x35: {  	s10 =	sld [smem:$0x3FAC];
	_ =	sdelay $0x3  }
0x36: {  	p1 =	seq.s32 s10, $0x1;
	s10 =	sld [smem:$0x3FAD];
	_ =	sdelay $0x3  }
0x37: {  	[smem:$0x3FAD] =	sst s10  }
0x38: {  	s10 =	sld [smem:$0x3FAE]  }
0x39: {  	_ = 	snop;
	(pc) =	sbr.ind lr, $3  }
0x3a: {  	_ = 	snop  }
0x3b: {  	_ = 	snop  }
0x3c: {  	p2 =	seq.s32 s10, $0x1;
	s10 =	sld [smem:$0x3FAD]  }
0x3d: {  	_ =	shalt  }
0x3e: {  	_ =	shalt  }
0x3f: {  	_ =	shalt  }
0x40: {  	_ =	shalt  }
0x41: {  	_ =	shalt  }
0x42: {  	_ =	shalt  }
0x43: {  	_ =	shalt  }
0x44: {  	_ =	shalt  }
0x45: {  	_ =	shalt  }
0x46: {  	_ =	shalt  }
0x47: {  	_ =	shalt  }
0x48: {  	_ =	shalt  }
0x49: {  	_ =	shalt  }
0x4a: {  	_ =	shalt  }
0x4b: {  	_ =	shalt  }
0x4c: {  	_ =	shalt  }
0x4d: {  	_ =	shalt  }
0x4e: {  	_ =	shalt  }
0x4f: {  	_ =	shalt  }
0x50: {  	_ =	shalt  }
0x51: {  	_ =	shalt  }
0x52: {  	_ =	shalt  }
0x53: {  	_ =	shalt  }
0x54: {  	_ =	shalt  }
0x55: {  	_ =	shalt  }
0x56: {  	_ =	shalt  }
0x57: {  	_ =	shalt  }
0x58: {  	_ =	shalt  }
0x59: {  	_ =	shalt  }
0x5a: {  	_ =	shalt  }
0x5b: {  	_ =	shalt  }
0x5c: {  	_ =	shalt  }
0x5d: {  	_ =	shalt  }
0x5e: {  	_ =	shalt  }
0x5f: {  	_ =	shalt  }
0x60: {  	_ =	shalt  }
0x61: {  	_ =	shalt  }
0x62: {  	_ =	shalt  }
0x63: {  	_ =	shalt  }
0x64: {  	_ =	shalt  }
0x65: {  	_ =	shalt  }
0x66: {  	_ =	shalt  }
0x67: {  	_ =	shalt  }
0x68: {  	_ =	shalt  }
0x69: {  	_ =	shalt  }
0x6a: {  	_ =	shalt  }
0x6b: {  	_ =	shalt  }
0x6c: {  	_ =	shalt  }
0x6d: {  	_ =	shalt  }
0x6e: {  	_ =	shalt  }
0x6f: {  	_ =	shalt  }
0x70: {  	_ =	shalt  }
0x71: {  	_ =	shalt  }
0x72: {  	_ =	shalt  }
0x73: {  	_ =	shalt  }
0x74: {  	_ =	shalt  }
0x75: {  	_ =	shalt  }
0x76: {  	_ =	shalt  }
0x77: {  	_ =	shalt  }
0x78: {  	_ =	shalt  }
0x79: {  	_ =	shalt  }
0x7a: {  	_ =	shalt  }
0x7b: {  	_ =	shalt  }
0x7c: {  	_ =	shalt  }
0x7d: {  	_ =	shalt  }
0x7e: {  	_ =	shalt  }
0x7f: {  	_ =	shalt  }
0x80: {  	_ =	shalt  }
0x81: {  	_ =	shalt  }
0x82: {  	_ =	shalt  }
0x83: {  	_ =	shalt  }
0x84: {  	_ =	shalt  }
0x85: {  	_ =	shalt  }
0x86: {  	_ =	shalt  }
0x87: {  	_ =	shalt  }
.Lfunc_end0:
.L_simem_size_0:
called_computation.2_lowered:
.L_overlay_start_0:
0x88: {  	s2 =	sld [smem:$0x3FD9]  }
0x89: {  	s3 =	sld [smem:$0x3FFE];
	_ =	sdelay $0x1  }
0x8a: {  	s1 =	srdreg.scid  }
0x8b: {  	s0 =	sand.u32 $0x1, s1  }
0x8c: {  	s16 =	sshll.u32 s0, $0xA;
	s2 =	sadd.s32 s3, s2  }
0x8d: {  	s2 =	sadd.s32 s2, s16  }
0x8e: {  	[smem:$0x3FB9] =	sst s2  }
0x8f: {  	_ = 	snop  }
0x90: {  	(tm) =	ssettm $0x1  }
0x91: {  	s17 =	sld [smem:$0x3FFB];
	_ =	sdelay $0x3  }
0x92: {  	_ =	strace s17  }
0x93: {  	s2 =	sld [smem:$0x3FFC];
	_ =	sdelay $0x3  }
0x94: {  	_ =	strace s2  }
0x95: {  	s2 =	sld [smem:$0x3FFD];
	_ =	sdelay $0x3  }
0x96: {  	_ =	strace s2  }
0x97: {  	_ =	strace $0x8FFFFFFF  }
0x98: {  	s18 =	sld [smem:$0x3FDB];
	_ =	sdelay $0x1  }
0x99: {  	s19 =	simm.s32 $_scs_section_size  }
0x9a: {  	s4 =	simm.s32 $_size__tile_overlayer_lowered;
	s5 =	simm.s32 $_tile_overlayer_lowered  }
0x9b: {  	s22 =	simm.s32 $0x1BFF;
	s21 =	sshll.u32 s5, $0x1;
	s2 =	sadd.s32 s19, s18  }
0x9c: {  	s6 =	simm.s32 $0x0;
	s20 =	sshll.u32 s4, $0x1;
	s4 =	sadd.s32 s21, s2  }
0x9d: {  	[timem:s6], [sflag:s22] =	dma.local [hbm:s4], s20  }
0x9e: {  	_ =	swait.ge [sflag:s22], s20  }
0x9f: {  	s3 =	ssub.s32 $0x0, s20;
	[sflag:s22] =	ssyncset.done $0x0  }
0xa0: {  	[sflag:s22] =	ssyncadd.s32 s3;
	_ =	sdelay $0x1  }
0xa1: {  	s23 =	simm.s32 $0x1B8B  }
0xa2: {  	_ =	swait.ge [sflag:s23], $0x1  }
0xa3: {  	[sflag:s23] =	ssyncset.done $0x0  }
0xa4: {  	s25 =	simm.s32 $0x1B8E;
	s24 =	sld [smem:$0x3FFE];
	[sflag:s23] =	ssyncadd.s32 $0xFFFFFFFF  }
0xa5: {  	s26 =	simm.s32 $execute0_lowered;
	[smem:$0x3FD2] =	sst s25  }
0xa6: {  	s4 =	sshll.u32 s26, $0x1;
	_ =	strace $0x8000004C;
	[dreg:$0x1] =	wrdreg $0xFFFFFFFF  }
0xa7: {  	s28 =	simm.s32 $_size_execute0_lowered;
	s2 =	sadd.s32 s2, s4;
	[dreg:$0x0] =	wrdreg $0x0  }
0xa8: {  	s4 =	sshll.u32 s28, $0x1;
	[dreg:$0x2] =	wrdreg s2  }
0xa9: {  	[dreg:$0x3] =	wrdreg s4  }
0xaa: {  	[dreg:$0x4] =	wrdreg $0xC0  }
0xab: {  	_ =	task [dreg:s6], $0x5FFFF  }
0xac: {  	[dreg:$0x1] =	wrdreg $0xFFFFFFFF  }
0xad: {  	[dreg:$0x0] =	wrdreg $0x60  }
0xae: {  	[dreg:$0x2] =	wrdreg s24  }
0xaf: {  	[dreg:$0x3] =	wrdreg $0x0  }
0xb0: {  	[dreg:$0x4] =	wrdreg $0x9  }
0xb1: {  	_ =	task.clear_ibuf [dreg:s6], $0x5FFFF;
	_ =	strace $0x9000004C  }
0xb2: {  	s29 =	simm.s32 $0x9;
	_ =	strace $0x8000004E  }
0xb3: {  	_ =	swait.ge [sflag:s29], $0x1  }
0xb4: {  	[sflag:s29] =	ssyncadd.s32 $0xFFFFFFFF  }
0xb5: {  	_ =	strace $0x9000004E  }
0xb6: {  	_ =	sfence  }
0xb7: {  	s30 =	sld [smem:$0x0];
	_ =	sdelay $0x2  }
0xb8: {  	s31 =	sshll.u32 s1, $0xD;
	s1 =	sshrl.u32 s1, $0x2  }
0xb9: {  	s3 =	sand.u32 $0x4000, s31;
	s1 =	sadd.s32 s1, s30  }
0xba: {  	s0 =	sor.u32 s3, s0;
	s1 =	sshll.u32 s1, $0x11  }
0xbb: {  	s0 =	sor.u32 s1, s0  }
0xbc: {  	s0 =	sadd.s32 $0x8F2B, s0  }
0xbd: {  	[sflag:s0] =	ssyncadd.remote.s32 $0x1  }
0xbe: {  	_ =	sfence.sel $0xFFFF  }
0xbf: {  	[dreg:$0x0] =	wrdreg $0xFFFFFFFF;
	(pc) =	sbr.abs _section_cstart, $3  }
0xc0: {  	[dreg:$0x1] =	wrdreg $0xFFFFFFFF  }
0xc1: {  	_ =	task.clear_ibuf [dreg:s6], $0x2FFFF;
	_ =	strace $0x9FFFFFFF  }
0xc2: {  	(tm) =	ssettm $0x7FFFFFFF  }
0xc3: {  	_ =	shalt  }
tec
execute0_lowered:
.L_overlay_start_1:
0x0: {  	(tag) =	ssettag $0x1  }
0x1: {  	s0 =	rddreg [dreg:$0x0]  }
0x2: {  	s1 =	rddreg [dreg:$0x1]  }
0x3: {  	s2 =	srdreg.scid;
	s3 =	simm.s32 $0x0;
	s11 =	stileid.u32  }
0x4: {  	s13 =	simm.s32 $0x5;
	s14 =	simm.s32 $0x14000;
	s15 =	simm.s32 $0x15000  }
0x5: {  	s16 =	simm.s32 $0x40;
	s17 =	simm.s32 $0x16000;
	s18 =	simm.s32 $0x14040  }
0x6: {  	s19 =	simm.s32 $0x18000;
	s20 =	simm.s32 $0x14080;
	s21 =	simm.s32 $0x1A000  }
0x7: {  	s22 =	simm.s32 $0x140C0;
	s28 =	simm.s32 $0x3;
	s29 =	simm.s32 $0x4  }
0x8: {  	s30 =	simm.s32 $0x15F00;
	s31 =	simm.s32 $0x15F80;
	s6 =	smul.u32 $0x14000, s11  }
0x9: {  	s2 =	sand.u32 $0x1, s2;
	[smem:$0x7FF] =	sst s3;
	s23 =	smul.u32 $0x50000, s11  }
0xa: {  	s5 =	sadd.s32 $0x4400, s0;
	s26 =	sshll.u32 s11, $0x6;
	s4 =	smul.u32 $0x28000, s2  }
0xb: {  	_ =	strace $0x8000004D;
	s7 =	smul.u32 $0x140000, s2;
	s2 =	ssub.s32 $0x2, s2  }
0xc: {  	s8 =	sshrl.u32 s6, $0x3;
	s10 =	sshrl.u32 s2, $0x1;
	s24 =	sshrl.u32 s23, $0x2  }
0xd: {  	s23 =	simm.s32 $0x1C000;
	s9 =	sadd.s32 s4, s0;
	s4 =	sadd.s32 $0xE400, s0  }
0xe: {  	s6 =	sadd.s32 s6, s7;
	s8 =	sadd.s32 s8, s0;
	s2 =	ssub.s32 s2, s10  }
0xf: {  	s7 =	sor.u32 $0x1C05, s26;
	s26 =	simm.s32 $0x2;
	s6 =	sshrl.u32 s6, $0x3  }
0x10: {  	s25 =	sadd.s32 $0xB8E00, s8;
	s8 =	smul.u32 $0x5000, s11;
	s9 =	sadd.s32 $0x18400, s9  }
0x11: {  	s11 =	smax.u32 s2, $0x1;
	s0 =	sadd.s32 s6, s0;
	s6 =	sadd.s32 s24, s1  }
0x12: {  	[dreg:$0x3] =	wrdreg s25;
	s24 =	simm.s32 $0x1;
	s0 =	sadd.s32 $0xE0E00, s0  }
0x13: {  	s25 =	simm.s32 $0x80;
	s12 =	sshrl.u32 s6, $0x3;
	[dreg:$0x4] =	wrdreg s0  }
.LBB2_1:
0x14: {  	s0 =	rddreg [dreg:$0x3]  }
0x15: {  	[spmem:s12], [sflag:s7] =	dma.local [hbm:s0], $0x2800  }
0x16: {  	_ =	swait.ge [sflag:s13], $0x2800  }
0x17: {  	[sflag:s13] =	ssyncset.done $0x0  }
0x18: {  	[sflag:s13] =	ssyncadd.s32 $0xFFFFD800  }
0x19: {  	s0 =	simm.s32 $0x0;
	[bflag:$0x0] =	sbarrier.arrive $0xFFFF  }
.LBB2_2:
0x1a: {  	s2 =	sshll.u32 s0, $0xC  }
0x1b: {  	s2 =	sadd.s32 s8, s2  }
0x1c: {  	s2 =	sshrl.u32 s2, $0x3  }
0x1d: {  	s10 =	simm.s32 $0x0;
	s6 =	sadd.s32 s4, s2  }
0x1e: {  	[tilespmem:s14], [sflag:$0x5] =	stream.linear.gather [hbm4b:s6+s10], $0x1000, $0x38;
	[tilespmem:$0x1E000] =	vst v63  }
0x1f: {  	_ =	swait.ge [sflag:s13], $0x1000  }
0x20: {  	[sflag:s13] =	ssyncset.done $0x0  }
0x21: {  	s2 =	sadd.s32 s5, s2;
	[sflag:s13] =	ssyncadd.s32 $0xFFFFF000  }
0x22: {  	[tilespmem:s15], [sflag:$0x5] =	stream.linear.gather [hbm4b:s2+s10], $0x1000, $0x38;
	[tilespmem:$0x1E000] =	vst v63  }
0x23: {  	_ =	swait.ge [sflag:s13], $0x1000  }
0x24: {  	[sflag:s13] =	ssyncset.done $0x0  }
0x25: {  	[sflag:s13] =	ssyncadd.s32 $0xFFFFF000  }
0x26: {  	[tilespmem:s17], [sflag:$0x1] =	stream.indirect.gather [hbm4b:s9+s16], $0x80, s14, s16, $0xb8;
	[tilespmem:$0x1E000] =	vst v63  }
0x27: {  	_ = 	snop  }
0x28: {  	[tilespmem:s19], [sflag:$0x1] =	stream.indirect.gather [hbm4b:s9+s16], $0x80, s18, s16, $0xb8;
	[tilespmem:$0x1E000] =	vst v63  }
0x29: {  	_ = 	snop  }
0x2a: {  	[tilespmem:s21], [sflag:$0x2] =	stream.indirect.gather [hbm4b:s9+s16], $0x80, s20, s16, $0xb8;
	[tilespmem:$0x1E000] =	vst v63  }
0x2b: {  	_ = 	snop  }
0x2c: {  	[tilespmem:s23], [sflag:$0x2] =	stream.indirect.gather [hbm4b:s9+s16], $0x80, s22, s16, $0xb8;
	[tilespmem:$0x1E000] =	vst v63  }
0x2d: {  	_ =	swait.ge [sflag:s24], $0x4000  }
0x2e: {  	[sflag:s24] =	ssyncset.done $0x0  }
0x2f: {  	s10 =	simm.s32 $0x15000;
	[sflag:s24] =	ssyncadd.s32 $0xFFFFC000  }
0x30: {  	[spmem:s1] =	stream.indirect.scatter.add.f32 [tilespmem:s17], [sflag:$0x3], $0x80, s10, s25, $0xb8;
	[tilespmem:$0x1E000] =	vst v63  }
0x31: {  	_ =	swait.ge [sflag:s26], $0x4000  }
0x32: {  	[sflag:s26] =	ssyncset.done $0x0  }
0x33: {  	s6 =	simm.s32 $0x15080;
	[sflag:s26] =	ssyncadd.s32 $0xFFFFC000  }
0x34: {  	[spmem:s1] =	stream.indirect.scatter.add.f32 [tilespmem:s21], [sflag:$0x4], $0x80, s6, s25, $0xb8;
	[tilespmem:$0x1E000] =	vst v63  }
0x35: {  	_ =	swait.ge [sflag:s28], $0x4000  }
0x36: {  	[sflag:s28] =	ssyncset.done $0x0  }
0x37: {  	s10 =	simm.s32 $0x14100;
	[sflag:s28] =	ssyncadd.s32 $0xFFFFC000  }
0x38: {  	[tilespmem:s17], [sflag:$0x1] =	stream.indirect.gather [hbm4b:s9+s16], $0x80, s10, s16, $0xb8;
	[tilespmem:$0x1E000] =	vst v63  }
0x39: {  	s6 =	simm.s32 $0x14140  }
0x3a: {  	[tilespmem:s19], [sflag:$0x1] =	stream.indirect.gather [hbm4b:s9+s16], $0x80, s6, s16, $0xb8;
	[tilespmem:$0x1E000] =	vst v63  }
0x3b: {  	_ =	swait.ge [sflag:s29], $0x4000  }
0x3c: {  	s2 =	simm.s32 $0x400;
	[sflag:s29] =	ssyncset.done $0x0  }
0x3d: {  	s10 =	simm.s32 $0x14180;
	s6 =	simm.s32 $0x141C0;
	[sflag:s29] =	ssyncadd.s32 $0xFFFFC000  }
0x3e: {  	[tilespmem:s21], [sflag:$0x2] =	stream.indirect.gather [hbm4b:s9+s16], $0x80, s10, s16, $0xb8;
	[tilespmem:$0x1E000] =	vst v63  }
.LBB2_3:
0x3f: {  	[tilespmem:s23], [sflag:$0x2] =	stream.indirect.gather [hbm4b:s9+s16], $0x80, s6, s16, $0xb8;
	[tilespmem:$0x1E000] =	vst v63  }
0x40: {  	s6 =	smov.u32 s2  }
0x41: {  	p0 =	sne.s32 s2, $0x3800;
	s2 =	sadd.s32 $0x400, s2;
	_ =	swait.ge [sflag:s24], $0x4000  }
0x42: {  	s6 =	sshra.s32 s6, $0x2;
	[sflag:s24] =	ssyncset.done $0x0  }
0x43: {  	s10 =	sadd.s32 $0x15000, s6;
	[sflag:s24] =	ssyncadd.s32 $0xFFFFC000  }
0x44: {  	[spmem:s1] =	stream.indirect.scatter.add.f32 [tilespmem:s17], [sflag:$0x3], $0x80, s10, s25, $0xb8;
	[tilespmem:$0x1E000] =	vst v63  }
0x45: {  	_ =	swait.ge [sflag:s26], $0x4000  }
0x46: {  	[sflag:s26] =	ssyncset.done $0x0  }
0x47: {  	s10 =	sadd.s32 $0x15080, s6;
	[sflag:s26] =	ssyncadd.s32 $0xFFFFC000  }
0x48: {  	[spmem:s1] =	stream.indirect.scatter.add.f32 [tilespmem:s21], [sflag:$0x4], $0x80, s10, s25, $0xb8;
	[tilespmem:$0x1E000] =	vst v63  }
0x49: {  	_ =	swait.ge [sflag:s28], $0x4000  }
0x4a: {  	[sflag:s28] =	ssyncset.done $0x0  }
0x4b: {  	s10 =	sadd.s32 $0x14100, s6;
	[sflag:s28] =	ssyncadd.s32 $0xFFFFC000  }
0x4c: {  	[tilespmem:s17], [sflag:$0x1] =	stream.indirect.gather [hbm4b:s9+s16], $0x80, s10, s16, $0xb8;
	[tilespmem:$0x1E000] =	vst v63  }
0x4d: {  	s10 =	sadd.s32 $0x14140, s6  }
0x4e: {  	[tilespmem:s19], [sflag:$0x1] =	stream.indirect.gather [hbm4b:s9+s16], $0x80, s10, s16, $0xb8;
	[tilespmem:$0x1E000] =	vst v63  }
.Ltmp0:
0x4f: {  	_ =	swait.ge [sflag:s29], $0x4000;
	(pc) =	sbr.rel @p0 .LBB2_3-.Ltmp0, $4  }
0x50: {  	[sflag:s29] =	ssyncset.done $0x0  }
0x51: {  	s10 =	sadd.s32 $0x14180, s6;
	[sflag:s29] =	ssyncadd.s32 $0xFFFFC000  }
0x52: {  	[tilespmem:s21], [sflag:$0x2] =	stream.indirect.gather [hbm4b:s9+s16], $0x80, s10, s16, $0xb8;
	[tilespmem:$0x1E000] =	vst v63  }
0x53: {  	s6 =	sadd.s32 $0x141C0, s6  }
0x54: {  	[tilespmem:s23], [sflag:$0x2] =	stream.indirect.gather [hbm4b:s9+s16], $0x80, s6, s16, $0xb8;
	[tilespmem:$0x1E000] =	vst v63  }
0x55: {  	_ =	swait.ge [sflag:s24], $0x4000  }
0x56: {  	[sflag:s24] =	ssyncset.done $0x0  }
0x57: {  	[sflag:s24] =	ssyncadd.s32 $0xFFFFC000  }
0x58: {  	[spmem:s1] =	stream.indirect.scatter.add.f32 [tilespmem:s17], [sflag:$0x5], $0x80, s30, s25, $0xb8;
	[tilespmem:$0x1E000] =	vst v63  }
0x59: {  	_ =	swait.ge [sflag:s13], $0x4000  }
0x5a: {  	[sflag:s13] =	ssyncset.done $0x0  }
0x5b: {  	[sflag:s13] =	ssyncadd.s32 $0xFFFFC000  }
0x5c: {  	s0 =	sadd.s32 $0x1, s0;
	_ =	swait.ge [sflag:s26], $0x4000  }
0x5d: {  	p0 =	sne.s32 s0, $0x5;
	[sflag:s26] =	ssyncset.done $0x0  }
.Ltmp1:
0x5e: {  	[sflag:s26] =	ssyncadd.s32 $0xFFFFC000;
	(pc) =	sbr.rel @p0 .LBB2_2-.Ltmp1, $4  }
0x5f: {  	[spmem:s1] =	stream.indirect.scatter.add.f32 [tilespmem:s21], [sflag:$0x5], $0x80, s31, s25, $0xb8;
	[tilespmem:$0x1E000] =	vst v63  }
0x60: {  	_ =	swait.ge [sflag:s13], $0x4000  }
0x61: {  	[sflag:s13] =	ssyncset.done $0x0  }
0x62: {  	[sflag:s13] =	ssyncadd.s32 $0xFFFFC000  }
0x63: {  	s3 =	sadd.s32 $0x1, s3  }
0x64: {  	[bflag:$0x0] =	sbarrier.arrive $0xFFFF;
	p0 =	sne.s32 s3, s11  }
.Ltmp2:
0x65: {  	s0 =	rddreg [dreg:$0x4];
	(pc) =	sbr.rel @p0 .LBB2_1-.Ltmp2, $4  }
0x66: {  	[hbm:s0], [sflag:s7] =	dma.local [spmem:s12], $0x2800  }
0x67: {  	_ =	swait.ge [sflag:s13], $0x2800  }
0x68: {  	[sflag:s13] =	ssyncset.done $0x0  }
0x69: {  	[sflag:s13] =	ssyncadd.s32 $0xFFFFD800  }
0x6a: {  	_ =	sfence.sel $0x180000  }
0x6b: {  	[bflag:$0x0] =	sbarrier.arrive $0xFFFF  }
0x6c: {  	_ =	strace $0x9000004D  }
0x6d: {  	s0 =	stileid.u32;
	[bflag:$0x2] =	sbarrier.arrive $0xFFFF  }
0x6e: {  	p0 =	sne.s32 s0, $0x0;
	s0 =	rddreg [dreg:$0x2]  }
0x6f: {  	s0 =	sadd.s32 @!p0 $0x100000, s0  }
0x70: {  	[sflag:s0] =	ssyncadd.tile.s32 @!p0 $0x1;
	_ =	shalt  }
.Lfunc_end2:
_tile_overlayer_lowered:
.L_overlay_start_2:
0x71: {  	(tag) =	ssettag $0x2  }
0x72: {  	s0 =	rddreg [dreg:$0x0];
	s2 =	stileid.u32  }
0x73: {  	s1 =	rddreg [dreg:$0x1];
	p0 =	sne.s32 s2, $0x0  }
0x74: {  	s3 =	rddreg [dreg:$0x2];
	[bflag:$0x3] =	sbarrier.arrive $0xFFFF;
	s2 =	simm.s32 @!p0 $0x1C05  }
0x75: {  	[timem:s3], [sflag:s2] =	dma.local @!p0 [hbm:s0], s1  }
0x76: {  	s0 =	simm.s32 @!p0 $0x5  }
0x77: {  	_ =	swait.ge @!p0 [sflag:s0], s1  }
0x78: {  	s1 =	ssub.s32 @!p0 $0x0, s1;
	[sflag:s0] =	ssyncset.done @!p0 $0x0  }
0x79: {  	[sflag:s0] =	ssyncadd.s32 @!p0 s1  }
0x7a: {  	[bflag:$0x3] =	sbarrier.arrive $0xFFFF  }
0x7b: {  	_ =	shalt  }

// kernel: kernel.20.cloned.1.call-start
scs
__scs_entry_jumppad:
0x0: {  	(pc) =	sbr.rel $0x88, $3  }
0x1: {  	(tag) =	ssettag $0x0;
	lr =	simm.s32 $0x1  }
0x2: {  	[smem:$0x3F92] =	sst lr;
	_ =	strace $0xD0000000  }
0x3: {  	_ = 	snop  }
0x4: {  	_ = 	snop  }
0x5: {  	_ = 	snop  }
0x6: {  	_ = 	snop  }
0x7: {  	_ = 	snop  }
__scs_overlays_trampoline_lowered:
0x8: {  	[smem:$0x3FA1] =	sst s0  }
0x9: {  	[smem:$0x3FA2] =	sst s1  }
0xa: {  	[smem:$0x3FA3] =	sst s2  }
0xb: {  	[smem:$0x3FA4] =	sst s3  }
0xc: {  	[smem:$0x3FA5] =	sst s4  }
0xd: {  	[smem:$0x3FA6] =	sst s5  }
0xe: {  	[smem:$0x3FA7] =	sst s6  }
0xf: {  	[smem:$0x3FA8] =	sst s7  }
0x10: {  	[smem:$0x3FA9] =	sst s8  }
0x11: {  	[smem:$0x3FAA] =	sst s9;
	s0 =	simm.s32 @!p0 $0x0  }
0x12: {  	s1 =	sld [smem:$0x3F90];
	s0 =	simm.s32 @p0 $0x1  }
0x13: {  	[smem:$0x3FAB] =	sst s0;
	s0 =	simm.s32 @!p1 $0x0  }
0x14: {  	s2 =	sld [smem:$0x3F8F];
	s0 =	simm.s32 @p1 $0x1  }
0x15: {  	[smem:$0x3FAC] =	sst s0;
	s0 =	simm.s32 @!p2 $0x0  }
0x16: {  	s3 =	sld [smem:$0x3FDB];
	s0 =	simm.s32 @p2 $0x1  }
0x17: {  	s4 =	simm.s32 $0x1BF5;
	[smem:$0x3FAE] =	sst s0  }
0x18: {  	s0 =	sld [smem:$0x3F91];
	_ =	swait.ge [sflag:s4], $0x0  }
0x19: {  	s7 =	sld [smem:$0x3F92]  }
0x1a: {  	s8 =	sadd.s32 $0xFFFFE003, lr  }
0x1b: {  	s9 =	sadd.s32 $0xFFFFFEF7, lr;
	s5 =	simm.s32 $0xFFFFFFFF;
	p2 =	slt.u32 s8, $0xFFFFF086  }
0x1c: {  	p1 =	slt.u32 s9, $0xF7A;
	s5 =	simm.s32 @!p2 $0x0  }
0x1d: {  	s5 =	simm.s32 @p1 $0x1;
	p0 =	seq.s32 s7, s2  }
0x1e: {  	s7 =	smul.u32 @!p0 $0xF7A, s2;
	p2 =	seq.s32 @!p0 s5, $0x0  }
0x1f: {  	s9 =	smul.u32 $0xF7A, s1;
	s8 =	simm.s32 @!p0 $0x1BF5;
	p2 =	por !p2, p0  }
0x20: {  	[sflag:s8] =	ssyncset.s32 @!p0 $0xFFFFF086;
	s6 =	sadd.s32 @!p0 s3, s7;
	s7 =	simm.s32 @!p0 $0x108  }
0x21: {  	s3 =	sadd.s32 s3, s9;
	s6 =	sadd.s32 @!p0 $0x88, s6;
	s7 =	simm.s32 @p2 $0x1082  }
0x22: {  	[simem:s7], [sflag:s8] =	dma.local @!p0 [hbm:s6], $0xF7A  }
0x23: {  	s9 =	sor.u32 $0xD0000000, s2;
	s6 =	simm.s32 $0x108;
	_ =	swait.ge @!p0 [sflag:s8], $0x0  }
0x24: {  	s3 =	sadd.s32 $0x88, s3;
	s6 =	simm.s32 @!p1 $0x1082;
	[sflag:s4] =	ssyncset.s32 $0xFFFFF086  }
0x25: {  	[simem:s6], [sflag:s4] =	dma.local [hbm:s3], $0xF7A  }
0x26: {  	[smem:$0x3F92] =	sst s1;
	(tag) =	ssettag s2;
	_ =	strace s9  }
0x27: {  	s1 =	sld [smem:$0x3FA2]  }
0x28: {  	s2 =	sld [smem:$0x3FA3]  }
0x29: {  	s4 =	sld [smem:$0x3FA5]  }
0x2a: {  	p0 =	seq.s32 s5, $0x0;
	s5 =	sld [smem:$0x3FA6]  }
0x2b: {  	s6 =	sld [smem:$0x3FA7]  }
0x2c: {  	s7 =	sld [smem:$0x3FA8]  }
0x2d: {  	s3 =	simm.s32 $0x108;
	s8 =	sld [smem:$0x3FA9]  }
0x2e: {  	s3 =	simm.s32 @!p0 $0x1082;
	s9 =	sld [smem:$0x3FAA]  }
0x2f: {  	lr =	sadd.s32 s0, s3;
	s0 =	sld [smem:$0x3FA1]  }
0x30: {  	s3 =	sld [smem:$0x3FA4]  }
0x31: {  	[smem:$0x3FAD] =	sst s10  }
0x32: {  	s10 =	sld [smem:$0x3FAB];
	_ =	sdelay $0x3  }
0x33: {  	p0 =	seq.s32 s10, $0x1;
	s10 =	sld [smem:$0x3FAD];
	_ =	sdelay $0x3  }
0x34: {  	[smem:$0x3FAD] =	sst s10  }
0x35: {  	s10 =	sld [smem:$0x3FAC];
	_ =	sdelay $0x3  }
0x36: {  	p1 =	seq.s32 s10, $0x1;
	s10 =	sld [smem:$0x3FAD];
	_ =	sdelay $0x3  }
0x37: {  	[smem:$0x3FAD] =	sst s10  }
0x38: {  	s10 =	sld [smem:$0x3FAE]  }
0x39: {  	_ = 	snop;
	(pc) =	sbr.ind lr, $3  }
0x3a: {  	_ = 	snop  }
0x3b: {  	_ = 	snop  }
0x3c: {  	p2 =	seq.s32 s10, $0x1;
	s10 =	sld [smem:$0x3FAD]  }
0x3d: {  	_ =	shalt  }
0x3e: {  	_ =	shalt  }
0x3f: {  	_ =	shalt  }
0x40: {  	_ =	shalt  }
0x41: {  	_ =	shalt  }
0x42: {  	_ =	shalt  }
0x43: {  	_ =	shalt  }
0x44: {  	_ =	shalt  }
0x45: {  	_ =	shalt  }
0x46: {  	_ =	shalt  }
0x47: {  	_ =	shalt  }
0x48: {  	_ =	shalt  }
0x49: {  	_ =	shalt  }
0x4a: {  	_ =	shalt  }
0x4b: {  	_ =	shalt  }
0x4c: {  	_ =	shalt  }
0x4d: {  	_ =	shalt  }
0x4e: {  	_ =	shalt  }
0x4f: {  	_ =	shalt  }
0x50: {  	_ =	shalt  }
0x51: {  	_ =	shalt  }
0x52: {  	_ =	shalt  }
0x53: {  	_ =	shalt  }
0x54: {  	_ =	shalt  }
0x55: {  	_ =	shalt  }
0x56: {  	_ =	shalt  }
0x57: {  	_ =	shalt  }
0x58: {  	_ =	shalt  }
0x59: {  	_ =	shalt  }
0x5a: {  	_ =	shalt  }
0x5b: {  	_ =	shalt  }
0x5c: {  	_ =	shalt  }
0x5d: {  	_ =	shalt  }
0x5e: {  	_ =	shalt  }
0x5f: {  	_ =	shalt  }
0x60: {  	_ =	shalt  }
0x61: {  	_ =	shalt  }
0x62: {  	_ =	shalt  }
0x63: {  	_ =	shalt  }
0x64: {  	_ =	shalt  }
0x65: {  	_ =	shalt  }
0x66: {  	_ =	shalt  }
0x67: {  	_ =	shalt  }
0x68: {  	_ =	shalt  }
0x69: {  	_ =	shalt  }
0x6a: {  	_ =	shalt  }
0x6b: {  	_ =	shalt  }
0x6c: {  	_ =	shalt  }
0x6d: {  	_ =	shalt  }
0x6e: {  	_ =	shalt  }
0x6f: {  	_ =	shalt  }
0x70: {  	_ =	shalt  }
0x71: {  	_ =	shalt  }
0x72: {  	_ =	shalt  }
0x73: {  	_ =	shalt  }
0x74: {  	_ =	shalt  }
0x75: {  	_ =	shalt  }
0x76: {  	_ =	shalt  }
0x77: {  	_ =	shalt  }
0x78: {  	_ =	shalt  }
0x79: {  	_ =	shalt  }
0x7a: {  	_ =	shalt  }
0x7b: {  	_ =	shalt  }
0x7c: {  	_ =	shalt  }
0x7d: {  	_ =	shalt  }
0x7e: {  	_ =	shalt  }
0x7f: {  	_ =	shalt  }
0x80: {  	_ =	shalt  }
0x81: {  	_ =	shalt  }
0x82: {  	_ =	shalt  }
0x83: {  	_ =	shalt  }
0x84: {  	_ =	shalt  }
0x85: {  	_ =	shalt  }
0x86: {  	_ =	shalt  }
0x87: {  	_ =	shalt  }
.Lfunc_end0:
.L_simem_size_0:
called_computation.3_lowered:
.L_overlay_start_0:
0x88: {  	s2 =	sld [smem:$0x3FD9]  }
0x89: {  	s3 =	sld [smem:$0x3FFE];
	_ =	sdelay $0x1  }
0x8a: {  	s1 =	srdreg.scid  }
0x8b: {  	s0 =	sand.u32 $0x1, s1  }
0x8c: {  	s16 =	sshll.u32 s0, $0xA;
	s2 =	sadd.s32 s3, s2  }
0x8d: {  	s2 =	sadd.s32 s2, s16  }
0x8e: {  	[smem:$0x3FB9] =	sst s2  }
0x8f: {  	_ = 	snop  }
0x90: {  	(tm) =	ssettm $0x1  }
0x91: {  	s17 =	sld [smem:$0x3FFB];
	_ =	sdelay $0x3  }
0x92: {  	_ =	strace s17  }
0x93: {  	s2 =	sld [smem:$0x3FFC];
	_ =	sdelay $0x3  }
0x94: {  	_ =	strace s2  }
0x95: {  	s2 =	sld [smem:$0x3FFD];
	_ =	sdelay $0x3  }
0x96: {  	_ =	strace s2  }
0x97: {  	_ =	strace $0x8FFFFFFF  }
0x98: {  	s18 =	sld [smem:$0x3FDB];
	_ =	sdelay $0x1  }
0x99: {  	s19 =	simm.s32 $_scs_section_size  }
0x9a: {  	s4 =	simm.s32 $_size__tile_overlayer_lowered;
	s5 =	simm.s32 $_tile_overlayer_lowered  }
0x9b: {  	s22 =	simm.s32 $0x1BFF;
	s21 =	sshll.u32 s5, $0x1;
	s2 =	sadd.s32 s19, s18  }
0x9c: {  	s6 =	simm.s32 $0x0;
	s20 =	sshll.u32 s4, $0x1;
	s4 =	sadd.s32 s21, s2  }
0x9d: {  	[timem:s6], [sflag:s22] =	dma.local [hbm:s4], s20  }
0x9e: {  	_ =	swait.ge [sflag:s22], s20  }
0x9f: {  	s3 =	ssub.s32 $0x0, s20;
	[sflag:s22] =	ssyncset.done $0x0  }
0xa0: {  	[sflag:s22] =	ssyncadd.s32 s3;
	_ =	sdelay $0x1  }
0xa1: {  	s23 =	simm.s32 $0x1B8B  }
0xa2: {  	_ =	swait.ge [sflag:s23], $0x1  }
0xa3: {  	[sflag:s23] =	ssyncset.done $0x0  }
0xa4: {  	s25 =	simm.s32 $0x1B8E;
	s24 =	sld [smem:$0x3FFE];
	[sflag:s23] =	ssyncadd.s32 $0xFFFFFFFF  }
0xa5: {  	s26 =	simm.s32 $execute0_lowered;
	[smem:$0x3FD2] =	sst s25  }
0xa6: {  	s4 =	sshll.u32 s26, $0x1;
	_ =	strace $0x8000004F;
	[dreg:$0x1] =	wrdreg $0xFFFFFFFF  }
0xa7: {  	s28 =	simm.s32 $_size_execute0_lowered;
	s2 =	sadd.s32 s2, s4;
	[dreg:$0x0] =	wrdreg $0x0  }
0xa8: {  	s4 =	sshll.u32 s28, $0x1;
	[dreg:$0x2] =	wrdreg s2  }
0xa9: {  	[dreg:$0x3] =	wrdreg s4  }
0xaa: {  	[dreg:$0x4] =	wrdreg $0xC0  }
0xab: {  	_ =	task [dreg:s6], $0x5FFFF  }
0xac: {  	[dreg:$0x1] =	wrdreg $0xFFFFFFFF  }
0xad: {  	[dreg:$0x0] =	wrdreg $0x60  }
0xae: {  	[dreg:$0x2] =	wrdreg s24  }
0xaf: {  	[dreg:$0x3] =	wrdreg $0x0  }
0xb0: {  	[dreg:$0x4] =	wrdreg $0x9  }
0xb1: {  	_ =	task.clear_ibuf [dreg:s6], $0x5FFFF;
	_ =	strace $0x9000004F  }
0xb2: {  	s29 =	simm.s32 $0x9;
	_ =	strace $0x80000051  }
0xb3: {  	_ =	swait.ge [sflag:s29], $0x1  }
0xb4: {  	[sflag:s29] =	ssyncadd.s32 $0xFFFFFFFF  }
0xb5: {  	_ =	strace $0x90000051  }
0xb6: {  	_ =	sfence  }
0xb7: {  	s30 =	sld [smem:$0x0];
	_ =	sdelay $0x2  }
0xb8: {  	s31 =	sshll.u32 s1, $0xD;
	s1 =	sshrl.u32 s1, $0x2  }
0xb9: {  	s3 =	sand.u32 $0x4000, s31;
	s1 =	sadd.s32 s1, s30  }
0xba: {  	s0 =	sor.u32 s3, s0;
	s1 =	sshll.u32 s1, $0x11  }
0xbb: {  	s0 =	sor.u32 s1, s0  }
0xbc: {  	s0 =	sadd.s32 $0x8F2B, s0  }
0xbd: {  	[sflag:s0] =	ssyncadd.remote.s32 $0x1  }
0xbe: {  	_ =	sfence.sel $0xFFFF  }
0xbf: {  	[dreg:$0x0] =	wrdreg $0xFFFFFFFF;
	(pc) =	sbr.abs _section_cstart, $3  }
0xc0: {  	[dreg:$0x1] =	wrdreg $0xFFFFFFFF  }
0xc1: {  	_ =	task.clear_ibuf [dreg:s6], $0x2FFFF;
	_ =	strace $0x9FFFFFFF  }
0xc2: {  	(tm) =	ssettm $0x7FFFFFFF  }
0xc3: {  	_ =	shalt  }
tec
execute0_lowered:
.L_overlay_start_1:
0x0: {  	(tag) =	ssettag $0x1  }
0x1: {  	s0 =	rddreg [dreg:$0x0]  }
0x2: {  	s1 =	rddreg [dreg:$0x1]  }
0x3: {  	s2 =	srdreg.scid;
	s3 =	simm.s32 $0x0;
	s11 =	stileid.u32  }
0x4: {  	s13 =	simm.s32 $0x5;
	s14 =	simm.s32 $0x14000;
	s15 =	simm.s32 $0x15000  }
0x5: {  	s16 =	simm.s32 $0x40;
	s17 =	simm.s32 $0x16000;
	s18 =	simm.s32 $0x14040  }
0x6: {  	s19 =	simm.s32 $0x18000;
	s20 =	simm.s32 $0x14080;
	s21 =	simm.s32 $0x1A000  }
0x7: {  	s22 =	simm.s32 $0x140C0;
	s28 =	simm.s32 $0x3;
	s29 =	simm.s32 $0x4  }
0x8: {  	s30 =	simm.s32 $0x15F00;
	s31 =	simm.s32 $0x15F80;
	s6 =	smul.u32 $0x14000, s11  }
0x9: {  	s2 =	sand.u32 $0x1, s2;
	[smem:$0x7FF] =	sst s3;
	s23 =	smul.u32 $0x50000, s11  }
0xa: {  	s5 =	sadd.s32 $0x4400, s0;
	s26 =	sshll.u32 s11, $0x6;
	s4 =	smul.u32 $0x28000, s2  }
0xb: {  	_ =	strace $0x80000050;
	s7 =	smul.u32 $0x140000, s2;
	s2 =	ssub.s32 $0x2, s2  }
0xc: {  	s8 =	sshrl.u32 s6, $0x3;
	s10 =	sshrl.u32 s2, $0x1;
	s24 =	sshrl.u32 s23, $0x2  }
0xd: {  	s23 =	simm.s32 $0x1C000;
	s9 =	sadd.s32 s4, s0;
	s4 =	sadd.s32 $0xE400, s0  }
0xe: {  	s6 =	sadd.s32 s6, s7;
	s8 =	sadd.s32 s8, s0;
	s2 =	ssub.s32 s2, s10  }
0xf: {  	s7 =	sor.u32 $0x1C05, s26;
	s26 =	simm.s32 $0x2;
	s6 =	sshrl.u32 s6, $0x3  }
0x10: {  	s25 =	sadd.s32 $0xB8E00, s8;
	s8 =	smul.u32 $0x5000, s11;
	s9 =	sadd.s32 $0x68400, s9  }
0x11: {  	s11 =	smax.u32 s2, $0x1;
	s0 =	sadd.s32 s6, s0;
	s6 =	sadd.s32 s24, s1  }
0x12: {  	[dreg:$0x3] =	wrdreg s25;
	s24 =	simm.s32 $0x1;
	s0 =	sadd.s32 $0xE0E00, s0  }
0x13: {  	s25 =	simm.s32 $0x80;
	s12 =	sshrl.u32 s6, $0x3;
	[dreg:$0x4] =	wrdreg s0  }
.LBB2_1:
0x14: {  	s0 =	rddreg [dreg:$0x3]  }
0x15: {  	[spmem:s12], [sflag:s7] =	dma.local [hbm:s0], $0x2800  }
0x16: {  	_ =	swait.ge [sflag:s13], $0x2800  }
0x17: {  	[sflag:s13] =	ssyncset.done $0x0  }
0x18: {  	[sflag:s13] =	ssyncadd.s32 $0xFFFFD800  }
0x19: {  	s0 =	simm.s32 $0x0;
	[bflag:$0x0] =	sbarrier.arrive $0xFFFF  }
.LBB2_2:
0x1a: {  	s2 =	sshll.u32 s0, $0xC  }
0x1b: {  	s2 =	sadd.s32 s8, s2  }
0x1c: {  	s2 =	sshrl.u32 s2, $0x3  }
0x1d: {  	s10 =	simm.s32 $0x0;
	s6 =	sadd.s32 s4, s2  }
0x1e: {  	[tilespmem:s14], [sflag:$0x5] =	stream.linear.gather [hbm4b:s6+s10], $0x1000, $0x38;
	[tilespmem:$0x1E000] =	vst v63  }
0x1f: {  	_ =	swait.ge [sflag:s13], $0x1000  }
0x20: {  	[sflag:s13] =	ssyncset.done $0x0  }
0x21: {  	s2 =	sadd.s32 s5, s2;
	[sflag:s13] =	ssyncadd.s32 $0xFFFFF000  }
0x22: {  	[tilespmem:s15], [sflag:$0x5] =	stream.linear.gather [hbm4b:s2+s10], $0x1000, $0x38;
	[tilespmem:$0x1E000] =	vst v63  }
0x23: {  	_ =	swait.ge [sflag:s13], $0x1000  }
0x24: {  	[sflag:s13] =	ssyncset.done $0x0  }
0x25: {  	[sflag:s13] =	ssyncadd.s32 $0xFFFFF000  }
0x26: {  	[tilespmem:s17], [sflag:$0x1] =	stream.indirect.gather [hbm4b:s9+s16], $0x80, s14, s16, $0xb8;
	[tilespmem:$0x1E000] =	vst v63  }
0x27: {  	_ = 	snop  }
0x28: {  	[tilespmem:s19], [sflag:$0x1] =	stream.indirect.gather [hbm4b:s9+s16], $0x80, s18, s16, $0xb8;
	[tilespmem:$0x1E000] =	vst v63  }
0x29: {  	_ = 	snop  }
0x2a: {  	[tilespmem:s21], [sflag:$0x2] =	stream.indirect.gather [hbm4b:s9+s16], $0x80, s20, s16, $0xb8;
	[tilespmem:$0x1E000] =	vst v63  }
0x2b: {  	_ = 	snop  }
0x2c: {  	[tilespmem:s23], [sflag:$0x2] =	stream.indirect.gather [hbm4b:s9+s16], $0x80, s22, s16, $0xb8;
	[tilespmem:$0x1E000] =	vst v63  }
0x2d: {  	_ =	swait.ge [sflag:s24], $0x4000  }
0x2e: {  	[sflag:s24] =	ssyncset.done $0x0  }
0x2f: {  	s10 =	simm.s32 $0x15000;
	[sflag:s24] =	ssyncadd.s32 $0xFFFFC000  }
0x30: {  	[spmem:s1] =	stream.indirect.scatter.add.f32 [tilespmem:s17], [sflag:$0x3], $0x80, s10, s25, $0xb8;
	[tilespmem:$0x1E000] =	vst v63  }
0x31: {  	_ =	swait.ge [sflag:s26], $0x4000  }
0x32: {  	[sflag:s26] =	ssyncset.done $0x0  }
0x33: {  	s6 =	simm.s32 $0x15080;
	[sflag:s26] =	ssyncadd.s32 $0xFFFFC000  }
0x34: {  	[spmem:s1] =	stream.indirect.scatter.add.f32 [tilespmem:s21], [sflag:$0x4], $0x80, s6, s25, $0xb8;
	[tilespmem:$0x1E000] =	vst v63  }
0x35: {  	_ =	swait.ge [sflag:s28], $0x4000  }
0x36: {  	[sflag:s28] =	ssyncset.done $0x0  }
0x37: {  	s10 =	simm.s32 $0x14100;
	[sflag:s28] =	ssyncadd.s32 $0xFFFFC000  }
0x38: {  	[tilespmem:s17], [sflag:$0x1] =	stream.indirect.gather [hbm4b:s9+s16], $0x80, s10, s16, $0xb8;
	[tilespmem:$0x1E000] =	vst v63  }
0x39: {  	s6 =	simm.s32 $0x14140  }
0x3a: {  	[tilespmem:s19], [sflag:$0x1] =	stream.indirect.gather [hbm4b:s9+s16], $0x80, s6, s16, $0xb8;
	[tilespmem:$0x1E000] =	vst v63  }
0x3b: {  	_ =	swait.ge [sflag:s29], $0x4000  }
0x3c: {  	s2 =	simm.s32 $0x400;
	[sflag:s29] =	ssyncset.done $0x0  }
0x3d: {  	s10 =	simm.s32 $0x14180;
	s6 =	simm.s32 $0x141C0;
	[sflag:s29] =	ssyncadd.s32 $0xFFFFC000  }
0x3e: {  	[tilespmem:s21], [sflag:$0x2] =	stream.indirect.gather [hbm4b:s9+s16], $0x80, s10, s16, $0xb8;
	[tilespmem:$0x1E000] =	vst v63  }
.LBB2_3:
0x3f: {  	[tilespmem:s23], [sflag:$0x2] =	stream.indirect.gather [hbm4b:s9+s16], $0x80, s6, s16, $0xb8;
	[tilespmem:$0x1E000] =	vst v63  }
0x40: {  	s6 =	smov.u32 s2  }
0x41: {  	p0 =	sne.s32 s2, $0x3800;
	s2 =	sadd.s32 $0x400, s2;
	_ =	swait.ge [sflag:s24], $0x4000  }
0x42: {  	s6 =	sshra.s32 s6, $0x2;
	[sflag:s24] =	ssyncset.done $0x0  }
0x43: {  	s10 =	sadd.s32 $0x15000, s6;
	[sflag:s24] =	ssyncadd.s32 $0xFFFFC000  }
0x44: {  	[spmem:s1] =	stream.indirect.scatter.add.f32 [tilespmem:s17], [sflag:$0x3], $0x80, s10, s25, $0xb8;
	[tilespmem:$0x1E000] =	vst v63  }
0x45: {  	_ =	swait.ge [sflag:s26], $0x4000  }
0x46: {  	[sflag:s26] =	ssyncset.done $0x0  }
0x47: {  	s10 =	sadd.s32 $0x15080, s6;
	[sflag:s26] =	ssyncadd.s32 $0xFFFFC000  }
0x48: {  	[spmem:s1] =	stream.indirect.scatter.add.f32 [tilespmem:s21], [sflag:$0x4], $0x80, s10, s25, $0xb8;
	[tilespmem:$0x1E000] =	vst v63  }
0x49: {  	_ =	swait.ge [sflag:s28], $0x4000  }
0x4a: {  	[sflag:s28] =	ssyncset.done $0x0  }
0x4b: {  	s10 =	sadd.s32 $0x14100, s6;
	[sflag:s28] =	ssyncadd.s32 $0xFFFFC000  }
0x4c: {  	[tilespmem:s17], [sflag:$0x1] =	stream.indirect.gather [hbm4b:s9+s16], $0x80, s10, s16, $0xb8;
	[tilespmem:$0x1E000] =	vst v63  }
0x4d: {  	s10 =	sadd.s32 $0x14140, s6  }
0x4e: {  	[tilespmem:s19], [sflag:$0x1] =	stream.indirect.gather [hbm4b:s9+s16], $0x80, s10, s16, $0xb8;
	[tilespmem:$0x1E000] =	vst v63  }
.Ltmp0:
0x4f: {  	_ =	swait.ge [sflag:s29], $0x4000;
	(pc) =	sbr.rel @p0 .LBB2_3-.Ltmp0, $4  }
0x50: {  	[sflag:s29] =	ssyncset.done $0x0  }
0x51: {  	s10 =	sadd.s32 $0x14180, s6;
	[sflag:s29] =	ssyncadd.s32 $0xFFFFC000  }
0x52: {  	[tilespmem:s21], [sflag:$0x2] =	stream.indirect.gather [hbm4b:s9+s16], $0x80, s10, s16, $0xb8;
	[tilespmem:$0x1E000] =	vst v63  }
0x53: {  	s6 =	sadd.s32 $0x141C0, s6  }
0x54: {  	[tilespmem:s23], [sflag:$0x2] =	stream.indirect.gather [hbm4b:s9+s16], $0x80, s6, s16, $0xb8;
	[tilespmem:$0x1E000] =	vst v63  }
0x55: {  	_ =	swait.ge [sflag:s24], $0x4000  }
0x56: {  	[sflag:s24] =	ssyncset.done $0x0  }
0x57: {  	[sflag:s24] =	ssyncadd.s32 $0xFFFFC000  }
0x58: {  	[spmem:s1] =	stream.indirect.scatter.add.f32 [tilespmem:s17], [sflag:$0x5], $0x80, s30, s25, $0xb8;
	[tilespmem:$0x1E000] =	vst v63  }
0x59: {  	_ =	swait.ge [sflag:s13], $0x4000  }
0x5a: {  	[sflag:s13] =	ssyncset.done $0x0  }
0x5b: {  	[sflag:s13] =	ssyncadd.s32 $0xFFFFC000  }
0x5c: {  	s0 =	sadd.s32 $0x1, s0;
	_ =	swait.ge [sflag:s26], $0x4000  }
0x5d: {  	p0 =	sne.s32 s0, $0x5;
	[sflag:s26] =	ssyncset.done $0x0  }
.Ltmp1:
0x5e: {  	[sflag:s26] =	ssyncadd.s32 $0xFFFFC000;
	(pc) =	sbr.rel @p0 .LBB2_2-.Ltmp1, $4  }
0x5f: {  	[spmem:s1] =	stream.indirect.scatter.add.f32 [tilespmem:s21], [sflag:$0x5], $0x80, s31, s25, $0xb8;
	[tilespmem:$0x1E000] =	vst v63  }
0x60: {  	_ =	swait.ge [sflag:s13], $0x4000  }
0x61: {  	[sflag:s13] =	ssyncset.done $0x0  }
0x62: {  	[sflag:s13] =	ssyncadd.s32 $0xFFFFC000  }
0x63: {  	s3 =	sadd.s32 $0x1, s3  }
0x64: {  	[bflag:$0x0] =	sbarrier.arrive $0xFFFF;
	p0 =	sne.s32 s3, s11  }
.Ltmp2:
0x65: {  	s0 =	rddreg [dreg:$0x4];
	(pc) =	sbr.rel @p0 .LBB2_1-.Ltmp2, $4  }
0x66: {  	[hbm:s0], [sflag:s7] =	dma.local [spmem:s12], $0x2800  }
0x67: {  	_ =	swait.ge [sflag:s13], $0x2800  }
0x68: {  	[sflag:s13] =	ssyncset.done $0x0  }
0x69: {  	[sflag:s13] =	ssyncadd.s32 $0xFFFFD800  }
0x6a: {  	_ =	sfence.sel $0x180000  }
0x6b: {  	[bflag:$0x0] =	sbarrier.arrive $0xFFFF  }
0x6c: {  	_ =	strace $0x90000050  }
0x6d: {  	s0 =	stileid.u32;
	[bflag:$0x2] =	sbarrier.arrive $0xFFFF  }
0x6e: {  	p0 =	sne.s32 s0, $0x0;
	s0 =	rddreg [dreg:$0x2]  }
0x6f: {  	s0 =	sadd.s32 @!p0 $0x100000, s0  }
0x70: {  	[sflag:s0] =	ssyncadd.tile.s32 @!p0 $0x1;
	_ =	shalt  }
.Lfunc_end2:
_tile_overlayer_lowered:
.L_overlay_start_2:
0x71: {  	(tag) =	ssettag $0x2  }
0x72: {  	s0 =	rddreg [dreg:$0x0];
	s2 =	stileid.u32  }
0x73: {  	s1 =	rddreg [dreg:$0x1];
	p0 =	sne.s32 s2, $0x0  }
0x74: {  	s3 =	rddreg [dreg:$0x2];
	[bflag:$0x3] =	sbarrier.arrive $0xFFFF;
	s2 =	simm.s32 @!p0 $0x1C05  }
0x75: {  	[timem:s3], [sflag:s2] =	dma.local @!p0 [hbm:s0], s1  }
0x76: {  	s0 =	simm.s32 @!p0 $0x5  }
0x77: {  	_ =	swait.ge @!p0 [sflag:s0], s1  }
0x78: {  	s1 =	ssub.s32 @!p0 $0x0, s1;
	[sflag:s0] =	ssyncset.done @!p0 $0x0  }
0x79: {  	[sflag:s0] =	ssyncadd.s32 @!p0 s1  }
0x7a: {  	[bflag:$0x3] =	sbarrier.arrive $0xFFFF  }
0x7b: {  	_ =	shalt  }

</sc_bundles>
